<compile_context>
chip_gen: v7x
topology: tpu7x:2x2x1
jax: 0.10.2.dev20260603
libtpu: 0.0.44.dev20260713+nightly
codegen_flags: <defaults>
</compile_context>

<pallas_src>
import functools

import jax
import jax.numpy as jnp
from jax import lax
from jax.experimental import pallas as pl
from jax.experimental.pallas import tpu as pltpu
from jax.experimental.pallas import tpu_sc as plsc

N = 10000
E = 320000
F = 128
NC = 2
NSUB = 16
K = 72
SLOTS_A = 5
GA = 2
PD = 3
SLOTS_D = 4
ITERS = 280
EPS = ITERS * K
EP = EPS * NSUB
NA = N + 8
RB = 1000

_MESH = plsc.VectorSubcoreMesh(core_axis_name="c", subcore_axis_name="s")


@functools.partial(
    pl.kernel,
    out_type=jax.ShapeDtypeStruct((NC, 2, N, F), jnp.float32),
    mesh=_MESH,
    scratch_types=(
        [pltpu.VMEM_SHARED((NA, F), jnp.float32),
         pltpu.VMEM((K, F), jnp.float32)]
        + [pltpu.VMEM((K,), jnp.int32) for _ in range(SLOTS_D)]
        + [pltpu.SemaphoreType.DMA for _ in range(2 * SLOTS_D)]
    ),
)
def _sc_degrees(idxs, ones_hbm, zeros_hbm, out, accum_sh, ones_v, *scr):
    didx = scr[0:SLOTS_D]
    isem = scr[SLOTS_D:2 * SLOTS_D]
    ssem = scr[2 * SLOTS_D:3 * SLOTS_D]
    c = lax.axis_index("c")
    s = lax.axis_index("s")
    z = N // 10
    pltpu.sync_copy(ones_hbm, ones_v)

    for p in range(2):
        @pl.when(s < 10)
        def _zero(p=p):
            pltpu.sync_copy(zeros_hbm.at[pl.ds(s * z, z)],
                            accum_sh.at[pl.ds(s * z, z)])

        plsc.subcore_barrier()
        ebase = (2 * c + p) * EP + s * EPS

        def istart(m, u):
            pltpu.async_copy(idxs.at[pl.ds(ebase + m * K, K)], didx[u],
                             isem[u])

        def iwait(m, u):
            pltpu.make_async_copy(idxs.at[pl.ds(ebase + m * K, K)], didx[u],
                                  isem[u]).wait()

        def sstart(u):
            pltpu.async_copy(ones_v, accum_sh.at[didx[u]], ssem[u], add=True)

        def swait(u):
            pltpu.make_async_copy(ones_v, accum_sh.at[didx[u]], ssem[u]).wait()

        istart(0, 0)
        istart(1, 1)

        def body(o, carry):
            for u in range(SLOTS_D):
                m = SLOTS_D * o + u
                iwait(m, u)
                if u < 2:
                    @pl.when(o > 0)
                    def _(u=u):
                        swait((u - 2) % SLOTS_D)
                else:
                    swait((u - 2) % SLOTS_D)
                sstart(u)
                if u < 2:
                    istart(m + 2, (u + 2) % SLOTS_D)
                else:
                    @pl.when(o < ITERS // SLOTS_D - 1)
                    def _(m=m, u=u):
                        istart(m + 2, (u + 2) % SLOTS_D)
            return carry

        lax.fori_loop(0, ITERS // SLOTS_D, body, 0)
        swait((ITERS - 2) % SLOTS_D)
        swait((ITERS - 1) % SLOTS_D)
        plsc.subcore_barrier()

        @pl.when(s < 10)
        def _writeout(p=p):
            pltpu.sync_copy(accum_sh.at[pl.ds(s * z, z)],
                            out.at[c, p, pl.ds(s * z, z)])

        plsc.subcore_barrier()


@functools.partial(
    pl.kernel,
    out_type=jax.ShapeDtypeStruct((NC, N, F), jnp.float32),
    mesh=_MESH,
    scratch_types=(
        [pltpu.VMEM_SHARED((NA, F), jnp.float32)]
        + [pltpu.VMEM((K,), jnp.int32) for _ in range(2 * SLOTS_A)]
        + [pltpu.VMEM((K, F), jnp.float32) for _ in range(SLOTS_A)]
        + [pltpu.SemaphoreType.DMA for _ in range(3 * SLOTS_A)]
    ),
)
def _sc_agg(tables, srcs, dsts, zeros_hbm, out, accum_sh, *scr):
    sidx = scr[0:SLOTS_A]
    didx = scr[SLOTS_A:2 * SLOTS_A]
    rows = scr[2 * SLOTS_A:3 * SLOTS_A]
    isem = scr[3 * SLOTS_A:4 * SLOTS_A]
    gsem = scr[4 * SLOTS_A:5 * SLOTS_A]
    ssem = scr[5 * SLOTS_A:6 * SLOTS_A]

    c = lax.axis_index("c")
    s = lax.axis_index("s")
    z = N // 10

    @pl.when(s < 10)
    def _zero():
        pltpu.sync_copy(zeros_hbm.at[pl.ds(s * z, z)],
                        accum_sh.at[pl.ds(s * z, z)])

    plsc.subcore_barrier()
    ebase = c * EP + s * EPS

    def istart(m, u):
        pltpu.async_copy(srcs.at[pl.ds(ebase + m * K, K)], sidx[u], isem[u])
        pltpu.async_copy(dsts.at[pl.ds(ebase + m * K, K)], didx[u], isem[u])

    def iwait(m, u):
        pltpu.make_async_copy(srcs.at[pl.ds(ebase + m * K, K)], sidx[u],
                              isem[u]).wait()
        pltpu.make_async_copy(dsts.at[pl.ds(ebase + m * K, K)], didx[u],
                              isem[u]).wait()

    def gstart(u):
        pltpu.async_copy(tables.at[sidx[u]], rows[u], gsem[u])

    def gwait(u):
        pltpu.make_async_copy(tables.at[sidx[u]], rows[u], gsem[u]).wait()

    def sstart(u):
        pltpu.async_copy(rows[u], accum_sh.at[didx[u]], ssem[u], add=True)

    def swait(u):
        pltpu.make_async_copy(rows[u], accum_sh.at[didx[u]], ssem[u]).wait()

    for u in range(PD):
        istart(u, u)
    for u in range(GA):
        iwait(u, u)
        gstart(u)

    def body(o, carry):
        for u in range(SLOTS_A):
            m = SLOTS_A * o + u
            gwait(u)
            sstart(u)
            if u < 2:
                @pl.when(o > 0)
                def _(u=u):
                    swait((u - 2) % SLOTS_A)
            else:
                swait((u - 2) % SLOTS_A)
            if u + PD < SLOTS_A:
                istart(m + PD, (u + PD) % SLOTS_A)
            else:
                @pl.when(o < ITERS // SLOTS_A - 1)
                def _(m=m, u=u):
                    istart(m + PD, (u + PD) % SLOTS_A)
            if u + GA < SLOTS_A:
                iwait(m + GA, (u + GA) % SLOTS_A)
                gstart((u + GA) % SLOTS_A)
            else:
                @pl.when(o < ITERS // SLOTS_A - 1)
                def _(m=m, u=u):
                    iwait(m + GA, (u + GA) % SLOTS_A)
                    gstart((u + GA) % SLOTS_A)
        return carry

    lax.fori_loop(0, ITERS // SLOTS_A, body, 0)
    swait((ITERS - 2) % SLOTS_A)
    swait((ITERS - 1) % SLOTS_A)
    plsc.subcore_barrier()

    @pl.when(s < 10)
    def _writeout():
        pltpu.sync_copy(accum_sh.at[pl.ds(s * z, z)],
                        out.at[c, pl.ds(s * z, z)])


def _rsqrt_deg(deg_blk):
    return lax.rsqrt(jnp.maximum(deg_blk, 1.0))


def _tc_prep_body(xs_ref, xd_ref, deg_ref, out_ref):
    r = _rsqrt_deg(deg_ref[...])
    out_ref[0] = xs_ref[...] * r[:, 0:1]
    out_ref[1] = xd_ref[...] * r[:, 2:3]


def _tc_mid_body(a0_ref, a1_ref, deg_ref, wsd_ref, bsd_ref, wds_ref, bds_ref,
                 out_ref):
    r = _rsqrt_deg(deg_ref[...])
    h_d1 = jax.nn.relu(
        jnp.dot(a0_ref[...] * r[:, 1:2], wsd_ref[...],
                preferred_element_type=jnp.float32) + bsd_ref[...])
    h_s1 = jax.nn.relu(
        jnp.dot(a1_ref[...] * r[:, 3:4], wds_ref[...],
                preferred_element_type=jnp.float32) + bds_ref[...])
    out_ref[0] = h_s1 * r[:, 0:1]
    out_ref[1] = h_d1 * r[:, 2:3]


def _tc_final_body(a0_ref, a1_ref, deg_ref, wsd_ref, bsd_ref, wds_ref, bds_ref,
                   hs_ref, hd_ref):
    r = _rsqrt_deg(deg_ref[...])
    hd_ref[...] = jax.nn.relu(
        jnp.dot(a0_ref[...] * r[:, 1:2], wsd_ref[...],
                preferred_element_type=jnp.float32) + bsd_ref[...])
    hs_ref[...] = jax.nn.relu(
        jnp.dot(a1_ref[...] * r[:, 3:4], wds_ref[...],
                preferred_element_type=jnp.float32) + bds_ref[...])


_ROW = lambda i: (i, 0)
_FIX = lambda i: (0, 0)


def _tc_prep(x_s, x_d, degT):
    return pl.pallas_call(
        _tc_prep_body,
        grid=(N // RB,),
        in_specs=[
            pl.BlockSpec((RB, F), _ROW),
            pl.BlockSpec((RB, F), _ROW),
            pl.BlockSpec((RB, 4), _ROW),
        ],
        out_specs=pl.BlockSpec((2, RB, F), lambda i: (0, i, 0)),
        out_shape=jax.ShapeDtypeStruct((2, N, F), jnp.float32),
    )(x_s, x_d, degT)


def _tc_mid(a0, a1, degT, wsd, bsd, wds, bds):
    return pl.pallas_call(
        _tc_mid_body,
        grid=(N // RB,),
        in_specs=[
            pl.BlockSpec((RB, F), _ROW),
            pl.BlockSpec((RB, F), _ROW),
            pl.BlockSpec((RB, 4), _ROW),
            pl.BlockSpec((F, F), _FIX),
            pl.BlockSpec((1, F), _FIX),
            pl.BlockSpec((F, F), _FIX),
            pl.BlockSpec((1, F), _FIX),
        ],
        out_specs=pl.BlockSpec((2, RB, F), lambda i: (0, i, 0)),
        out_shape=jax.ShapeDtypeStruct((2, N, F), jnp.float32),
    )(a0, a1, degT, wsd, bsd, wds, bds)


def _tc_final(a0, a1, degT, wsd, bsd, wds, bds):
    return pl.pallas_call(
        _tc_final_body,
        grid=(N // RB,),
        in_specs=[
            pl.BlockSpec((RB, F), _ROW),
            pl.BlockSpec((RB, F), _ROW),
            pl.BlockSpec((RB, 4), _ROW),
            pl.BlockSpec((F, F), _FIX),
            pl.BlockSpec((1, F), _FIX),
            pl.BlockSpec((F, F), _FIX),
            pl.BlockSpec((1, F), _FIX),
        ],
        out_specs=[pl.BlockSpec((RB, F), _ROW), pl.BlockSpec((RB, F), _ROW)],
        out_shape=[
            jax.ShapeDtypeStruct((N, F), jnp.float32),
            jax.ShapeDtypeStruct((N, F), jnp.float32),
        ],
    )(a0, a1, degT, wsd, bsd, wds, bds)


def kernel(x_s, x_d, edge_index_sd, edge_index_ds, W_sd1, b_sd1, W_ds1, b_ds1,
           W_sd2, b_sd2, W_ds2, b_ds2):
    sd_src = edge_index_sd[0].astype(jnp.int32)
    sd_dst = edge_index_sd[1].astype(jnp.int32)
    ds_src = edge_index_ds[0].astype(jnp.int32)
    ds_dst = edge_index_ds[1].astype(jnp.int32)

    pad_z = jnp.zeros((EP - E,), jnp.int32)
    pad_t = jnp.full((EP - E,), N, jnp.int32)
    srcs_g = jnp.concatenate([sd_src, pad_z, ds_src + N, pad_z])
    dsts_g = jnp.concatenate([sd_dst, pad_t, ds_dst, pad_t])
    idxs_deg = jnp.concatenate([sd_src, pad_t, sd_dst, pad_t,
                                ds_src, pad_t, ds_dst, pad_t])

    zeros_f = jnp.zeros((N, F), jnp.float32)
    ones_k = jnp.ones((K, F), jnp.float32)

    hist = _sc_degrees(idxs_deg, ones_k, zeros_f)
    degT = jnp.stack([hist[0, 0, :, 0], hist[0, 1, :, 0],
                      hist[1, 0, :, 0], hist[1, 1, :, 0]], axis=1)

    t1 = _tc_prep(x_s, x_d, degT).reshape(2 * N, F)
    agg1 = _sc_agg(t1, srcs_g, dsts_g, zeros_f)
    t2 = _tc_mid(agg1[0], agg1[1], degT,
                 W_sd1, b_sd1.reshape(1, F), W_ds1, b_ds1.reshape(1, F))
    agg2 = _sc_agg(t2.reshape(2 * N, F), srcs_g, dsts_g, zeros_f)
    h_s2, h_d2 = _tc_final(agg2[0], agg2[1], degT,
                           W_sd2, b_sd2.reshape(1, F), W_ds2, b_ds2.reshape(1, F))
    return (h_s2, h_d2)

# --- scband reference (transcript-rebuilt; emitter-appended) ---
"""Pipeline reference for scband-gcn-90357521973356 (READ-ONLY COPY).

The authoritative reference and input builder live on the scoring server;
editing this copy changes nothing except your own understanding.
"""

import jax, jax.numpy as jnp
import numpy as np

N_S = 10000
N_D = 10000
E = 320000
C_DIM = 128
S_DIM = 128
HID = 128
OUT = 128


def setup_inputs(seed: int = 0) -> dict:
    key = jax.random.key(seed)
    ks = jax.random.split(key, 12)
    inp = {}
    inp["x_s"] = jax.random.normal(ks[0], (N_S, C_DIM), dtype=jnp.float32)
    inp["x_d"] = jax.random.normal(ks[1], (N_D, S_DIM), dtype=jnp.float32)
    inp["edge_index_sd"] = jax.random.randint(ks[2], (2, E), 0, N_S, dtype=jnp.int64) if jax.config.jax_enable_x64 else jax.random.randint(ks[2], (2, E), 0, N_S).astype(jnp.int32)
    inp["edge_index_ds"] = jax.random.randint(ks[3], (2, E), 0, N_D, dtype=jnp.int64) if jax.config.jax_enable_x64 else jax.random.randint(ks[3], (2, E), 0, N_D).astype(jnp.int32)
    # learned parameters (DGL GraphConv: weight [in, out], bias [out])
    inp["W_sd1"] = jax.random.normal(ks[4], (C_DIM, HID), dtype=jnp.float32) / np.sqrt(C_DIM)
    inp["b_sd1"] = jnp.zeros((HID,), dtype=jnp.float32)
    inp["W_ds1"] = jax.random.normal(ks[5], (S_DIM, HID), dtype=jnp.float32) / np.sqrt(S_DIM)
    inp["b_ds1"] = jnp.zeros((HID,), dtype=jnp.float32)
    inp["W_sd2"] = jax.random.normal(ks[6], (HID, OUT), dtype=jnp.float32) / np.sqrt(HID)
    inp["b_sd2"] = jnp.zeros((OUT,), dtype=jnp.float32)
    inp["W_ds2"] = jax.random.normal(ks[7], (HID, OUT), dtype=jnp.float32) / np.sqrt(HID)
    inp["b_ds2"] = jnp.zeros((OUT,), dtype=jnp.float32)
    return inp


def _graph_conv(x_src, e_src, e_dst, n_dst, W, b):
    # DGL GraphConv, norm='both', activation=relu, allow_zero_in_degree=True
    n_src = x_src.shape[0]
    ones = jnp.ones((e_src.shape[0],), dtype=jnp.float32)
    out_deg = jnp.maximum(jax.ops.segment_sum(ones, e_src, num_segments=n_src), 1.0)
    feat = x_src * (out_deg ** -0.5)[:, None]
    # gather over edges (src), scatter-add to dst
    agg = jax.ops.segment_sum(feat[e_src], e_dst, num_segments=n_dst)
    in_deg = jnp.maximum(jax.ops.segment_sum(ones, e_dst, num_segments=n_dst), 1.0)
    rst = agg * (in_deg ** -0.5)[:, None]
    rst = rst @ W + b
    return jax.nn.relu(rst)


def reference(x_s, x_d, edge_index_sd, edge_index_ds, W_sd1, b_sd1, W_ds1, b_ds1, W_sd2, b_sd2, W_ds2, b_ds2):
    sd_src, sd_dst = edge_index_sd[0], edge_index_sd[1]  # S -> D
    ds_src, ds_dst = edge_index_ds[0], edge_index_ds[1]  # D -> S
    # HeteroConv1 (aggregate='sum'; each dst type receives exactly one relation)
    h_d1 = _graph_conv(x_s, sd_src, sd_dst, N_D, W_sd1, b_sd1)
    h_s1 = _graph_conv(x_d, ds_src, ds_dst, N_S, W_ds1, b_ds1)
    # HeteroConv3
    h_d2 = _graph_conv(h_s1, sd_src, sd_dst, N_D, W_sd2, b_sd2)
    h_s2 = _graph_conv(h_d1, ds_src, ds_dst, N_S, W_ds2, b_ds2)
    return (h_s2, h_d2)

if __name__ == "__main__":
    import jax
    _d = setup_inputs()
    print(jax.jit(kernel)(*tuple(_d.values())))

</pallas_src>

<mosaic_0001>
#map = affine_map<(d0, d1) -> (0)>
#map1 = affine_map<(d0, d1) -> (0, 0)>
#map2 = affine_map<(d0, d1) -> (0, 0, 0, 0)>
module attributes {stable_mosaic.version = 14 : i64} {
  func.func @_sc_degrees(%arg0: i32, %arg1: i32, %arg2: memref<1290240xi32, #tpu.memory_space<hbm>>, %arg3: memref<72x128xf32, #tpu.memory_space<hbm>>, %arg4: memref<10000x128xf32, #tpu.memory_space<hbm>>, %arg5: memref<2x2x10000x128xf32, #tpu.memory_space<hbm>>, %arg6: memref<10008x128xf32, #tpu.memory_space<vmem_shared>>, %arg7: memref<72x128xf32, #tpu.memory_space<vmem>>, %arg8: memref<72xi32, #tpu.memory_space<vmem>>, %arg9: memref<72xi32, #tpu.memory_space<vmem>>, %arg10: memref<72xi32, #tpu.memory_space<vmem>>, %arg11: memref<72xi32, #tpu.memory_space<vmem>>, %arg12: memref<!tpu.dma_semaphore, #tpu.memory_space<semaphore_mem>>, %arg13: memref<!tpu.dma_semaphore, #tpu.memory_space<semaphore_mem>>, %arg14: memref<!tpu.dma_semaphore, #tpu.memory_space<semaphore_mem>>, %arg15: memref<!tpu.dma_semaphore, #tpu.memory_space<semaphore_mem>>, %arg16: memref<!tpu.dma_semaphore, #tpu.memory_space<semaphore_mem>>, %arg17: memref<!tpu.dma_semaphore, #tpu.memory_space<semaphore_mem>>, %arg18: memref<!tpu.dma_semaphore, #tpu.memory_space<semaphore_mem>>, %arg19: memref<!tpu.dma_semaphore, #tpu.memory_space<semaphore_mem>>) attributes {dimension_semantics = [#tpu.dimension_semantics<core_parallel>, #tpu.dimension_semantics<subcore_parallel>], iteration_bounds = array<i64: 2, 16>, scalar_prefetch = 0 : i64, scratch_operands = 14 : i64, tpu.core_type = #tpu.core_type<sc_vector_subcore>, window_params = [{transform_indices = #map}, {transform_indices = #map1}, {transform_indices = #map1}, {transform_indices = #map2}]} {
    "tpu.region"() ({
      %run_scoped3A = tpu.sem_alloc : memref<!tpu.dma_semaphore, #tpu.memory_space<semaphore_mem>>
      tpu.enqueue_dma source(%arg3 : memref<72x128xf32, #tpu.memory_space<hbm>>) target(%arg7 : memref<72x128xf32, #tpu.memory_space<vmem>>) target_semaphore(%run_scoped3A : memref<!tpu.dma_semaphore, #tpu.memory_space<semaphore_mem>>)
      tpu.wait_dma2 semaphore(%run_scoped3A : memref<!tpu.dma_semaphore, #tpu.memory_space<semaphore_mem>>) src(%arg3 : memref<72x128xf32, #tpu.memory_space<hbm>>) dst(%arg7 : memref<72x128xf32, #tpu.memory_space<vmem>>)
      tpu.yield
    }) : () -> ()
    %lt3A = arith.constant 10 : i32
    %lt3A_0 = arith.cmpi slt, %arg1, %lt3A : i32
    %convert_element_type3A = arith.extui %lt3A_0 : i1 to i32
    %cond3A = arith.constant 0 : i32
    %cond3A_1 = arith.cmpi ne, %convert_element_type3A, %cond3A : i32
    scf.if %cond3A_1 {
      %mul3A_75 = arith.constant 1000 : i32
      %mul3A_76 = arith.muli %arg1, %mul3A_75 : i32
      %mul3A_77 = arith.constant 1000 : i32
      %mul3A_78 = arith.muli %arg1, %mul3A_77 : i32
      "tpu.region"() ({
        %run_scoped3A = tpu.sem_alloc : memref<!tpu.dma_semaphore, #tpu.memory_space<semaphore_mem>>
        %dma_start3A_79 = arith.constant 0 : i32
        %dma_start3A_80 = tpu.memref_slice %arg6[%mul3A_78, %dma_start3A_79] : memref<10008x128xf32, #tpu.memory_space<vmem_shared>> -> memref<1000x128xf32, #tpu.memory_space<vmem_shared>>
        %dma_start3A_81 = arith.constant 0 : i32
        %dma_start3A_82 = tpu.memref_slice %arg4[%mul3A_76, %dma_start3A_81] : memref<10000x128xf32, #tpu.memory_space<hbm>> -> memref<1000x128xf32, #tpu.memory_space<hbm>>
        tpu.enqueue_dma source(%dma_start3A_82 : memref<1000x128xf32, #tpu.memory_space<hbm>>) target(%dma_start3A_80 : memref<1000x128xf32, #tpu.memory_space<vmem_shared>>) target_semaphore(%run_scoped3A : memref<!tpu.dma_semaphore, #tpu.memory_space<semaphore_mem>>)
        %dma_wait3A_83 = arith.constant 0 : i32
        %dma_wait3A_84 = tpu.memref_slice %arg6[%mul3A_78, %dma_wait3A_83] : memref<10008x128xf32, #tpu.memory_space<vmem_shared>> -> memref<1000x128xf32, #tpu.memory_space<vmem_shared>>
        %dma_wait3A_85 = arith.constant 0 : i32
        %dma_wait3A_86 = tpu.memref_slice %arg4[%mul3A_76, %dma_wait3A_85] : memref<10000x128xf32, #tpu.memory_space<hbm>> -> memref<1000x128xf32, #tpu.memory_space<hbm>>
        tpu.wait_dma2 semaphore(%run_scoped3A : memref<!tpu.dma_semaphore, #tpu.memory_space<semaphore_mem>>) src(%dma_wait3A_86 : memref<1000x128xf32, #tpu.memory_space<hbm>>) dst(%dma_wait3A_84 : memref<1000x128xf32, #tpu.memory_space<vmem_shared>>)
        tpu.yield
      }) : () -> ()
    } else {
    }
    %barrier3A = arith.constant 0 : index
    tpu.barrier barrier_id(%barrier3A)
    %mul3A = arith.constant 2 : i32
    %mul3A_2 = arith.muli %mul3A, %arg0 : i32
    %add3A = arith.constant 0 : i32
    %add3A_3 = arith.addi %mul3A_2, %add3A : i32
    %mul3A_4 = arith.constant 322560 : i32
    %mul3A_5 = arith.muli %add3A_3, %mul3A_4 : i32
    %mul3A_6 = arith.constant 20160 : i32
    %mul3A_7 = arith.muli %arg1, %mul3A_6 : i32
    %add3A_8 = arith.addi %mul3A_5, %mul3A_7 : i32
    %add3A_9 = arith.constant 0 : i32
    %add3A_10 = arith.addi %add3A_8, %add3A_9 : i32
    %dma_start3A = tpu.memref_slice %arg2[%add3A_10] : memref<1290240xi32, #tpu.memory_space<hbm>> -> memref<72xi32, #tpu.memory_space<hbm>>
    %dma_start3A_11 = tpu.memref_slice %arg2[%add3A_10] : memref<1290240xi32, #tpu.memory_space<hbm>> -> memref<72xi32, #tpu.memory_space<hbm>>
    tpu.enqueue_dma source(%dma_start3A_11 : memref<72xi32, #tpu.memory_space<hbm>>) target(%arg8 : memref<72xi32, #tpu.memory_space<vmem>>) target_semaphore(%arg12 : memref<!tpu.dma_semaphore, #tpu.memory_space<semaphore_mem>>)
    %add3A_12 = arith.constant 72 : i32
    %add3A_13 = arith.addi %add3A_8, %add3A_12 : i32
    %dma_start3A_14 = tpu.memref_slice %arg2[%add3A_13] : memref<1290240xi32, #tpu.memory_space<hbm>> -> memref<72xi32, #tpu.memory_space<hbm>>
    %dma_start3A_15 = tpu.memref_slice %arg2[%add3A_13] : memref<1290240xi32, #tpu.memory_space<hbm>> -> memref<72xi32, #tpu.memory_space<hbm>>
    tpu.enqueue_dma source(%dma_start3A_15 : memref<72xi32, #tpu.memory_space<hbm>>) target(%arg9 : memref<72xi32, #tpu.memory_space<vmem>>) target_semaphore(%arg13 : memref<!tpu.dma_semaphore, #tpu.memory_space<semaphore_mem>>)
    %scan3A = arith.constant 0 : i32
    %scan3A_16 = arith.constant 0 : i32
    %scan3A_17 = arith.constant 70 : i32
    %scan3A_18 = arith.addi %scan3A_16, %scan3A_17 : i32
    %scan3A_19 = arith.constant 1 : i32
    scf.for %scan3A_75 = %scan3A_16 to %scan3A_18 step %scan3A_19  : i32 {
      %mul3A_76 = arith.constant 4 : i32
      %mul3A_77 = arith.muli %mul3A_76, %scan3A_75 : i32
      %add3A_78 = arith.constant 0 : i32
      %add3A_79 = arith.addi %mul3A_77, %add3A_78 : i32
      %mul3A_80 = arith.constant 72 : i32
      %mul3A_81 = arith.muli %add3A_79, %mul3A_80 : i32
      %add3A_82 = arith.addi %add3A_8, %mul3A_81 : i32
      %dma_wait3A_83 = tpu.memref_slice %arg2[%add3A_82] : memref<1290240xi32, #tpu.memory_space<hbm>> -> memref<72xi32, #tpu.memory_space<hbm>>
      %dma_wait3A_84 = tpu.memref_slice %arg2[%add3A_82] : memref<1290240xi32, #tpu.memory_space<hbm>> -> memref<72xi32, #tpu.memory_space<hbm>>
      tpu.wait_dma2 semaphore(%arg12 : memref<!tpu.dma_semaphore, #tpu.memory_space<semaphore_mem>>) src(%dma_wait3A_84 : memref<72xi32, #tpu.memory_space<hbm>>) dst(%arg8 : memref<72xi32, #tpu.memory_space<vmem>>)
      %gt3A = arith.constant 0 : i32
      %gt3A_85 = arith.cmpi sgt, %scan3A_75, %gt3A : i32
      %convert_element_type3A_86 = arith.extui %gt3A_85 : i1 to i32
      %cond3A_87 = arith.constant 0 : i32
      %cond3A_88 = arith.cmpi ne, %convert_element_type3A_86, %cond3A_87 : i32
      scf.if %cond3A_88 {
        %dma_wait3A_163 = arith.constant 0 : i32
        %dma_wait3A_164 = arith.constant 0 : i32
        %dma_wait3A_165 = tpu.memref_slice %arg6[%dma_wait3A_163, %dma_wait3A_164] : memref<10008x128xf32, #tpu.memory_space<vmem_shared>> -> memref<10008x128xf32, #tpu.memory_space<vmem_shared>>
        tpu.wait_indirect_dma semaphore(%arg18 : memref<!tpu.dma_semaphore, #tpu.memory_space<semaphore_mem>>) src(%arg7 : memref<72x128xf32, #tpu.memory_space<vmem>>) dst(%dma_wait3A_165 : memref<10008x128xf32, #tpu.memory_space<vmem_shared>>)
      } else {
      }
      %dma_start3A_89 = arith.constant 0 : i32
      %dma_start3A_90 = arith.constant 0 : i32
      %dma_start3A_91 = tpu.memref_slice %arg6[%dma_start3A_89, %dma_start3A_90] : memref<10008x128xf32, #tpu.memory_space<vmem_shared>> -> memref<10008x128xf32, #tpu.memory_space<vmem_shared>>
      tpu.enqueue_indirect_dma source(%arg7 : memref<72x128xf32, #tpu.memory_space<vmem>>) target(%dma_start3A_91 : memref<10008x128xf32, #tpu.memory_space<vmem_shared>>) offsets(%arg8 : memref<72xi32, #tpu.memory_space<vmem>>) semaphore(%arg16 : memref<!tpu.dma_semaphore, #tpu.memory_space<semaphore_mem>>) {add = true}
      %add3A_92 = arith.constant 2 : i32
      %add3A_93 = arith.addi %add3A_79, %add3A_92 : i32
      %mul3A_94 = arith.constant 72 : i32
      %mul3A_95 = arith.muli %add3A_93, %mul3A_94 : i32
      %add3A_96 = arith.addi %add3A_8, %mul3A_95 : i32
      %dma_start3A_97 = tpu.memref_slice %arg2[%add3A_96] : memref<1290240xi32, #tpu.memory_space<hbm>> -> memref<72xi32, #tpu.memory_space<hbm>>
      %dma_start3A_98 = tpu.memref_slice %arg2[%add3A_96] : memref<1290240xi32, #tpu.memory_space<hbm>> -> memref<72xi32, #tpu.memory_space<hbm>>
      tpu.enqueue_dma source(%dma_start3A_98 : memref<72xi32, #tpu.memory_space<hbm>>) target(%arg10 : memref<72xi32, #tpu.memory_space<vmem>>) target_semaphore(%arg14 : memref<!tpu.dma_semaphore, #tpu.memory_space<semaphore_mem>>)
      %mul3A_99 = arith.constant 4 : i32
      %mul3A_100 = arith.muli %mul3A_99, %scan3A_75 : i32
      %add3A_101 = arith.constant 1 : i32
      %add3A_102 = arith.addi %mul3A_100, %add3A_101 : i32
      %mul3A_103 = arith.constant 72 : i32
      %mul3A_104 = arith.muli %add3A_102, %mul3A_103 : i32
      %add3A_105 = arith.addi %add3A_8, %mul3A_104 : i32
      %dma_wait3A_106 = tpu.memref_slice %arg2[%add3A_105] : memref<1290240xi32, #tpu.memory_space<hbm>> -> memref<72xi32, #tpu.memory_space<hbm>>
      %dma_wait3A_107 = tpu.memref_slice %arg2[%add3A_105] : memref<1290240xi32, #tpu.memory_space<hbm>> -> memref<72xi32, #tpu.memory_space<hbm>>
      tpu.wait_dma2 semaphore(%arg13 : memref<!tpu.dma_semaphore, #tpu.memory_space<semaphore_mem>>) src(%dma_wait3A_107 : memref<72xi32, #tpu.memory_space<hbm>>) dst(%arg9 : memref<72xi32, #tpu.memory_space<vmem>>)
      %gt3A_108 = arith.constant 0 : i32
      %gt3A_109 = arith.cmpi sgt, %scan3A_75, %gt3A_108 : i32
      %convert_element_type3A_110 = arith.extui %gt3A_109 : i1 to i32
      %cond3A_111 = arith.constant 0 : i32
      %cond3A_112 = arith.cmpi ne, %convert_element_type3A_110, %cond3A_111 : i32
      scf.if %cond3A_112 {
        %dma_wait3A_163 = arith.constant 0 : i32
        %dma_wait3A_164 = arith.constant 0 : i32
        %dma_wait3A_165 = tpu.memref_slice %arg6[%dma_wait3A_163, %dma_wait3A_164] : memref<10008x128xf32, #tpu.memory_space<vmem_shared>> -> memref<10008x128xf32, #tpu.memory_space<vmem_shared>>
        tpu.wait_indirect_dma semaphore(%arg19 : memref<!tpu.dma_semaphore, #tpu.memory_space<semaphore_mem>>) src(%arg7 : memref<72x128xf32, #tpu.memory_space<vmem>>) dst(%dma_wait3A_165 : memref<10008x128xf32, #tpu.memory_space<vmem_shared>>)
      } else {
      }
      %dma_start3A_113 = arith.constant 0 : i32
      %dma_start3A_114 = arith.constant 0 : i32
      %dma_start3A_115 = tpu.memref_slice %arg6[%dma_start3A_113, %dma_start3A_114] : memref<10008x128xf32, #tpu.memory_space<vmem_shared>> -> memref<10008x128xf32, #tpu.memory_space<vmem_shared>>
      tpu.enqueue_indirect_dma source(%arg7 : memref<72x128xf32, #tpu.memory_space<vmem>>) target(%dma_start3A_115 : memref<10008x128xf32, #tpu.memory_space<vmem_shared>>) offsets(%arg9 : memref<72xi32, #tpu.memory_space<vmem>>) semaphore(%arg17 : memref<!tpu.dma_semaphore, #tpu.memory_space<semaphore_mem>>) {add = true}
      %add3A_116 = arith.constant 2 : i32
      %add3A_117 = arith.addi %add3A_102, %add3A_116 : i32
      %mul3A_118 = arith.constant 72 : i32
      %mul3A_119 = arith.muli %add3A_117, %mul3A_118 : i32
      %add3A_120 = arith.addi %add3A_8, %mul3A_119 : i32
      %dma_start3A_121 = tpu.memref_slice %arg2[%add3A_120] : memref<1290240xi32, #tpu.memory_space<hbm>> -> memref<72xi32, #tpu.memory_space<hbm>>
      %dma_start3A_122 = tpu.memref_slice %arg2[%add3A_120] : memref<1290240xi32, #tpu.memory_space<hbm>> -> memref<72xi32, #tpu.memory_space<hbm>>
      tpu.enqueue_dma source(%dma_start3A_122 : memref<72xi32, #tpu.memory_space<hbm>>) target(%arg11 : memref<72xi32, #tpu.memory_space<vmem>>) target_semaphore(%arg15 : memref<!tpu.dma_semaphore, #tpu.memory_space<semaphore_mem>>)
      %mul3A_123 = arith.constant 4 : i32
      %mul3A_124 = arith.muli %mul3A_123, %scan3A_75 : i32
      %add3A_125 = arith.constant 2 : i32
      %add3A_126 = arith.addi %mul3A_124, %add3A_125 : i32
      %mul3A_127 = arith.constant 72 : i32
      %mul3A_128 = arith.muli %add3A_126, %mul3A_127 : i32
      %add3A_129 = arith.addi %add3A_8, %mul3A_128 : i32
      %dma_wait3A_130 = tpu.memref_slice %arg2[%add3A_129] : memref<1290240xi32, #tpu.memory_space<hbm>> -> memref<72xi32, #tpu.memory_space<hbm>>
      %dma_wait3A_131 = tpu.memref_slice %arg2[%add3A_129] : memref<1290240xi32, #tpu.memory_space<hbm>> -> memref<72xi32, #tpu.memory_space<hbm>>
      tpu.wait_dma2 semaphore(%arg14 : memref<!tpu.dma_semaphore, #tpu.memory_space<semaphore_mem>>) src(%dma_wait3A_131 : memref<72xi32, #tpu.memory_space<hbm>>) dst(%arg10 : memref<72xi32, #tpu.memory_space<vmem>>)
      %dma_wait3A_132 = arith.constant 0 : i32
      %dma_wait3A_133 = arith.constant 0 : i32
      %dma_wait3A_134 = tpu.memref_slice %arg6[%dma_wait3A_132, %dma_wait3A_133] : memref<10008x128xf32, #tpu.memory_space<vmem_shared>> -> memref<10008x128xf32, #tpu.memory_space<vmem_shared>>
      tpu.wait_indirect_dma semaphore(%arg16 : memref<!tpu.dma_semaphore, #tpu.memory_space<semaphore_mem>>) src(%arg7 : memref<72x128xf32, #tpu.memory_space<vmem>>) dst(%dma_wait3A_134 : memref<10008x128xf32, #tpu.memory_space<vmem_shared>>)
      %dma_start3A_135 = arith.constant 0 : i32
      %dma_start3A_136 = arith.constant 0 : i32
      %dma_start3A_137 = tpu.memref_slice %arg6[%dma_start3A_135, %dma_start3A_136] : memref<10008x128xf32, #tpu.memory_space<vmem_shared>> -> memref<10008x128xf32, #tpu.memory_space<vmem_shared>>
      tpu.enqueue_indirect_dma source(%arg7 : memref<72x128xf32, #tpu.memory_space<vmem>>) target(%dma_start3A_137 : memref<10008x128xf32, #tpu.memory_space<vmem_shared>>) offsets(%arg10 : memref<72xi32, #tpu.memory_space<vmem>>) semaphore(%arg18 : memref<!tpu.dma_semaphore, #tpu.memory_space<semaphore_mem>>) {add = true}
      %lt3A_138 = arith.constant 69 : i32
      %lt3A_139 = arith.cmpi slt, %scan3A_75, %lt3A_138 : i32
      %convert_element_type3A_140 = arith.extui %lt3A_139 : i1 to i32
      %cond3A_141 = arith.constant 0 : i32
      %cond3A_142 = arith.cmpi ne, %convert_element_type3A_140, %cond3A_141 : i32
      scf.if %cond3A_142 {
        %add3A_163 = arith.constant 2 : i32
        %add3A_164 = arith.addi %add3A_126, %add3A_163 : i32
        %mul3A_165 = arith.constant 72 : i32
        %mul3A_166 = arith.muli %add3A_164, %mul3A_165 : i32
        %add3A_167 = arith.addi %add3A_8, %mul3A_166 : i32
        %dma_start3A_168 = tpu.memref_slice %arg2[%add3A_167] : memref<1290240xi32, #tpu.memory_space<hbm>> -> memref<72xi32, #tpu.memory_space<hbm>>
        %dma_start3A_169 = tpu.memref_slice %arg2[%add3A_167] : memref<1290240xi32, #tpu.memory_space<hbm>> -> memref<72xi32, #tpu.memory_space<hbm>>
        tpu.enqueue_dma source(%dma_start3A_169 : memref<72xi32, #tpu.memory_space<hbm>>) target(%arg8 : memref<72xi32, #tpu.memory_space<vmem>>) target_semaphore(%arg12 : memref<!tpu.dma_semaphore, #tpu.memory_space<semaphore_mem>>)
      } else {
      }
      %mul3A_143 = arith.constant 4 : i32
      %mul3A_144 = arith.muli %mul3A_143, %scan3A_75 : i32
      %add3A_145 = arith.constant 3 : i32
      %add3A_146 = arith.addi %mul3A_144, %add3A_145 : i32
      %mul3A_147 = arith.constant 72 : i32
      %mul3A_148 = arith.muli %add3A_146, %mul3A_147 : i32
      %add3A_149 = arith.addi %add3A_8, %mul3A_148 : i32
      %dma_wait3A_150 = tpu.memref_slice %arg2[%add3A_149] : memref<1290240xi32, #tpu.memory_space<hbm>> -> memref<72xi32, #tpu.memory_space<hbm>>
      %dma_wait3A_151 = tpu.memref_slice %arg2[%add3A_149] : memref<1290240xi32, #tpu.memory_space<hbm>> -> memref<72xi32, #tpu.memory_space<hbm>>
      tpu.wait_dma2 semaphore(%arg15 : memref<!tpu.dma_semaphore, #tpu.memory_space<semaphore_mem>>) src(%dma_wait3A_151 : memref<72xi32, #tpu.memory_space<hbm>>) dst(%arg11 : memref<72xi32, #tpu.memory_space<vmem>>)
      %dma_wait3A_152 = arith.constant 0 : i32
      %dma_wait3A_153 = arith.constant 0 : i32
      %dma_wait3A_154 = tpu.memref_slice %arg6[%dma_wait3A_152, %dma_wait3A_153] : memref<10008x128xf32, #tpu.memory_space<vmem_shared>> -> memref<10008x128xf32, #tpu.memory_space<vmem_shared>>
      tpu.wait_indirect_dma semaphore(%arg17 : memref<!tpu.dma_semaphore, #tpu.memory_space<semaphore_mem>>) src(%arg7 : memref<72x128xf32, #tpu.memory_space<vmem>>) dst(%dma_wait3A_154 : memref<10008x128xf32, #tpu.memory_space<vmem_shared>>)
      %dma_start3A_155 = arith.constant 0 : i32
      %dma_start3A_156 = arith.constant 0 : i32
      %dma_start3A_157 = tpu.memref_slice %arg6[%dma_start3A_155, %dma_start3A_156] : memref<10008x128xf32, #tpu.memory_space<vmem_shared>> -> memref<10008x128xf32, #tpu.memory_space<vmem_shared>>
      tpu.enqueue_indirect_dma source(%arg7 : memref<72x128xf32, #tpu.memory_space<vmem>>) target(%dma_start3A_157 : memref<10008x128xf32, #tpu.memory_space<vmem_shared>>) offsets(%arg11 : memref<72xi32, #tpu.memory_space<vmem>>) semaphore(%arg19 : memref<!tpu.dma_semaphore, #tpu.memory_space<semaphore_mem>>) {add = true}
      %lt3A_158 = arith.constant 69 : i32
      %lt3A_159 = arith.cmpi slt, %scan3A_75, %lt3A_158 : i32
      %convert_element_type3A_160 = arith.extui %lt3A_159 : i1 to i32
      %cond3A_161 = arith.constant 0 : i32
      %cond3A_162 = arith.cmpi ne, %convert_element_type3A_160, %cond3A_161 : i32
      scf.if %cond3A_162 {
        %add3A_163 = arith.constant 2 : i32
        %add3A_164 = arith.addi %add3A_146, %add3A_163 : i32
        %mul3A_165 = arith.constant 72 : i32
        %mul3A_166 = arith.muli %add3A_164, %mul3A_165 : i32
        %add3A_167 = arith.addi %add3A_8, %mul3A_166 : i32
        %dma_start3A_168 = tpu.memref_slice %arg2[%add3A_167] : memref<1290240xi32, #tpu.memory_space<hbm>> -> memref<72xi32, #tpu.memory_space<hbm>>
        %dma_start3A_169 = tpu.memref_slice %arg2[%add3A_167] : memref<1290240xi32, #tpu.memory_space<hbm>> -> memref<72xi32, #tpu.memory_space<hbm>>
        tpu.enqueue_dma source(%dma_start3A_169 : memref<72xi32, #tpu.memory_space<hbm>>) target(%arg9 : memref<72xi32, #tpu.memory_space<vmem>>) target_semaphore(%arg13 : memref<!tpu.dma_semaphore, #tpu.memory_space<semaphore_mem>>)
      } else {
      }
    }
    %scan3A_20 = arith.constant 70 : i32
    %dma_wait3A = arith.constant 0 : i32
    %dma_wait3A_21 = arith.constant 0 : i32
    %dma_wait3A_22 = tpu.memref_slice %arg6[%dma_wait3A, %dma_wait3A_21] : memref<10008x128xf32, #tpu.memory_space<vmem_shared>> -> memref<10008x128xf32, #tpu.memory_space<vmem_shared>>
    tpu.wait_indirect_dma semaphore(%arg18 : memref<!tpu.dma_semaphore, #tpu.memory_space<semaphore_mem>>) src(%arg7 : memref<72x128xf32, #tpu.memory_space<vmem>>) dst(%dma_wait3A_22 : memref<10008x128xf32, #tpu.memory_space<vmem_shared>>)
    %dma_wait3A_23 = arith.constant 0 : i32
    %dma_wait3A_24 = arith.constant 0 : i32
    %dma_wait3A_25 = tpu.memref_slice %arg6[%dma_wait3A_23, %dma_wait3A_24] : memref<10008x128xf32, #tpu.memory_space<vmem_shared>> -> memref<10008x128xf32, #tpu.memory_space<vmem_shared>>
    tpu.wait_indirect_dma semaphore(%arg19 : memref<!tpu.dma_semaphore, #tpu.memory_space<semaphore_mem>>) src(%arg7 : memref<72x128xf32, #tpu.memory_space<vmem>>) dst(%dma_wait3A_25 : memref<10008x128xf32, #tpu.memory_space<vmem_shared>>)
    %barrier3A_26 = arith.constant 0 : index
    tpu.barrier barrier_id(%barrier3A_26)
    %lt3A_27 = arith.constant 10 : i32
    %lt3A_28 = arith.cmpi slt, %arg1, %lt3A_27 : i32
    %convert_element_type3A_29 = arith.extui %lt3A_28 : i1 to i32
    %cond3A_30 = arith.constant 0 : i32
    %cond3A_31 = arith.cmpi ne, %convert_element_type3A_29, %cond3A_30 : i32
    scf.if %cond3A_31 {
      %mul3A_75 = arith.constant 1000 : i32
      %mul3A_76 = arith.muli %arg1, %mul3A_75 : i32
      %mul3A_77 = arith.constant 1000 : i32
      %mul3A_78 = arith.muli %arg1, %mul3A_77 : i32
      %run_scoped3A = arith.constant 0 : i32
      "tpu.region"() ({
        %run_scoped3A_79 = tpu.sem_alloc : memref<!tpu.dma_semaphore, #tpu.memory_space<semaphore_mem>>
        %dma_start3A_80 = arith.constant 0 : i32
        %dma_start3A_81 = tpu.memref_slice %arg5[%arg0, %run_scoped3A, %mul3A_78, %dma_start3A_80] : memref<2x2x10000x128xf32, #tpu.memory_space<hbm>> -> memref<1x1x1000x128xf32, #tpu.memory_space<hbm>>
        %dma_start3A_82 = tpu.memref_squeeze %dma_start3A_81 : memref<1x1x1000x128xf32, #tpu.memory_space<hbm>> -> memref<1000x128xf32, #tpu.memory_space<hbm>>
        %dma_start3A_83 = arith.constant 0 : i32
        %dma_start3A_84 = tpu.memref_slice %arg6[%mul3A_76, %dma_start3A_83] : memref<10008x128xf32, #tpu.memory_space<vmem_shared>> -> memref<1000x128xf32, #tpu.memory_space<vmem_shared>>
        tpu.enqueue_dma source(%dma_start3A_84 : memref<1000x128xf32, #tpu.memory_space<vmem_shared>>) target(%dma_start3A_82 : memref<1000x128xf32, #tpu.memory_space<hbm>>) target_semaphore(%run_scoped3A_79 : memref<!tpu.dma_semaphore, #tpu.memory_space<semaphore_mem>>)
        %dma_wait3A_85 = arith.constant 0 : i32
        %dma_wait3A_86 = tpu.memref_slice %arg5[%arg0, %run_scoped3A, %mul3A_78, %dma_wait3A_85] : memref<2x2x10000x128xf32, #tpu.memory_space<hbm>> -> memref<1x1x1000x128xf32, #tpu.memory_space<hbm>>
        %dma_wait3A_87 = tpu.memref_squeeze %dma_wait3A_86 : memref<1x1x1000x128xf32, #tpu.memory_space<hbm>> -> memref<1000x128xf32, #tpu.memory_space<hbm>>
        %dma_wait3A_88 = arith.constant 0 : i32
        %dma_wait3A_89 = tpu.memref_slice %arg6[%mul3A_76, %dma_wait3A_88] : memref<10008x128xf32, #tpu.memory_space<vmem_shared>> -> memref<1000x128xf32, #tpu.memory_space<vmem_shared>>
        tpu.wait_dma2 semaphore(%run_scoped3A_79 : memref<!tpu.dma_semaphore, #tpu.memory_space<semaphore_mem>>) src(%dma_wait3A_89 : memref<1000x128xf32, #tpu.memory_space<vmem_shared>>) dst(%dma_wait3A_87 : memref<1000x128xf32, #tpu.memory_space<hbm>>)
        tpu.yield
      }) : () -> ()
    } else {
    }
    %barrier3A_32 = arith.constant 0 : index
    tpu.barrier barrier_id(%barrier3A_32)
    %lt3A_33 = arith.constant 10 : i32
    %lt3A_34 = arith.cmpi slt, %arg1, %lt3A_33 : i32
    %convert_element_type3A_35 = arith.extui %lt3A_34 : i1 to i32
    %cond3A_36 = arith.constant 0 : i32
    %cond3A_37 = arith.cmpi ne, %convert_element_type3A_35, %cond3A_36 : i32
    scf.if %cond3A_37 {
      %mul3A_75 = arith.constant 1000 : i32
      %mul3A_76 = arith.muli %arg1, %mul3A_75 : i32
      %mul3A_77 = arith.constant 1000 : i32
      %mul3A_78 = arith.muli %arg1, %mul3A_77 : i32
      "tpu.region"() ({
        %run_scoped3A = tpu.sem_alloc : memref<!tpu.dma_semaphore, #tpu.memory_space<semaphore_mem>>
        %dma_start3A_79 = arith.constant 0 : i32
        %dma_start3A_80 = tpu.memref_slice %arg6[%mul3A_78, %dma_start3A_79] : memref<10008x128xf32, #tpu.memory_space<vmem_shared>> -> memref<1000x128xf32, #tpu.memory_space<vmem_shared>>
        %dma_start3A_81 = arith.constant 0 : i32
        %dma_start3A_82 = tpu.memref_slice %arg4[%mul3A_76, %dma_start3A_81] : memref<10000x128xf32, #tpu.memory_space<hbm>> -> memref<1000x128xf32, #tpu.memory_space<hbm>>
        tpu.enqueue_dma source(%dma_start3A_82 : memref<1000x128xf32, #tpu.memory_space<hbm>>) target(%dma_start3A_80 : memref<1000x128xf32, #tpu.memory_space<vmem_shared>>) target_semaphore(%run_scoped3A : memref<!tpu.dma_semaphore, #tpu.memory_space<semaphore_mem>>)
        %dma_wait3A_83 = arith.constant 0 : i32
        %dma_wait3A_84 = tpu.memref_slice %arg6[%mul3A_78, %dma_wait3A_83] : memref<10008x128xf32, #tpu.memory_space<vmem_shared>> -> memref<1000x128xf32, #tpu.memory_space<vmem_shared>>
        %dma_wait3A_85 = arith.constant 0 : i32
        %dma_wait3A_86 = tpu.memref_slice %arg4[%mul3A_76, %dma_wait3A_85] : memref<10000x128xf32, #tpu.memory_space<hbm>> -> memref<1000x128xf32, #tpu.memory_space<hbm>>
        tpu.wait_dma2 semaphore(%run_scoped3A : memref<!tpu.dma_semaphore, #tpu.memory_space<semaphore_mem>>) src(%dma_wait3A_86 : memref<1000x128xf32, #tpu.memory_space<hbm>>) dst(%dma_wait3A_84 : memref<1000x128xf32, #tpu.memory_space<vmem_shared>>)
        tpu.yield
      }) : () -> ()
    } else {
    }
    %barrier3A_38 = arith.constant 0 : index
    tpu.barrier barrier_id(%barrier3A_38)
    %mul3A_39 = arith.constant 2 : i32
    %mul3A_40 = arith.muli %mul3A_39, %arg0 : i32
    %add3A_41 = arith.constant 1 : i32
    %add3A_42 = arith.addi %mul3A_40, %add3A_41 : i32
    %mul3A_43 = arith.constant 322560 : i32
    %mul3A_44 = arith.muli %add3A_42, %mul3A_43 : i32
    %mul3A_45 = arith.constant 20160 : i32
    %mul3A_46 = arith.muli %arg1, %mul3A_45 : i32
    %add3A_47 = arith.addi %mul3A_44, %mul3A_46 : i32
    %add3A_48 = arith.constant 0 : i32
    %add3A_49 = arith.addi %add3A_47, %add3A_48 : i32
    %dma_start3A_50 = tpu.memref_slice %arg2[%add3A_49] : memref<1290240xi32, #tpu.memory_space<hbm>> -> memref<72xi32, #tpu.memory_space<hbm>>
    %dma_start3A_51 = tpu.memref_slice %arg2[%add3A_49] : memref<1290240xi32, #tpu.memory_space<hbm>> -> memref<72xi32, #tpu.memory_space<hbm>>
    tpu.enqueue_dma source(%dma_start3A_51 : memref<72xi32, #tpu.memory_space<hbm>>) target(%arg8 : memref<72xi32, #tpu.memory_space<vmem>>) target_semaphore(%arg12 : memref<!tpu.dma_semaphore, #tpu.memory_space<semaphore_mem>>)
    %add3A_52 = arith.constant 72 : i32
    %add3A_53 = arith.addi %add3A_47, %add3A_52 : i32
    %dma_start3A_54 = tpu.memref_slice %arg2[%add3A_53] : memref<1290240xi32, #tpu.memory_space<hbm>> -> memref<72xi32, #tpu.memory_space<hbm>>
    %dma_start3A_55 = tpu.memref_slice %arg2[%add3A_53] : memref<1290240xi32, #tpu.memory_space<hbm>> -> memref<72xi32, #tpu.memory_space<hbm>>
    tpu.enqueue_dma source(%dma_start3A_55 : memref<72xi32, #tpu.memory_space<hbm>>) target(%arg9 : memref<72xi32, #tpu.memory_space<vmem>>) target_semaphore(%arg13 : memref<!tpu.dma_semaphore, #tpu.memory_space<semaphore_mem>>)
    %scan3A_56 = arith.constant 0 : i32
    %scan3A_57 = arith.constant 0 : i32
    %scan3A_58 = arith.constant 70 : i32
    %scan3A_59 = arith.addi %scan3A_57, %scan3A_58 : i32
    %scan3A_60 = arith.constant 1 : i32
    scf.for %scan3A_75 = %scan3A_57 to %scan3A_59 step %scan3A_60  : i32 {
      %mul3A_76 = arith.constant 4 : i32
      %mul3A_77 = arith.muli %mul3A_76, %scan3A_75 : i32
      %add3A_78 = arith.constant 0 : i32
      %add3A_79 = arith.addi %mul3A_77, %add3A_78 : i32
      %mul3A_80 = arith.constant 72 : i32
      %mul3A_81 = arith.muli %add3A_79, %mul3A_80 : i32
      %add3A_82 = arith.addi %add3A_47, %mul3A_81 : i32
      %dma_wait3A_83 = tpu.memref_slice %arg2[%add3A_82] : memref<1290240xi32, #tpu.memory_space<hbm>> -> memref<72xi32, #tpu.memory_space<hbm>>
      %dma_wait3A_84 = tpu.memref_slice %arg2[%add3A_82] : memref<1290240xi32, #tpu.memory_space<hbm>> -> memref<72xi32, #tpu.memory_space<hbm>>
      tpu.wait_dma2 semaphore(%arg12 : memref<!tpu.dma_semaphore, #tpu.memory_space<semaphore_mem>>) src(%dma_wait3A_84 : memref<72xi32, #tpu.memory_space<hbm>>) dst(%arg8 : memref<72xi32, #tpu.memory_space<vmem>>)
      %gt3A = arith.constant 0 : i32
      %gt3A_85 = arith.cmpi sgt, %scan3A_75, %gt3A : i32
      %convert_element_type3A_86 = arith.extui %gt3A_85 : i1 to i32
      %cond3A_87 = arith.constant 0 : i32
      %cond3A_88 = arith.cmpi ne, %convert_element_type3A_86, %cond3A_87 : i32
      scf.if %cond3A_88 {
        %dma_wait3A_163 = arith.constant 0 : i32
        %dma_wait3A_164 = arith.constant 0 : i32
        %dma_wait3A_165 = tpu.memref_slice %arg6[%dma_wait3A_163, %dma_wait3A_164] : memref<10008x128xf32, #tpu.memory_space<vmem_shared>> -> memref<10008x128xf32, #tpu.memory_space<vmem_shared>>
        tpu.wait_indirect_dma semaphore(%arg18 : memref<!tpu.dma_semaphore, #tpu.memory_space<semaphore_mem>>) src(%arg7 : memref<72x128xf32, #tpu.memory_space<vmem>>) dst(%dma_wait3A_165 : memref<10008x128xf32, #tpu.memory_space<vmem_shared>>)
      } else {
      }
      %dma_start3A_89 = arith.constant 0 : i32
      %dma_start3A_90 = arith.constant 0 : i32
      %dma_start3A_91 = tpu.memref_slice %arg6[%dma_start3A_89, %dma_start3A_90] : memref<10008x128xf32, #tpu.memory_space<vmem_shared>> -> memref<10008x128xf32, #tpu.memory_space<vmem_shared>>
      tpu.enqueue_indirect_dma source(%arg7 : memref<72x128xf32, #tpu.memory_space<vmem>>) target(%dma_start3A_91 : memref<10008x128xf32, #tpu.memory_space<vmem_shared>>) offsets(%arg8 : memref<72xi32, #tpu.memory_space<vmem>>) semaphore(%arg16 : memref<!tpu.dma_semaphore, #tpu.memory_space<semaphore_mem>>) {add = true}
      %add3A_92 = arith.constant 2 : i32
      %add3A_93 = arith.addi %add3A_79, %add3A_92 : i32
      %mul3A_94 = arith.constant 72 : i32
      %mul3A_95 = arith.muli %add3A_93, %mul3A_94 : i32
      %add3A_96 = arith.addi %add3A_47, %mul3A_95 : i32
      %dma_start3A_97 = tpu.memref_slice %arg2[%add3A_96] : memref<1290240xi32, #tpu.memory_space<hbm>> -> memref<72xi32, #tpu.memory_space<hbm>>
      %dma_start3A_98 = tpu.memref_slice %arg2[%add3A_96] : memref<1290240xi32, #tpu.memory_space<hbm>> -> memref<72xi32, #tpu.memory_space<hbm>>
      tpu.enqueue_dma source(%dma_start3A_98 : memref<72xi32, #tpu.memory_space<hbm>>) target(%arg10 : memref<72xi32, #tpu.memory_space<vmem>>) target_semaphore(%arg14 : memref<!tpu.dma_semaphore, #tpu.memory_space<semaphore_mem>>)
      %mul3A_99 = arith.constant 4 : i32
      %mul3A_100 = arith.muli %mul3A_99, %scan3A_75 : i32
      %add3A_101 = arith.constant 1 : i32
      %add3A_102 = arith.addi %mul3A_100, %add3A_101 : i32
      %mul3A_103 = arith.constant 72 : i32
      %mul3A_104 = arith.muli %add3A_102, %mul3A_103 : i32
      %add3A_105 = arith.addi %add3A_47, %mul3A_104 : i32
      %dma_wait3A_106 = tpu.memref_slice %arg2[%add3A_105] : memref<1290240xi32, #tpu.memory_space<hbm>> -> memref<72xi32, #tpu.memory_space<hbm>>
      %dma_wait3A_107 = tpu.memref_slice %arg2[%add3A_105] : memref<1290240xi32, #tpu.memory_space<hbm>> -> memref<72xi32, #tpu.memory_space<hbm>>
      tpu.wait_dma2 semaphore(%arg13 : memref<!tpu.dma_semaphore, #tpu.memory_space<semaphore_mem>>) src(%dma_wait3A_107 : memref<72xi32, #tpu.memory_space<hbm>>) dst(%arg9 : memref<72xi32, #tpu.memory_space<vmem>>)
      %gt3A_108 = arith.constant 0 : i32
      %gt3A_109 = arith.cmpi sgt, %scan3A_75, %gt3A_108 : i32
      %convert_element_type3A_110 = arith.extui %gt3A_109 : i1 to i32
      %cond3A_111 = arith.constant 0 : i32
      %cond3A_112 = arith.cmpi ne, %convert_element_type3A_110, %cond3A_111 : i32
      scf.if %cond3A_112 {
        %dma_wait3A_163 = arith.constant 0 : i32
        %dma_wait3A_164 = arith.constant 0 : i32
        %dma_wait3A_165 = tpu.memref_slice %arg6[%dma_wait3A_163, %dma_wait3A_164] : memref<10008x128xf32, #tpu.memory_space<vmem_shared>> -> memref<10008x128xf32, #tpu.memory_space<vmem_shared>>
        tpu.wait_indirect_dma semaphore(%arg19 : memref<!tpu.dma_semaphore, #tpu.memory_space<semaphore_mem>>) src(%arg7 : memref<72x128xf32, #tpu.memory_space<vmem>>) dst(%dma_wait3A_165 : memref<10008x128xf32, #tpu.memory_space<vmem_shared>>)
      } else {
      }
      %dma_start3A_113 = arith.constant 0 : i32
      %dma_start3A_114 = arith.constant 0 : i32
      %dma_start3A_115 = tpu.memref_slice %arg6[%dma_start3A_113, %dma_start3A_114] : memref<10008x128xf32, #tpu.memory_space<vmem_shared>> -> memref<10008x128xf32, #tpu.memory_space<vmem_shared>>
      tpu.enqueue_indirect_dma source(%arg7 : memref<72x128xf32, #tpu.memory_space<vmem>>) target(%dma_start3A_115 : memref<10008x128xf32, #tpu.memory_space<vmem_shared>>) offsets(%arg9 : memref<72xi32, #tpu.memory_space<vmem>>) semaphore(%arg17 : memref<!tpu.dma_semaphore, #tpu.memory_space<semaphore_mem>>) {add = true}
      %add3A_116 = arith.constant 2 : i32
      %add3A_117 = arith.addi %add3A_102, %add3A_116 : i32
      %mul3A_118 = arith.constant 72 : i32
      %mul3A_119 = arith.muli %add3A_117, %mul3A_118 : i32
      %add3A_120 = arith.addi %add3A_47, %mul3A_119 : i32
      %dma_start3A_121 = tpu.memref_slice %arg2[%add3A_120] : memref<1290240xi32, #tpu.memory_space<hbm>> -> memref<72xi32, #tpu.memory_space<hbm>>
      %dma_start3A_122 = tpu.memref_slice %arg2[%add3A_120] : memref<1290240xi32, #tpu.memory_space<hbm>> -> memref<72xi32, #tpu.memory_space<hbm>>
      tpu.enqueue_dma source(%dma_start3A_122 : memref<72xi32, #tpu.memory_space<hbm>>) target(%arg11 : memref<72xi32, #tpu.memory_space<vmem>>) target_semaphore(%arg15 : memref<!tpu.dma_semaphore, #tpu.memory_space<semaphore_mem>>)
      %mul3A_123 = arith.constant 4 : i32
      %mul3A_124 = arith.muli %mul3A_123, %scan3A_75 : i32
      %add3A_125 = arith.constant 2 : i32
      %add3A_126 = arith.addi %mul3A_124, %add3A_125 : i32
      %mul3A_127 = arith.constant 72 : i32
      %mul3A_128 = arith.muli %add3A_126, %mul3A_127 : i32
      %add3A_129 = arith.addi %add3A_47, %mul3A_128 : i32
      %dma_wait3A_130 = tpu.memref_slice %arg2[%add3A_129] : memref<1290240xi32, #tpu.memory_space<hbm>> -> memref<72xi32, #tpu.memory_space<hbm>>
      %dma_wait3A_131 = tpu.memref_slice %arg2[%add3A_129] : memref<1290240xi32, #tpu.memory_space<hbm>> -> memref<72xi32, #tpu.memory_space<hbm>>
      tpu.wait_dma2 semaphore(%arg14 : memref<!tpu.dma_semaphore, #tpu.memory_space<semaphore_mem>>) src(%dma_wait3A_131 : memref<72xi32, #tpu.memory_space<hbm>>) dst(%arg10 : memref<72xi32, #tpu.memory_space<vmem>>)
      %dma_wait3A_132 = arith.constant 0 : i32
      %dma_wait3A_133 = arith.constant 0 : i32
      %dma_wait3A_134 = tpu.memref_slice %arg6[%dma_wait3A_132, %dma_wait3A_133] : memref<10008x128xf32, #tpu.memory_space<vmem_shared>> -> memref<10008x128xf32, #tpu.memory_space<vmem_shared>>
      tpu.wait_indirect_dma semaphore(%arg16 : memref<!tpu.dma_semaphore, #tpu.memory_space<semaphore_mem>>) src(%arg7 : memref<72x128xf32, #tpu.memory_space<vmem>>) dst(%dma_wait3A_134 : memref<10008x128xf32, #tpu.memory_space<vmem_shared>>)
      %dma_start3A_135 = arith.constant 0 : i32
      %dma_start3A_136 = arith.constant 0 : i32
      %dma_start3A_137 = tpu.memref_slice %arg6[%dma_start3A_135, %dma_start3A_136] : memref<10008x128xf32, #tpu.memory_space<vmem_shared>> -> memref<10008x128xf32, #tpu.memory_space<vmem_shared>>
      tpu.enqueue_indirect_dma source(%arg7 : memref<72x128xf32, #tpu.memory_space<vmem>>) target(%dma_start3A_137 : memref<10008x128xf32, #tpu.memory_space<vmem_shared>>) offsets(%arg10 : memref<72xi32, #tpu.memory_space<vmem>>) semaphore(%arg18 : memref<!tpu.dma_semaphore, #tpu.memory_space<semaphore_mem>>) {add = true}
      %lt3A_138 = arith.constant 69 : i32
      %lt3A_139 = arith.cmpi slt, %scan3A_75, %lt3A_138 : i32
      %convert_element_type3A_140 = arith.extui %lt3A_139 : i1 to i32
      %cond3A_141 = arith.constant 0 : i32
      %cond3A_142 = arith.cmpi ne, %convert_element_type3A_140, %cond3A_141 : i32
      scf.if %cond3A_142 {
        %add3A_163 = arith.constant 2 : i32
        %add3A_164 = arith.addi %add3A_126, %add3A_163 : i32
        %mul3A_165 = arith.constant 72 : i32
        %mul3A_166 = arith.muli %add3A_164, %mul3A_165 : i32
        %add3A_167 = arith.addi %add3A_47, %mul3A_166 : i32
        %dma_start3A_168 = tpu.memref_slice %arg2[%add3A_167] : memref<1290240xi32, #tpu.memory_space<hbm>> -> memref<72xi32, #tpu.memory_space<hbm>>
        %dma_start3A_169 = tpu.memref_slice %arg2[%add3A_167] : memref<1290240xi32, #tpu.memory_space<hbm>> -> memref<72xi32, #tpu.memory_space<hbm>>
        tpu.enqueue_dma source(%dma_start3A_169 : memref<72xi32, #tpu.memory_space<hbm>>) target(%arg8 : memref<72xi32, #tpu.memory_space<vmem>>) target_semaphore(%arg12 : memref<!tpu.dma_semaphore, #tpu.memory_space<semaphore_mem>>)
      } else {
      }
      %mul3A_143 = arith.constant 4 : i32
      %mul3A_144 = arith.muli %mul3A_143, %scan3A_75 : i32
      %add3A_145 = arith.constant 3 : i32
      %add3A_146 = arith.addi %mul3A_144, %add3A_145 : i32
      %mul3A_147 = arith.constant 72 : i32
      %mul3A_148 = arith.muli %add3A_146, %mul3A_147 : i32
      %add3A_149 = arith.addi %add3A_47, %mul3A_148 : i32
      %dma_wait3A_150 = tpu.memref_slice %arg2[%add3A_149] : memref<1290240xi32, #tpu.memory_space<hbm>> -> memref<72xi32, #tpu.memory_space<hbm>>
      %dma_wait3A_151 = tpu.memref_slice %arg2[%add3A_149] : memref<1290240xi32, #tpu.memory_space<hbm>> -> memref<72xi32, #tpu.memory_space<hbm>>
      tpu.wait_dma2 semaphore(%arg15 : memref<!tpu.dma_semaphore, #tpu.memory_space<semaphore_mem>>) src(%dma_wait3A_151 : memref<72xi32, #tpu.memory_space<hbm>>) dst(%arg11 : memref<72xi32, #tpu.memory_space<vmem>>)
      %dma_wait3A_152 = arith.constant 0 : i32
      %dma_wait3A_153 = arith.constant 0 : i32
      %dma_wait3A_154 = tpu.memref_slice %arg6[%dma_wait3A_152, %dma_wait3A_153] : memref<10008x128xf32, #tpu.memory_space<vmem_shared>> -> memref<10008x128xf32, #tpu.memory_space<vmem_shared>>
      tpu.wait_indirect_dma semaphore(%arg17 : memref<!tpu.dma_semaphore, #tpu.memory_space<semaphore_mem>>) src(%arg7 : memref<72x128xf32, #tpu.memory_space<vmem>>) dst(%dma_wait3A_154 : memref<10008x128xf32, #tpu.memory_space<vmem_shared>>)
      %dma_start3A_155 = arith.constant 0 : i32
      %dma_start3A_156 = arith.constant 0 : i32
      %dma_start3A_157 = tpu.memref_slice %arg6[%dma_start3A_155, %dma_start3A_156] : memref<10008x128xf32, #tpu.memory_space<vmem_shared>> -> memref<10008x128xf32, #tpu.memory_space<vmem_shared>>
      tpu.enqueue_indirect_dma source(%arg7 : memref<72x128xf32, #tpu.memory_space<vmem>>) target(%dma_start3A_157 : memref<10008x128xf32, #tpu.memory_space<vmem_shared>>) offsets(%arg11 : memref<72xi32, #tpu.memory_space<vmem>>) semaphore(%arg19 : memref<!tpu.dma_semaphore, #tpu.memory_space<semaphore_mem>>) {add = true}
      %lt3A_158 = arith.constant 69 : i32
      %lt3A_159 = arith.cmpi slt, %scan3A_75, %lt3A_158 : i32
      %convert_element_type3A_160 = arith.extui %lt3A_159 : i1 to i32
      %cond3A_161 = arith.constant 0 : i32
      %cond3A_162 = arith.cmpi ne, %convert_element_type3A_160, %cond3A_161 : i32
      scf.if %cond3A_162 {
        %add3A_163 = arith.constant 2 : i32
        %add3A_164 = arith.addi %add3A_146, %add3A_163 : i32
        %mul3A_165 = arith.constant 72 : i32
        %mul3A_166 = arith.muli %add3A_164, %mul3A_165 : i32
        %add3A_167 = arith.addi %add3A_47, %mul3A_166 : i32
        %dma_start3A_168 = tpu.memref_slice %arg2[%add3A_167] : memref<1290240xi32, #tpu.memory_space<hbm>> -> memref<72xi32, #tpu.memory_space<hbm>>
        %dma_start3A_169 = tpu.memref_slice %arg2[%add3A_167] : memref<1290240xi32, #tpu.memory_space<hbm>> -> memref<72xi32, #tpu.memory_space<hbm>>
        tpu.enqueue_dma source(%dma_start3A_169 : memref<72xi32, #tpu.memory_space<hbm>>) target(%arg9 : memref<72xi32, #tpu.memory_space<vmem>>) target_semaphore(%arg13 : memref<!tpu.dma_semaphore, #tpu.memory_space<semaphore_mem>>)
      } else {
      }
    }
    %scan3A_61 = arith.constant 70 : i32
    %dma_wait3A_62 = arith.constant 0 : i32
    %dma_wait3A_63 = arith.constant 0 : i32
    %dma_wait3A_64 = tpu.memref_slice %arg6[%dma_wait3A_62, %dma_wait3A_63] : memref<10008x128xf32, #tpu.memory_space<vmem_shared>> -> memref<10008x128xf32, #tpu.memory_space<vmem_shared>>
    tpu.wait_indirect_dma semaphore(%arg18 : memref<!tpu.dma_semaphore, #tpu.memory_space<semaphore_mem>>) src(%arg7 : memref<72x128xf32, #tpu.memory_space<vmem>>) dst(%dma_wait3A_64 : memref<10008x128xf32, #tpu.memory_space<vmem_shared>>)
    %dma_wait3A_65 = arith.constant 0 : i32
    %dma_wait3A_66 = arith.constant 0 : i32
    %dma_wait3A_67 = tpu.memref_slice %arg6[%dma_wait3A_65, %dma_wait3A_66] : memref<10008x128xf32, #tpu.memory_space<vmem_shared>> -> memref<10008x128xf32, #tpu.memory_space<vmem_shared>>
    tpu.wait_indirect_dma semaphore(%arg19 : memref<!tpu.dma_semaphore, #tpu.memory_space<semaphore_mem>>) src(%arg7 : memref<72x128xf32, #tpu.memory_space<vmem>>) dst(%dma_wait3A_67 : memref<10008x128xf32, #tpu.memory_space<vmem_shared>>)
    %barrier3A_68 = arith.constant 0 : index
    tpu.barrier barrier_id(%barrier3A_68)
    %lt3A_69 = arith.constant 10 : i32
    %lt3A_70 = arith.cmpi slt, %arg1, %lt3A_69 : i32
    %convert_element_type3A_71 = arith.extui %lt3A_70 : i1 to i32
    %cond3A_72 = arith.constant 0 : i32
    %cond3A_73 = arith.cmpi ne, %convert_element_type3A_71, %cond3A_72 : i32
    scf.if %cond3A_73 {
      %mul3A_75 = arith.constant 1000 : i32
      %mul3A_76 = arith.muli %arg1, %mul3A_75 : i32
      %mul3A_77 = arith.constant 1000 : i32
      %mul3A_78 = arith.muli %arg1, %mul3A_77 : i32
      %run_scoped3A = arith.constant 1 : i32
      "tpu.region"() ({
        %run_scoped3A_79 = tpu.sem_alloc : memref<!tpu.dma_semaphore, #tpu.memory_space<semaphore_mem>>
        %dma_start3A_80 = arith.constant 0 : i32
        %dma_start3A_81 = tpu.memref_slice %arg5[%arg0, %run_scoped3A, %mul3A_78, %dma_start3A_80] : memref<2x2x10000x128xf32, #tpu.memory_space<hbm>> -> memref<1x1x1000x128xf32, #tpu.memory_space<hbm>>
        %dma_start3A_82 = tpu.memref_squeeze %dma_start3A_81 : memref<1x1x1000x128xf32, #tpu.memory_space<hbm>> -> memref<1000x128xf32, #tpu.memory_space<hbm>>
        %dma_start3A_83 = arith.constant 0 : i32
        %dma_start3A_84 = tpu.memref_slice %arg6[%mul3A_76, %dma_start3A_83] : memref<10008x128xf32, #tpu.memory_space<vmem_shared>> -> memref<1000x128xf32, #tpu.memory_space<vmem_shared>>
        tpu.enqueue_dma source(%dma_start3A_84 : memref<1000x128xf32, #tpu.memory_space<vmem_shared>>) target(%dma_start3A_82 : memref<1000x128xf32, #tpu.memory_space<hbm>>) target_semaphore(%run_scoped3A_79 : memref<!tpu.dma_semaphore, #tpu.memory_space<semaphore_mem>>)
        %dma_wait3A_85 = arith.constant 0 : i32
        %dma_wait3A_86 = tpu.memref_slice %arg5[%arg0, %run_scoped3A, %mul3A_78, %dma_wait3A_85] : memref<2x2x10000x128xf32, #tpu.memory_space<hbm>> -> memref<1x1x1000x128xf32, #tpu.memory_space<hbm>>
        %dma_wait3A_87 = tpu.memref_squeeze %dma_wait3A_86 : memref<1x1x1000x128xf32, #tpu.memory_space<hbm>> -> memref<1000x128xf32, #tpu.memory_space<hbm>>
        %dma_wait3A_88 = arith.constant 0 : i32
        %dma_wait3A_89 = tpu.memref_slice %arg6[%mul3A_76, %dma_wait3A_88] : memref<10008x128xf32, #tpu.memory_space<vmem_shared>> -> memref<1000x128xf32, #tpu.memory_space<vmem_shared>>
        tpu.wait_dma2 semaphore(%run_scoped3A_79 : memref<!tpu.dma_semaphore, #tpu.memory_space<semaphore_mem>>) src(%dma_wait3A_89 : memref<1000x128xf32, #tpu.memory_space<vmem_shared>>) dst(%dma_wait3A_87 : memref<1000x128xf32, #tpu.memory_space<hbm>>)
        tpu.yield
      }) : () -> ()
    } else {
    }
    %barrier3A_74 = arith.constant 0 : index
    tpu.barrier barrier_id(%barrier3A_74)
    return
  }
}

#map = affine_map<(d0, d1) -> (0, 0)>
#map1 = affine_map<(d0, d1) -> (0)>
#map2 = affine_map<(d0, d1) -> (0, 0, 0)>
module attributes {stable_mosaic.version = 14 : i64} {
  func.func @_sc_agg(%arg0: i32, %arg1: i32, %arg2: memref<20000x128xf32, #tpu.memory_space<hbm>>, %arg3: memref<645120xi32, #tpu.memory_space<hbm>>, %arg4: memref<645120xi32, #tpu.memory_space<hbm>>, %arg5: memref<10000x128xf32, #tpu.memory_space<hbm>>, %arg6: memref<2x10000x128xf32, #tpu.memory_space<hbm>>, %arg7: memref<10008x128xf32, #tpu.memory_space<vmem_shared>>, %arg8: memref<72xi32, #tpu.memory_space<vmem>>, %arg9: memref<72xi32, #tpu.memory_space<vmem>>, %arg10: memref<72xi32, #tpu.memory_space<vmem>>, %arg11: memref<72xi32, #tpu.memory_space<vmem>>, %arg12: memref<72xi32, #tpu.memory_space<vmem>>, %arg13: memref<72xi32, #tpu.memory_space<vmem>>, %arg14: memref<72xi32, #tpu.memory_space<vmem>>, %arg15: memref<72xi32, #tpu.memory_space<vmem>>, %arg16: memref<72xi32, #tpu.memory_space<vmem>>, %arg17: memref<72xi32, #tpu.memory_space<vmem>>, %arg18: memref<72x128xf32, #tpu.memory_space<vmem>>, %arg19: memref<72x128xf32, #tpu.memory_space<vmem>>, %arg20: memref<72x128xf32, #tpu.memory_space<vmem>>, %arg21: memref<72x128xf32, #tpu.memory_space<vmem>>, %arg22: memref<72x128xf32, #tpu.memory_space<vmem>>, %arg23: memref<!tpu.dma_semaphore, #tpu.memory_space<semaphore_mem>>, %arg24: memref<!tpu.dma_semaphore, #tpu.memory_space<semaphore_mem>>, %arg25: memref<!tpu.dma_semaphore, #tpu.memory_space<semaphore_mem>>, %arg26: memref<!tpu.dma_semaphore, #tpu.memory_space<semaphore_mem>>, %arg27: memref<!tpu.dma_semaphore, #tpu.memory_space<semaphore_mem>>, %arg28: memref<!tpu.dma_semaphore, #tpu.memory_space<semaphore_mem>>, %arg29: memref<!tpu.dma_semaphore, #tpu.memory_space<semaphore_mem>>, %arg30: memref<!tpu.dma_semaphore, #tpu.memory_space<semaphore_mem>>, %arg31: memref<!tpu.dma_semaphore, #tpu.memory_space<semaphore_mem>>, %arg32: memref<!tpu.dma_semaphore, #tpu.memory_space<semaphore_mem>>, %arg33: memref<!tpu.dma_semaphore, #tpu.memory_space<semaphore_mem>>, %arg34: memref<!tpu.dma_semaphore, #tpu.memory_space<semaphore_mem>>, %arg35: memref<!tpu.dma_semaphore, #tpu.memory_space<semaphore_mem>>, %arg36: memref<!tpu.dma_semaphore, #tpu.memory_space<semaphore_mem>>, %arg37: memref<!tpu.dma_semaphore, #tpu.memory_space<semaphore_mem>>) attributes {dimension_semantics = [#tpu.dimension_semantics<core_parallel>, #tpu.dimension_semantics<subcore_parallel>], iteration_bounds = array<i64: 2, 16>, scalar_prefetch = 0 : i64, scratch_operands = 31 : i64, tpu.core_type = #tpu.core_type<sc_vector_subcore>, window_params = [{transform_indices = #map}, {transform_indices = #map1}, {transform_indices = #map1}, {transform_indices = #map}, {transform_indices = #map2}]} {
    %lt3A = arith.constant 10 : i32
    %lt3A_0 = arith.cmpi slt, %arg1, %lt3A : i32
    %convert_element_type3A = arith.extui %lt3A_0 : i1 to i32
    %cond3A = arith.constant 0 : i32
    %cond3A_1 = arith.cmpi ne, %convert_element_type3A, %cond3A : i32
    scf.if %cond3A_1 {
      %mul3A_66 = arith.constant 1000 : i32
      %mul3A_67 = arith.muli %arg1, %mul3A_66 : i32
      %mul3A_68 = arith.constant 1000 : i32
      %mul3A_69 = arith.muli %arg1, %mul3A_68 : i32
      "tpu.region"() ({
        %run_scoped3A = tpu.sem_alloc : memref<!tpu.dma_semaphore, #tpu.memory_space<semaphore_mem>>
        %dma_start3A_70 = arith.constant 0 : i32
        %dma_start3A_71 = tpu.memref_slice %arg7[%mul3A_69, %dma_start3A_70] : memref<10008x128xf32, #tpu.memory_space<vmem_shared>> -> memref<1000x128xf32, #tpu.memory_space<vmem_shared>>
        %dma_start3A_72 = arith.constant 0 : i32
        %dma_start3A_73 = tpu.memref_slice %arg5[%mul3A_67, %dma_start3A_72] : memref<10000x128xf32, #tpu.memory_space<hbm>> -> memref<1000x128xf32, #tpu.memory_space<hbm>>
        tpu.enqueue_dma source(%dma_start3A_73 : memref<1000x128xf32, #tpu.memory_space<hbm>>) target(%dma_start3A_71 : memref<1000x128xf32, #tpu.memory_space<vmem_shared>>) target_semaphore(%run_scoped3A : memref<!tpu.dma_semaphore, #tpu.memory_space<semaphore_mem>>)
        %dma_wait3A_74 = arith.constant 0 : i32
        %dma_wait3A_75 = tpu.memref_slice %arg7[%mul3A_69, %dma_wait3A_74] : memref<10008x128xf32, #tpu.memory_space<vmem_shared>> -> memref<1000x128xf32, #tpu.memory_space<vmem_shared>>
        %dma_wait3A_76 = arith.constant 0 : i32
        %dma_wait3A_77 = tpu.memref_slice %arg5[%mul3A_67, %dma_wait3A_76] : memref<10000x128xf32, #tpu.memory_space<hbm>> -> memref<1000x128xf32, #tpu.memory_space<hbm>>
        tpu.wait_dma2 semaphore(%run_scoped3A : memref<!tpu.dma_semaphore, #tpu.memory_space<semaphore_mem>>) src(%dma_wait3A_77 : memref<1000x128xf32, #tpu.memory_space<hbm>>) dst(%dma_wait3A_75 : memref<1000x128xf32, #tpu.memory_space<vmem_shared>>)
        tpu.yield
      }) : () -> ()
    } else {
    }
    %barrier3A = arith.constant 0 : index
    tpu.barrier barrier_id(%barrier3A)
    %mul3A = arith.constant 322560 : i32
    %mul3A_2 = arith.muli %arg0, %mul3A : i32
    %mul3A_3 = arith.constant 20160 : i32
    %mul3A_4 = arith.muli %arg1, %mul3A_3 : i32
    %add3A = arith.addi %mul3A_2, %mul3A_4 : i32
    %add3A_5 = arith.constant 0 : i32
    %add3A_6 = arith.addi %add3A, %add3A_5 : i32
    %dma_start3A = tpu.memref_slice %arg3[%add3A_6] : memref<645120xi32, #tpu.memory_space<hbm>> -> memref<72xi32, #tpu.memory_space<hbm>>
    %dma_start3A_7 = tpu.memref_slice %arg3[%add3A_6] : memref<645120xi32, #tpu.memory_space<hbm>> -> memref<72xi32, #tpu.memory_space<hbm>>
    tpu.enqueue_dma source(%dma_start3A_7 : memref<72xi32, #tpu.memory_space<hbm>>) target(%arg8 : memref<72xi32, #tpu.memory_space<vmem>>) target_semaphore(%arg23 : memref<!tpu.dma_semaphore, #tpu.memory_space<semaphore_mem>>)
    %add3A_8 = arith.constant 0 : i32
    %add3A_9 = arith.addi %add3A, %add3A_8 : i32
    %dma_start3A_10 = tpu.memref_slice %arg4[%add3A_9] : memref<645120xi32, #tpu.memory_space<hbm>> -> memref<72xi32, #tpu.memory_space<hbm>>
    %dma_start3A_11 = tpu.memref_slice %arg4[%add3A_9] : memref<645120xi32, #tpu.memory_space<hbm>> -> memref<72xi32, #tpu.memory_space<hbm>>
    tpu.enqueue_dma source(%dma_start3A_11 : memref<72xi32, #tpu.memory_space<hbm>>) target(%arg13 : memref<72xi32, #tpu.memory_space<vmem>>) target_semaphore(%arg23 : memref<!tpu.dma_semaphore, #tpu.memory_space<semaphore_mem>>)
    %add3A_12 = arith.constant 72 : i32
    %add3A_13 = arith.addi %add3A, %add3A_12 : i32
    %dma_start3A_14 = tpu.memref_slice %arg3[%add3A_13] : memref<645120xi32, #tpu.memory_space<hbm>> -> memref<72xi32, #tpu.memory_space<hbm>>
    %dma_start3A_15 = tpu.memref_slice %arg3[%add3A_13] : memref<645120xi32, #tpu.memory_space<hbm>> -> memref<72xi32, #tpu.memory_space<hbm>>
    tpu.enqueue_dma source(%dma_start3A_15 : memref<72xi32, #tpu.memory_space<hbm>>) target(%arg9 : memref<72xi32, #tpu.memory_space<vmem>>) target_semaphore(%arg24 : memref<!tpu.dma_semaphore, #tpu.memory_space<semaphore_mem>>)
    %add3A_16 = arith.constant 72 : i32
    %add3A_17 = arith.addi %add3A, %add3A_16 : i32
    %dma_start3A_18 = tpu.memref_slice %arg4[%add3A_17] : memref<645120xi32, #tpu.memory_space<hbm>> -> memref<72xi32, #tpu.memory_space<hbm>>
    %dma_start3A_19 = tpu.memref_slice %arg4[%add3A_17] : memref<645120xi32, #tpu.memory_space<hbm>> -> memref<72xi32, #tpu.memory_space<hbm>>
    tpu.enqueue_dma source(%dma_start3A_19 : memref<72xi32, #tpu.memory_space<hbm>>) target(%arg14 : memref<72xi32, #tpu.memory_space<vmem>>) target_semaphore(%arg24 : memref<!tpu.dma_semaphore, #tpu.memory_space<semaphore_mem>>)
    %add3A_20 = arith.constant 144 : i32
    %add3A_21 = arith.addi %add3A, %add3A_20 : i32
    %dma_start3A_22 = tpu.memref_slice %arg3[%add3A_21] : memref<645120xi32, #tpu.memory_space<hbm>> -> memref<72xi32, #tpu.memory_space<hbm>>
    %dma_start3A_23 = tpu.memref_slice %arg3[%add3A_21] : memref<645120xi32, #tpu.memory_space<hbm>> -> memref<72xi32, #tpu.memory_space<hbm>>
    tpu.enqueue_dma source(%dma_start3A_23 : memref<72xi32, #tpu.memory_space<hbm>>) target(%arg10 : memref<72xi32, #tpu.memory_space<vmem>>) target_semaphore(%arg25 : memref<!tpu.dma_semaphore, #tpu.memory_space<semaphore_mem>>)
    %add3A_24 = arith.constant 144 : i32
    %add3A_25 = arith.addi %add3A, %add3A_24 : i32
    %dma_start3A_26 = tpu.memref_slice %arg4[%add3A_25] : memref<645120xi32, #tpu.memory_space<hbm>> -> memref<72xi32, #tpu.memory_space<hbm>>
    %dma_start3A_27 = tpu.memref_slice %arg4[%add3A_25] : memref<645120xi32, #tpu.memory_space<hbm>> -> memref<72xi32, #tpu.memory_space<hbm>>
    tpu.enqueue_dma source(%dma_start3A_27 : memref<72xi32, #tpu.memory_space<hbm>>) target(%arg15 : memref<72xi32, #tpu.memory_space<vmem>>) target_semaphore(%arg25 : memref<!tpu.dma_semaphore, #tpu.memory_space<semaphore_mem>>)
    %add3A_28 = arith.constant 0 : i32
    %add3A_29 = arith.addi %add3A, %add3A_28 : i32
    %dma_wait3A = tpu.memref_slice %arg3[%add3A_29] : memref<645120xi32, #tpu.memory_space<hbm>> -> memref<72xi32, #tpu.memory_space<hbm>>
    %dma_wait3A_30 = tpu.memref_slice %arg3[%add3A_29] : memref<645120xi32, #tpu.memory_space<hbm>> -> memref<72xi32, #tpu.memory_space<hbm>>
    tpu.wait_dma2 semaphore(%arg23 : memref<!tpu.dma_semaphore, #tpu.memory_space<semaphore_mem>>) src(%dma_wait3A_30 : memref<72xi32, #tpu.memory_space<hbm>>) dst(%arg8 : memref<72xi32, #tpu.memory_space<vmem>>)
    %add3A_31 = arith.constant 0 : i32
    %add3A_32 = arith.addi %add3A, %add3A_31 : i32
    %dma_wait3A_33 = tpu.memref_slice %arg4[%add3A_32] : memref<645120xi32, #tpu.memory_space<hbm>> -> memref<72xi32, #tpu.memory_space<hbm>>
    %dma_wait3A_34 = tpu.memref_slice %arg4[%add3A_32] : memref<645120xi32, #tpu.memory_space<hbm>> -> memref<72xi32, #tpu.memory_space<hbm>>
    tpu.wait_dma2 semaphore(%arg23 : memref<!tpu.dma_semaphore, #tpu.memory_space<semaphore_mem>>) src(%dma_wait3A_34 : memref<72xi32, #tpu.memory_space<hbm>>) dst(%arg13 : memref<72xi32, #tpu.memory_space<vmem>>)
    %dma_start3A_35 = arith.constant 0 : i32
    %dma_start3A_36 = arith.constant 0 : i32
    %dma_start3A_37 = tpu.memref_slice %arg2[%dma_start3A_35, %dma_start3A_36] : memref<20000x128xf32, #tpu.memory_space<hbm>> -> memref<20000x128xf32, #tpu.memory_space<hbm>>
    tpu.enqueue_indirect_dma source(%dma_start3A_37 : memref<20000x128xf32, #tpu.memory_space<hbm>>) target(%arg18 : memref<72x128xf32, #tpu.memory_space<vmem>>) offsets(%arg8 : memref<72xi32, #tpu.memory_space<vmem>>) semaphore(%arg28 : memref<!tpu.dma_semaphore, #tpu.memory_space<semaphore_mem>>)
    %add3A_38 = arith.constant 72 : i32
    %add3A_39 = arith.addi %add3A, %add3A_38 : i32
    %dma_wait3A_40 = tpu.memref_slice %arg3[%add3A_39] : memref<645120xi32, #tpu.memory_space<hbm>> -> memref<72xi32, #tpu.memory_space<hbm>>
    %dma_wait3A_41 = tpu.memref_slice %arg3[%add3A_39] : memref<645120xi32, #tpu.memory_space<hbm>> -> memref<72xi32, #tpu.memory_space<hbm>>
    tpu.wait_dma2 semaphore(%arg24 : memref<!tpu.dma_semaphore, #tpu.memory_space<semaphore_mem>>) src(%dma_wait3A_41 : memref<72xi32, #tpu.memory_space<hbm>>) dst(%arg9 : memref<72xi32, #tpu.memory_space<vmem>>)
    %add3A_42 = arith.constant 72 : i32
    %add3A_43 = arith.addi %add3A, %add3A_42 : i32
    %dma_wait3A_44 = tpu.memref_slice %arg4[%add3A_43] : memref<645120xi32, #tpu.memory_space<hbm>> -> memref<72xi32, #tpu.memory_space<hbm>>
    %dma_wait3A_45 = tpu.memref_slice %arg4[%add3A_43] : memref<645120xi32, #tpu.memory_space<hbm>> -> memref<72xi32, #tpu.memory_space<hbm>>
    tpu.wait_dma2 semaphore(%arg24 : memref<!tpu.dma_semaphore, #tpu.memory_space<semaphore_mem>>) src(%dma_wait3A_45 : memref<72xi32, #tpu.memory_space<hbm>>) dst(%arg14 : memref<72xi32, #tpu.memory_space<vmem>>)
    %dma_start3A_46 = arith.constant 0 : i32
    %dma_start3A_47 = arith.constant 0 : i32
    %dma_start3A_48 = tpu.memref_slice %arg2[%dma_start3A_46, %dma_start3A_47] : memref<20000x128xf32, #tpu.memory_space<hbm>> -> memref<20000x128xf32, #tpu.memory_space<hbm>>
    tpu.enqueue_indirect_dma source(%dma_start3A_48 : memref<20000x128xf32, #tpu.memory_space<hbm>>) target(%arg19 : memref<72x128xf32, #tpu.memory_space<vmem>>) offsets(%arg9 : memref<72xi32, #tpu.memory_space<vmem>>) semaphore(%arg29 : memref<!tpu.dma_semaphore, #tpu.memory_space<semaphore_mem>>)
    %scan3A = arith.constant 0 : i32
    %scan3A_49 = arith.constant 0 : i32
    %scan3A_50 = arith.constant 56 : i32
    %scan3A_51 = arith.addi %scan3A_49, %scan3A_50 : i32
    %scan3A_52 = arith.constant 1 : i32
    scf.for %scan3A_66 = %scan3A_49 to %scan3A_51 step %scan3A_52  : i32 {
      %mul3A_67 = arith.constant 5 : i32
      %mul3A_68 = arith.muli %mul3A_67, %scan3A_66 : i32
      %add3A_69 = arith.constant 0 : i32
      %add3A_70 = arith.addi %mul3A_68, %add3A_69 : i32
      %dma_wait3A_71 = arith.constant 0 : i32
      %dma_wait3A_72 = arith.constant 0 : i32
      %dma_wait3A_73 = tpu.memref_slice %arg2[%dma_wait3A_71, %dma_wait3A_72] : memref<20000x128xf32, #tpu.memory_space<hbm>> -> memref<20000x128xf32, #tpu.memory_space<hbm>>
      tpu.wait_indirect_dma semaphore(%arg28 : memref<!tpu.dma_semaphore, #tpu.memory_space<semaphore_mem>>) src(%dma_wait3A_73 : memref<20000x128xf32, #tpu.memory_space<hbm>>) dst(%arg18 : memref<72x128xf32, #tpu.memory_space<vmem>>)
      %dma_start3A_74 = arith.constant 0 : i32
      %dma_start3A_75 = arith.constant 0 : i32
      %dma_start3A_76 = tpu.memref_slice %arg7[%dma_start3A_74, %dma_start3A_75] : memref<10008x128xf32, #tpu.memory_space<vmem_shared>> -> memref<10008x128xf32, #tpu.memory_space<vmem_shared>>
      tpu.enqueue_indirect_dma source(%arg18 : memref<72x128xf32, #tpu.memory_space<vmem>>) target(%dma_start3A_76 : memref<10008x128xf32, #tpu.memory_space<vmem_shared>>) offsets(%arg13 : memref<72xi32, #tpu.memory_space<vmem>>) semaphore(%arg33 : memref<!tpu.dma_semaphore, #tpu.memory_space<semaphore_mem>>) {add = true}
      %gt3A = arith.constant 0 : i32
      %gt3A_77 = arith.cmpi sgt, %scan3A_66, %gt3A : i32
      %convert_element_type3A_78 = arith.extui %gt3A_77 : i1 to i32
      %cond3A_79 = arith.constant 0 : i32
      %cond3A_80 = arith.cmpi ne, %convert_element_type3A_78, %cond3A_79 : i32
      scf.if %cond3A_80 {
        %dma_wait3A_229 = arith.constant 0 : i32
        %dma_wait3A_230 = arith.constant 0 : i32
        %dma_wait3A_231 = tpu.memref_slice %arg7[%dma_wait3A_229, %dma_wait3A_230] : memref<10008x128xf32, #tpu.memory_space<vmem_shared>> -> memref<10008x128xf32, #tpu.memory_space<vmem_shared>>
        tpu.wait_indirect_dma semaphore(%arg36 : memref<!tpu.dma_semaphore, #tpu.memory_space<semaphore_mem>>) src(%arg21 : memref<72x128xf32, #tpu.memory_space<vmem>>) dst(%dma_wait3A_231 : memref<10008x128xf32, #tpu.memory_space<vmem_shared>>)
      } else {
      }
      %add3A_81 = arith.constant 3 : i32
      %add3A_82 = arith.addi %add3A_70, %add3A_81 : i32
      %mul3A_83 = arith.constant 72 : i32
      %mul3A_84 = arith.muli %add3A_82, %mul3A_83 : i32
      %add3A_85 = arith.addi %add3A, %mul3A_84 : i32
      %dma_start3A_86 = tpu.memref_slice %arg3[%add3A_85] : memref<645120xi32, #tpu.memory_space<hbm>> -> memref<72xi32, #tpu.memory_space<hbm>>
      %dma_start3A_87 = tpu.memref_slice %arg3[%add3A_85] : memref<645120xi32, #tpu.memory_space<hbm>> -> memref<72xi32, #tpu.memory_space<hbm>>
      tpu.enqueue_dma source(%dma_start3A_87 : memref<72xi32, #tpu.memory_space<hbm>>) target(%arg11 : memref<72xi32, #tpu.memory_space<vmem>>) target_semaphore(%arg26 : memref<!tpu.dma_semaphore, #tpu.memory_space<semaphore_mem>>)
      %mul3A_88 = arith.constant 72 : i32
      %mul3A_89 = arith.muli %add3A_82, %mul3A_88 : i32
      %add3A_90 = arith.addi %add3A, %mul3A_89 : i32
      %dma_start3A_91 = tpu.memref_slice %arg4[%add3A_90] : memref<645120xi32, #tpu.memory_space<hbm>> -> memref<72xi32, #tpu.memory_space<hbm>>
      %dma_start3A_92 = tpu.memref_slice %arg4[%add3A_90] : memref<645120xi32, #tpu.memory_space<hbm>> -> memref<72xi32, #tpu.memory_space<hbm>>
      tpu.enqueue_dma source(%dma_start3A_92 : memref<72xi32, #tpu.memory_space<hbm>>) target(%arg16 : memref<72xi32, #tpu.memory_space<vmem>>) target_semaphore(%arg26 : memref<!tpu.dma_semaphore, #tpu.memory_space<semaphore_mem>>)
      %add3A_93 = arith.constant 2 : i32
      %add3A_94 = arith.addi %add3A_70, %add3A_93 : i32
      %mul3A_95 = arith.constant 72 : i32
      %mul3A_96 = arith.muli %add3A_94, %mul3A_95 : i32
      %add3A_97 = arith.addi %add3A, %mul3A_96 : i32
      %dma_wait3A_98 = tpu.memref_slice %arg3[%add3A_97] : memref<645120xi32, #tpu.memory_space<hbm>> -> memref<72xi32, #tpu.memory_space<hbm>>
      %dma_wait3A_99 = tpu.memref_slice %arg3[%add3A_97] : memref<645120xi32, #tpu.memory_space<hbm>> -> memref<72xi32, #tpu.memory_space<hbm>>
      tpu.wait_dma2 semaphore(%arg25 : memref<!tpu.dma_semaphore, #tpu.memory_space<semaphore_mem>>) src(%dma_wait3A_99 : memref<72xi32, #tpu.memory_space<hbm>>) dst(%arg10 : memref<72xi32, #tpu.memory_space<vmem>>)
      %mul3A_100 = arith.constant 72 : i32
      %mul3A_101 = arith.muli %add3A_94, %mul3A_100 : i32
      %add3A_102 = arith.addi %add3A, %mul3A_101 : i32
      %dma_wait3A_103 = tpu.memref_slice %arg4[%add3A_102] : memref<645120xi32, #tpu.memory_space<hbm>> -> memref<72xi32, #tpu.memory_space<hbm>>
      %dma_wait3A_104 = tpu.memref_slice %arg4[%add3A_102] : memref<645120xi32, #tpu.memory_space<hbm>> -> memref<72xi32, #tpu.memory_space<hbm>>
      tpu.wait_dma2 semaphore(%arg25 : memref<!tpu.dma_semaphore, #tpu.memory_space<semaphore_mem>>) src(%dma_wait3A_104 : memref<72xi32, #tpu.memory_space<hbm>>) dst(%arg15 : memref<72xi32, #tpu.memory_space<vmem>>)
      %dma_start3A_105 = arith.constant 0 : i32
      %dma_start3A_106 = arith.constant 0 : i32
      %dma_start3A_107 = tpu.memref_slice %arg2[%dma_start3A_105, %dma_start3A_106] : memref<20000x128xf32, #tpu.memory_space<hbm>> -> memref<20000x128xf32, #tpu.memory_space<hbm>>
      tpu.enqueue_indirect_dma source(%dma_start3A_107 : memref<20000x128xf32, #tpu.memory_space<hbm>>) target(%arg20 : memref<72x128xf32, #tpu.memory_space<vmem>>) offsets(%arg10 : memref<72xi32, #tpu.memory_space<vmem>>) semaphore(%arg30 : memref<!tpu.dma_semaphore, #tpu.memory_space<semaphore_mem>>)
      %mul3A_108 = arith.constant 5 : i32
      %mul3A_109 = arith.muli %mul3A_108, %scan3A_66 : i32
      %add3A_110 = arith.constant 1 : i32
      %add3A_111 = arith.addi %mul3A_109, %add3A_110 : i32
      %dma_wait3A_112 = arith.constant 0 : i32
      %dma_wait3A_113 = arith.constant 0 : i32
      %dma_wait3A_114 = tpu.memref_slice %arg2[%dma_wait3A_112, %dma_wait3A_113] : memref<20000x128xf32, #tpu.memory_space<hbm>> -> memref<20000x128xf32, #tpu.memory_space<hbm>>
      tpu.wait_indirect_dma semaphore(%arg29 : memref<!tpu.dma_semaphore, #tpu.memory_space<semaphore_mem>>) src(%dma_wait3A_114 : memref<20000x128xf32, #tpu.memory_space<hbm>>) dst(%arg19 : memref<72x128xf32, #tpu.memory_space<vmem>>)
      %dma_start3A_115 = arith.constant 0 : i32
      %dma_start3A_116 = arith.constant 0 : i32
      %dma_start3A_117 = tpu.memref_slice %arg7[%dma_start3A_115, %dma_start3A_116] : memref<10008x128xf32, #tpu.memory_space<vmem_shared>> -> memref<10008x128xf32, #tpu.memory_space<vmem_shared>>
      tpu.enqueue_indirect_dma source(%arg19 : memref<72x128xf32, #tpu.memory_space<vmem>>) target(%dma_start3A_117 : memref<10008x128xf32, #tpu.memory_space<vmem_shared>>) offsets(%arg14 : memref<72xi32, #tpu.memory_space<vmem>>) semaphore(%arg34 : memref<!tpu.dma_semaphore, #tpu.memory_space<semaphore_mem>>) {add = true}
      %gt3A_118 = arith.constant 0 : i32
      %gt3A_119 = arith.cmpi sgt, %scan3A_66, %gt3A_118 : i32
      %convert_element_type3A_120 = arith.extui %gt3A_119 : i1 to i32
      %cond3A_121 = arith.constant 0 : i32
      %cond3A_122 = arith.cmpi ne, %convert_element_type3A_120, %cond3A_121 : i32
      scf.if %cond3A_122 {
        %dma_wait3A_229 = arith.constant 0 : i32
        %dma_wait3A_230 = arith.constant 0 : i32
        %dma_wait3A_231 = tpu.memref_slice %arg7[%dma_wait3A_229, %dma_wait3A_230] : memref<10008x128xf32, #tpu.memory_space<vmem_shared>> -> memref<10008x128xf32, #tpu.memory_space<vmem_shared>>
        tpu.wait_indirect_dma semaphore(%arg37 : memref<!tpu.dma_semaphore, #tpu.memory_space<semaphore_mem>>) src(%arg22 : memref<72x128xf32, #tpu.memory_space<vmem>>) dst(%dma_wait3A_231 : memref<10008x128xf32, #tpu.memory_space<vmem_shared>>)
      } else {
      }
      %add3A_123 = arith.constant 3 : i32
      %add3A_124 = arith.addi %add3A_111, %add3A_123 : i32
      %mul3A_125 = arith.constant 72 : i32
      %mul3A_126 = arith.muli %add3A_124, %mul3A_125 : i32
      %add3A_127 = arith.addi %add3A, %mul3A_126 : i32
      %dma_start3A_128 = tpu.memref_slice %arg3[%add3A_127] : memref<645120xi32, #tpu.memory_space<hbm>> -> memref<72xi32, #tpu.memory_space<hbm>>
      %dma_start3A_129 = tpu.memref_slice %arg3[%add3A_127] : memref<645120xi32, #tpu.memory_space<hbm>> -> memref<72xi32, #tpu.memory_space<hbm>>
      tpu.enqueue_dma source(%dma_start3A_129 : memref<72xi32, #tpu.memory_space<hbm>>) target(%arg12 : memref<72xi32, #tpu.memory_space<vmem>>) target_semaphore(%arg27 : memref<!tpu.dma_semaphore, #tpu.memory_space<semaphore_mem>>)
      %mul3A_130 = arith.constant 72 : i32
      %mul3A_131 = arith.muli %add3A_124, %mul3A_130 : i32
      %add3A_132 = arith.addi %add3A, %mul3A_131 : i32
      %dma_start3A_133 = tpu.memref_slice %arg4[%add3A_132] : memref<645120xi32, #tpu.memory_space<hbm>> -> memref<72xi32, #tpu.memory_space<hbm>>
      %dma_start3A_134 = tpu.memref_slice %arg4[%add3A_132] : memref<645120xi32, #tpu.memory_space<hbm>> -> memref<72xi32, #tpu.memory_space<hbm>>
      tpu.enqueue_dma source(%dma_start3A_134 : memref<72xi32, #tpu.memory_space<hbm>>) target(%arg17 : memref<72xi32, #tpu.memory_space<vmem>>) target_semaphore(%arg27 : memref<!tpu.dma_semaphore, #tpu.memory_space<semaphore_mem>>)
      %add3A_135 = arith.constant 2 : i32
      %add3A_136 = arith.addi %add3A_111, %add3A_135 : i32
      %mul3A_137 = arith.constant 72 : i32
      %mul3A_138 = arith.muli %add3A_136, %mul3A_137 : i32
      %add3A_139 = arith.addi %add3A, %mul3A_138 : i32
      %dma_wait3A_140 = tpu.memref_slice %arg3[%add3A_139] : memref<645120xi32, #tpu.memory_space<hbm>> -> memref<72xi32, #tpu.memory_space<hbm>>
      %dma_wait3A_141 = tpu.memref_slice %arg3[%add3A_139] : memref<645120xi32, #tpu.memory_space<hbm>> -> memref<72xi32, #tpu.memory_space<hbm>>
      tpu.wait_dma2 semaphore(%arg26 : memref<!tpu.dma_semaphore, #tpu.memory_space<semaphore_mem>>) src(%dma_wait3A_141 : memref<72xi32, #tpu.memory_space<hbm>>) dst(%arg11 : memref<72xi32, #tpu.memory_space<vmem>>)
      %mul3A_142 = arith.constant 72 : i32
      %mul3A_143 = arith.muli %add3A_136, %mul3A_142 : i32
      %add3A_144 = arith.addi %add3A, %mul3A_143 : i32
      %dma_wait3A_145 = tpu.memref_slice %arg4[%add3A_144] : memref<645120xi32, #tpu.memory_space<hbm>> -> memref<72xi32, #tpu.memory_space<hbm>>
      %dma_wait3A_146 = tpu.memref_slice %arg4[%add3A_144] : memref<645120xi32, #tpu.memory_space<hbm>> -> memref<72xi32, #tpu.memory_space<hbm>>
      tpu.wait_dma2 semaphore(%arg26 : memref<!tpu.dma_semaphore, #tpu.memory_space<semaphore_mem>>) src(%dma_wait3A_146 : memref<72xi32, #tpu.memory_space<hbm>>) dst(%arg16 : memref<72xi32, #tpu.memory_space<vmem>>)
      %dma_start3A_147 = arith.constant 0 : i32
      %dma_start3A_148 = arith.constant 0 : i32
      %dma_start3A_149 = tpu.memref_slice %arg2[%dma_start3A_147, %dma_start3A_148] : memref<20000x128xf32, #tpu.memory_space<hbm>> -> memref<20000x128xf32, #tpu.memory_space<hbm>>
      tpu.enqueue_indirect_dma source(%dma_start3A_149 : memref<20000x128xf32, #tpu.memory_space<hbm>>) target(%arg21 : memref<72x128xf32, #tpu.memory_space<vmem>>) offsets(%arg11 : memref<72xi32, #tpu.memory_space<vmem>>) semaphore(%arg31 : memref<!tpu.dma_semaphore, #tpu.memory_space<semaphore_mem>>)
      %mul3A_150 = arith.constant 5 : i32
      %mul3A_151 = arith.muli %mul3A_150, %scan3A_66 : i32
      %add3A_152 = arith.constant 2 : i32
      %add3A_153 = arith.addi %mul3A_151, %add3A_152 : i32
      %dma_wait3A_154 = arith.constant 0 : i32
      %dma_wait3A_155 = arith.constant 0 : i32
      %dma_wait3A_156 = tpu.memref_slice %arg2[%dma_wait3A_154, %dma_wait3A_155] : memref<20000x128xf32, #tpu.memory_space<hbm>> -> memref<20000x128xf32, #tpu.memory_space<hbm>>
      tpu.wait_indirect_dma semaphore(%arg30 : memref<!tpu.dma_semaphore, #tpu.memory_space<semaphore_mem>>) src(%dma_wait3A_156 : memref<20000x128xf32, #tpu.memory_space<hbm>>) dst(%arg20 : memref<72x128xf32, #tpu.memory_space<vmem>>)
      %dma_start3A_157 = arith.constant 0 : i32
      %dma_start3A_158 = arith.constant 0 : i32
      %dma_start3A_159 = tpu.memref_slice %arg7[%dma_start3A_157, %dma_start3A_158] : memref<10008x128xf32, #tpu.memory_space<vmem_shared>> -> memref<10008x128xf32, #tpu.memory_space<vmem_shared>>
      tpu.enqueue_indirect_dma source(%arg20 : memref<72x128xf32, #tpu.memory_space<vmem>>) target(%dma_start3A_159 : memref<10008x128xf32, #tpu.memory_space<vmem_shared>>) offsets(%arg15 : memref<72xi32, #tpu.memory_space<vmem>>) semaphore(%arg35 : memref<!tpu.dma_semaphore, #tpu.memory_space<semaphore_mem>>) {add = true}
      %dma_wait3A_160 = arith.constant 0 : i32
      %dma_wait3A_161 = arith.constant 0 : i32
      %dma_wait3A_162 = tpu.memref_slice %arg7[%dma_wait3A_160, %dma_wait3A_161] : memref<10008x128xf32, #tpu.memory_space<vmem_shared>> -> memref<10008x128xf32, #tpu.memory_space<vmem_shared>>
      tpu.wait_indirect_dma semaphore(%arg33 : memref<!tpu.dma_semaphore, #tpu.memory_space<semaphore_mem>>) src(%arg18 : memref<72x128xf32, #tpu.memory_space<vmem>>) dst(%dma_wait3A_162 : memref<10008x128xf32, #tpu.memory_space<vmem_shared>>)
      %lt3A_163 = arith.constant 55 : i32
      %lt3A_164 = arith.cmpi slt, %scan3A_66, %lt3A_163 : i32
      %convert_element_type3A_165 = arith.extui %lt3A_164 : i1 to i32
      %cond3A_166 = arith.constant 0 : i32
      %cond3A_167 = arith.cmpi ne, %convert_element_type3A_165, %cond3A_166 : i32
      scf.if %cond3A_167 {
        %add3A_229 = arith.constant 3 : i32
        %add3A_230 = arith.addi %add3A_153, %add3A_229 : i32
        %mul3A_231 = arith.constant 72 : i32
        %mul3A_232 = arith.muli %add3A_230, %mul3A_231 : i32
        %add3A_233 = arith.addi %add3A, %mul3A_232 : i32
        %dma_start3A_234 = tpu.memref_slice %arg3[%add3A_233] : memref<645120xi32, #tpu.memory_space<hbm>> -> memref<72xi32, #tpu.memory_space<hbm>>
        %dma_start3A_235 = tpu.memref_slice %arg3[%add3A_233] : memref<645120xi32, #tpu.memory_space<hbm>> -> memref<72xi32, #tpu.memory_space<hbm>>
        tpu.enqueue_dma source(%dma_start3A_235 : memref<72xi32, #tpu.memory_space<hbm>>) target(%arg8 : memref<72xi32, #tpu.memory_space<vmem>>) target_semaphore(%arg23 : memref<!tpu.dma_semaphore, #tpu.memory_space<semaphore_mem>>)
        %mul3A_236 = arith.constant 72 : i32
        %mul3A_237 = arith.muli %add3A_230, %mul3A_236 : i32
        %add3A_238 = arith.addi %add3A, %mul3A_237 : i32
        %dma_start3A_239 = tpu.memref_slice %arg4[%add3A_238] : memref<645120xi32, #tpu.memory_space<hbm>> -> memref<72xi32, #tpu.memory_space<hbm>>
        %dma_start3A_240 = tpu.memref_slice %arg4[%add3A_238] : memref<645120xi32, #tpu.memory_space<hbm>> -> memref<72xi32, #tpu.memory_space<hbm>>
        tpu.enqueue_dma source(%dma_start3A_240 : memref<72xi32, #tpu.memory_space<hbm>>) target(%arg13 : memref<72xi32, #tpu.memory_space<vmem>>) target_semaphore(%arg23 : memref<!tpu.dma_semaphore, #tpu.memory_space<semaphore_mem>>)
      } else {
      }
      %add3A_168 = arith.constant 2 : i32
      %add3A_169 = arith.addi %add3A_153, %add3A_168 : i32
      %mul3A_170 = arith.constant 72 : i32
      %mul3A_171 = arith.muli %add3A_169, %mul3A_170 : i32
      %add3A_172 = arith.addi %add3A, %mul3A_171 : i32
      %dma_wait3A_173 = tpu.memref_slice %arg3[%add3A_172] : memref<645120xi32, #tpu.memory_space<hbm>> -> memref<72xi32, #tpu.memory_space<hbm>>
      %dma_wait3A_174 = tpu.memref_slice %arg3[%add3A_172] : memref<645120xi32, #tpu.memory_space<hbm>> -> memref<72xi32, #tpu.memory_space<hbm>>
      tpu.wait_dma2 semaphore(%arg27 : memref<!tpu.dma_semaphore, #tpu.memory_space<semaphore_mem>>) src(%dma_wait3A_174 : memref<72xi32, #tpu.memory_space<hbm>>) dst(%arg12 : memref<72xi32, #tpu.memory_space<vmem>>)
      %mul3A_175 = arith.constant 72 : i32
      %mul3A_176 = arith.muli %add3A_169, %mul3A_175 : i32
      %add3A_177 = arith.addi %add3A, %mul3A_176 : i32
      %dma_wait3A_178 = tpu.memref_slice %arg4[%add3A_177] : memref<645120xi32, #tpu.memory_space<hbm>> -> memref<72xi32, #tpu.memory_space<hbm>>
      %dma_wait3A_179 = tpu.memref_slice %arg4[%add3A_177] : memref<645120xi32, #tpu.memory_space<hbm>> -> memref<72xi32, #tpu.memory_space<hbm>>
      tpu.wait_dma2 semaphore(%arg27 : memref<!tpu.dma_semaphore, #tpu.memory_space<semaphore_mem>>) src(%dma_wait3A_179 : memref<72xi32, #tpu.memory_space<hbm>>) dst(%arg17 : memref<72xi32, #tpu.memory_space<vmem>>)
      %dma_start3A_180 = arith.constant 0 : i32
      %dma_start3A_181 = arith.constant 0 : i32
      %dma_start3A_182 = tpu.memref_slice %arg2[%dma_start3A_180, %dma_start3A_181] : memref<20000x128xf32, #tpu.memory_space<hbm>> -> memref<20000x128xf32, #tpu.memory_space<hbm>>
      tpu.enqueue_indirect_dma source(%dma_start3A_182 : memref<20000x128xf32, #tpu.memory_space<hbm>>) target(%arg22 : memref<72x128xf32, #tpu.memory_space<vmem>>) offsets(%arg12 : memref<72xi32, #tpu.memory_space<vmem>>) semaphore(%arg32 : memref<!tpu.dma_semaphore, #tpu.memory_space<semaphore_mem>>)
      %mul3A_183 = arith.constant 5 : i32
      %mul3A_184 = arith.muli %mul3A_183, %scan3A_66 : i32
      %add3A_185 = arith.constant 3 : i32
      %add3A_186 = arith.addi %mul3A_184, %add3A_185 : i32
      %dma_wait3A_187 = arith.constant 0 : i32
      %dma_wait3A_188 = arith.constant 0 : i32
      %dma_wait3A_189 = tpu.memref_slice %arg2[%dma_wait3A_187, %dma_wait3A_188] : memref<20000x128xf32, #tpu.memory_space<hbm>> -> memref<20000x128xf32, #tpu.memory_space<hbm>>
      tpu.wait_indirect_dma semaphore(%arg31 : memref<!tpu.dma_semaphore, #tpu.memory_space<semaphore_mem>>) src(%dma_wait3A_189 : memref<20000x128xf32, #tpu.memory_space<hbm>>) dst(%arg21 : memref<72x128xf32, #tpu.memory_space<vmem>>)
      %dma_start3A_190 = arith.constant 0 : i32
      %dma_start3A_191 = arith.constant 0 : i32
      %dma_start3A_192 = tpu.memref_slice %arg7[%dma_start3A_190, %dma_start3A_191] : memref<10008x128xf32, #tpu.memory_space<vmem_shared>> -> memref<10008x128xf32, #tpu.memory_space<vmem_shared>>
      tpu.enqueue_indirect_dma source(%arg21 : memref<72x128xf32, #tpu.memory_space<vmem>>) target(%dma_start3A_192 : memref<10008x128xf32, #tpu.memory_space<vmem_shared>>) offsets(%arg16 : memref<72xi32, #tpu.memory_space<vmem>>) semaphore(%arg36 : memref<!tpu.dma_semaphore, #tpu.memory_space<semaphore_mem>>) {add = true}
      %dma_wait3A_193 = arith.constant 0 : i32
      %dma_wait3A_194 = arith.constant 0 : i32
      %dma_wait3A_195 = tpu.memref_slice %arg7[%dma_wait3A_193, %dma_wait3A_194] : memref<10008x128xf32, #tpu.memory_space<vmem_shared>> -> memref<10008x128xf32, #tpu.memory_space<vmem_shared>>
      tpu.wait_indirect_dma semaphore(%arg34 : memref<!tpu.dma_semaphore, #tpu.memory_space<semaphore_mem>>) src(%arg19 : memref<72x128xf32, #tpu.memory_space<vmem>>) dst(%dma_wait3A_195 : memref<10008x128xf32, #tpu.memory_space<vmem_shared>>)
      %lt3A_196 = arith.constant 55 : i32
      %lt3A_197 = arith.cmpi slt, %scan3A_66, %lt3A_196 : i32
      %convert_element_type3A_198 = arith.extui %lt3A_197 : i1 to i32
      %cond3A_199 = arith.constant 0 : i32
      %cond3A_200 = arith.cmpi ne, %convert_element_type3A_198, %cond3A_199 : i32
      scf.if %cond3A_200 {
        %add3A_229 = arith.constant 3 : i32
        %add3A_230 = arith.addi %add3A_186, %add3A_229 : i32
        %mul3A_231 = arith.constant 72 : i32
        %mul3A_232 = arith.muli %add3A_230, %mul3A_231 : i32
        %add3A_233 = arith.addi %add3A, %mul3A_232 : i32
        %dma_start3A_234 = tpu.memref_slice %arg3[%add3A_233] : memref<645120xi32, #tpu.memory_space<hbm>> -> memref<72xi32, #tpu.memory_space<hbm>>
        %dma_start3A_235 = tpu.memref_slice %arg3[%add3A_233] : memref<645120xi32, #tpu.memory_space<hbm>> -> memref<72xi32, #tpu.memory_space<hbm>>
        tpu.enqueue_dma source(%dma_start3A_235 : memref<72xi32, #tpu.memory_space<hbm>>) target(%arg9 : memref<72xi32, #tpu.memory_space<vmem>>) target_semaphore(%arg24 : memref<!tpu.dma_semaphore, #tpu.memory_space<semaphore_mem>>)
        %mul3A_236 = arith.constant 72 : i32
        %mul3A_237 = arith.muli %add3A_230, %mul3A_236 : i32
        %add3A_238 = arith.addi %add3A, %mul3A_237 : i32
        %dma_start3A_239 = tpu.memref_slice %arg4[%add3A_238] : memref<645120xi32, #tpu.memory_space<hbm>> -> memref<72xi32, #tpu.memory_space<hbm>>
        %dma_start3A_240 = tpu.memref_slice %arg4[%add3A_238] : memref<645120xi32, #tpu.memory_space<hbm>> -> memref<72xi32, #tpu.memory_space<hbm>>
        tpu.enqueue_dma source(%dma_start3A_240 : memref<72xi32, #tpu.memory_space<hbm>>) target(%arg14 : memref<72xi32, #tpu.memory_space<vmem>>) target_semaphore(%arg24 : memref<!tpu.dma_semaphore, #tpu.memory_space<semaphore_mem>>)
      } else {
      }
      %lt3A_201 = arith.constant 55 : i32
      %lt3A_202 = arith.cmpi slt, %scan3A_66, %lt3A_201 : i32
      %convert_element_type3A_203 = arith.extui %lt3A_202 : i1 to i32
      %cond3A_204 = arith.constant 0 : i32
      %cond3A_205 = arith.cmpi ne, %convert_element_type3A_203, %cond3A_204 : i32
      scf.if %cond3A_205 {
        %add3A_229 = arith.constant 2 : i32
        %add3A_230 = arith.addi %add3A_186, %add3A_229 : i32
        %mul3A_231 = arith.constant 72 : i32
        %mul3A_232 = arith.muli %add3A_230, %mul3A_231 : i32
        %add3A_233 = arith.addi %add3A, %mul3A_232 : i32
        %dma_wait3A_234 = tpu.memref_slice %arg3[%add3A_233] : memref<645120xi32, #tpu.memory_space<hbm>> -> memref<72xi32, #tpu.memory_space<hbm>>
        %dma_wait3A_235 = tpu.memref_slice %arg3[%add3A_233] : memref<645120xi32, #tpu.memory_space<hbm>> -> memref<72xi32, #tpu.memory_space<hbm>>
        tpu.wait_dma2 semaphore(%arg23 : memref<!tpu.dma_semaphore, #tpu.memory_space<semaphore_mem>>) src(%dma_wait3A_235 : memref<72xi32, #tpu.memory_space<hbm>>) dst(%arg8 : memref<72xi32, #tpu.memory_space<vmem>>)
        %mul3A_236 = arith.constant 72 : i32
        %mul3A_237 = arith.muli %add3A_230, %mul3A_236 : i32
        %add3A_238 = arith.addi %add3A, %mul3A_237 : i32
        %dma_wait3A_239 = tpu.memref_slice %arg4[%add3A_238] : memref<645120xi32, #tpu.memory_space<hbm>> -> memref<72xi32, #tpu.memory_space<hbm>>
        %dma_wait3A_240 = tpu.memref_slice %arg4[%add3A_238] : memref<645120xi32, #tpu.memory_space<hbm>> -> memref<72xi32, #tpu.memory_space<hbm>>
        tpu.wait_dma2 semaphore(%arg23 : memref<!tpu.dma_semaphore, #tpu.memory_space<semaphore_mem>>) src(%dma_wait3A_240 : memref<72xi32, #tpu.memory_space<hbm>>) dst(%arg13 : memref<72xi32, #tpu.memory_space<vmem>>)
        %dma_start3A_241 = arith.constant 0 : i32
        %dma_start3A_242 = arith.constant 0 : i32
        %dma_start3A_243 = tpu.memref_slice %arg2[%dma_start3A_241, %dma_start3A_242] : memref<20000x128xf32, #tpu.memory_space<hbm>> -> memref<20000x128xf32, #tpu.memory_space<hbm>>
        tpu.enqueue_indirect_dma source(%dma_start3A_243 : memref<20000x128xf32, #tpu.memory_space<hbm>>) target(%arg18 : memref<72x128xf32, #tpu.memory_space<vmem>>) offsets(%arg8 : memref<72xi32, #tpu.memory_space<vmem>>) semaphore(%arg28 : memref<!tpu.dma_semaphore, #tpu.memory_space<semaphore_mem>>)
      } else {
      }
      %mul3A_206 = arith.constant 5 : i32
      %mul3A_207 = arith.muli %mul3A_206, %scan3A_66 : i32
      %add3A_208 = arith.constant 4 : i32
      %add3A_209 = arith.addi %mul3A_207, %add3A_208 : i32
      %dma_wait3A_210 = arith.constant 0 : i32
      %dma_wait3A_211 = arith.constant 0 : i32
      %dma_wait3A_212 = tpu.memref_slice %arg2[%dma_wait3A_210, %dma_wait3A_211] : memref<20000x128xf32, #tpu.memory_space<hbm>> -> memref<20000x128xf32, #tpu.memory_space<hbm>>
      tpu.wait_indirect_dma semaphore(%arg32 : memref<!tpu.dma_semaphore, #tpu.memory_space<semaphore_mem>>) src(%dma_wait3A_212 : memref<20000x128xf32, #tpu.memory_space<hbm>>) dst(%arg22 : memref<72x128xf32, #tpu.memory_space<vmem>>)
      %dma_start3A_213 = arith.constant 0 : i32
      %dma_start3A_214 = arith.constant 0 : i32
      %dma_start3A_215 = tpu.memref_slice %arg7[%dma_start3A_213, %dma_start3A_214] : memref<10008x128xf32, #tpu.memory_space<vmem_shared>> -> memref<10008x128xf32, #tpu.memory_space<vmem_shared>>
      tpu.enqueue_indirect_dma source(%arg22 : memref<72x128xf32, #tpu.memory_space<vmem>>) target(%dma_start3A_215 : memref<10008x128xf32, #tpu.memory_space<vmem_shared>>) offsets(%arg17 : memref<72xi32, #tpu.memory_space<vmem>>) semaphore(%arg37 : memref<!tpu.dma_semaphore, #tpu.memory_space<semaphore_mem>>) {add = true}
      %dma_wait3A_216 = arith.constant 0 : i32
      %dma_wait3A_217 = arith.constant 0 : i32
      %dma_wait3A_218 = tpu.memref_slice %arg7[%dma_wait3A_216, %dma_wait3A_217] : memref<10008x128xf32, #tpu.memory_space<vmem_shared>> -> memref<10008x128xf32, #tpu.memory_space<vmem_shared>>
      tpu.wait_indirect_dma semaphore(%arg35 : memref<!tpu.dma_semaphore, #tpu.memory_space<semaphore_mem>>) src(%arg20 : memref<72x128xf32, #tpu.memory_space<vmem>>) dst(%dma_wait3A_218 : memref<10008x128xf32, #tpu.memory_space<vmem_shared>>)
      %lt3A_219 = arith.constant 55 : i32
      %lt3A_220 = arith.cmpi slt, %scan3A_66, %lt3A_219 : i32
      %convert_element_type3A_221 = arith.extui %lt3A_220 : i1 to i32
      %cond3A_222 = arith.constant 0 : i32
      %cond3A_223 = arith.cmpi ne, %convert_element_type3A_221, %cond3A_222 : i32
      scf.if %cond3A_223 {
        %add3A_229 = arith.constant 3 : i32
        %add3A_230 = arith.addi %add3A_209, %add3A_229 : i32
        %mul3A_231 = arith.constant 72 : i32
        %mul3A_232 = arith.muli %add3A_230, %mul3A_231 : i32
        %add3A_233 = arith.addi %add3A, %mul3A_232 : i32
        %dma_start3A_234 = tpu.memref_slice %arg3[%add3A_233] : memref<645120xi32, #tpu.memory_space<hbm>> -> memref<72xi32, #tpu.memory_space<hbm>>
        %dma_start3A_235 = tpu.memref_slice %arg3[%add3A_233] : memref<645120xi32, #tpu.memory_space<hbm>> -> memref<72xi32, #tpu.memory_space<hbm>>
        tpu.enqueue_dma source(%dma_start3A_235 : memref<72xi32, #tpu.memory_space<hbm>>) target(%arg10 : memref<72xi32, #tpu.memory_space<vmem>>) target_semaphore(%arg25 : memref<!tpu.dma_semaphore, #tpu.memory_space<semaphore_mem>>)
        %mul3A_236 = arith.constant 72 : i32
        %mul3A_237 = arith.muli %add3A_230, %mul3A_236 : i32
        %add3A_238 = arith.addi %add3A, %mul3A_237 : i32
        %dma_start3A_239 = tpu.memref_slice %arg4[%add3A_238] : memref<645120xi32, #tpu.memory_space<hbm>> -> memref<72xi32, #tpu.memory_space<hbm>>
        %dma_start3A_240 = tpu.memref_slice %arg4[%add3A_238] : memref<645120xi32, #tpu.memory_space<hbm>> -> memref<72xi32, #tpu.memory_space<hbm>>
        tpu.enqueue_dma source(%dma_start3A_240 : memref<72xi32, #tpu.memory_space<hbm>>) target(%arg15 : memref<72xi32, #tpu.memory_space<vmem>>) target_semaphore(%arg25 : memref<!tpu.dma_semaphore, #tpu.memory_space<semaphore_mem>>)
      } else {
      }
      %lt3A_224 = arith.constant 55 : i32
      %lt3A_225 = arith.cmpi slt, %scan3A_66, %lt3A_224 : i32
      %convert_element_type3A_226 = arith.extui %lt3A_225 : i1 to i32
      %cond3A_227 = arith.constant 0 : i32
      %cond3A_228 = arith.cmpi ne, %convert_element_type3A_226, %cond3A_227 : i32
      scf.if %cond3A_228 {
        %add3A_229 = arith.constant 2 : i32
        %add3A_230 = arith.addi %add3A_209, %add3A_229 : i32
        %mul3A_231 = arith.constant 72 : i32
        %mul3A_232 = arith.muli %add3A_230, %mul3A_231 : i32
        %add3A_233 = arith.addi %add3A, %mul3A_232 : i32
        %dma_wait3A_234 = tpu.memref_slice %arg3[%add3A_233] : memref<645120xi32, #tpu.memory_space<hbm>> -> memref<72xi32, #tpu.memory_space<hbm>>
        %dma_wait3A_235 = tpu.memref_slice %arg3[%add3A_233] : memref<645120xi32, #tpu.memory_space<hbm>> -> memref<72xi32, #tpu.memory_space<hbm>>
        tpu.wait_dma2 semaphore(%arg24 : memref<!tpu.dma_semaphore, #tpu.memory_space<semaphore_mem>>) src(%dma_wait3A_235 : memref<72xi32, #tpu.memory_space<hbm>>) dst(%arg9 : memref<72xi32, #tpu.memory_space<vmem>>)
        %mul3A_236 = arith.constant 72 : i32
        %mul3A_237 = arith.muli %add3A_230, %mul3A_236 : i32
        %add3A_238 = arith.addi %add3A, %mul3A_237 : i32
        %dma_wait3A_239 = tpu.memref_slice %arg4[%add3A_238] : memref<645120xi32, #tpu.memory_space<hbm>> -> memref<72xi32, #tpu.memory_space<hbm>>
        %dma_wait3A_240 = tpu.memref_slice %arg4[%add3A_238] : memref<645120xi32, #tpu.memory_space<hbm>> -> memref<72xi32, #tpu.memory_space<hbm>>
        tpu.wait_dma2 semaphore(%arg24 : memref<!tpu.dma_semaphore, #tpu.memory_space<semaphore_mem>>) src(%dma_wait3A_240 : memref<72xi32, #tpu.memory_space<hbm>>) dst(%arg14 : memref<72xi32, #tpu.memory_space<vmem>>)
        %dma_start3A_241 = arith.constant 0 : i32
        %dma_start3A_242 = arith.constant 0 : i32
        %dma_start3A_243 = tpu.memref_slice %arg2[%dma_start3A_241, %dma_start3A_242] : memref<20000x128xf32, #tpu.memory_space<hbm>> -> memref<20000x128xf32, #tpu.memory_space<hbm>>
        tpu.enqueue_indirect_dma source(%dma_start3A_243 : memref<20000x128xf32, #tpu.memory_space<hbm>>) target(%arg19 : memref<72x128xf32, #tpu.memory_space<vmem>>) offsets(%arg9 : memref<72xi32, #tpu.memory_space<vmem>>) semaphore(%arg29 : memref<!tpu.dma_semaphore, #tpu.memory_space<semaphore_mem>>)
      } else {
      }
    }
    %scan3A_53 = arith.constant 56 : i32
    %dma_wait3A_54 = arith.constant 0 : i32
    %dma_wait3A_55 = arith.constant 0 : i32
    %dma_wait3A_56 = tpu.memref_slice %arg7[%dma_wait3A_54, %dma_wait3A_55] : memref<10008x128xf32, #tpu.memory_space<vmem_shared>> -> memref<10008x128xf32, #tpu.memory_space<vmem_shared>>
    tpu.wait_indirect_dma semaphore(%arg36 : memref<!tpu.dma_semaphore, #tpu.memory_space<semaphore_mem>>) src(%arg21 : memref<72x128xf32, #tpu.memory_space<vmem>>) dst(%dma_wait3A_56 : memref<10008x128xf32, #tpu.memory_space<vmem_shared>>)
    %dma_wait3A_57 = arith.constant 0 : i32
    %dma_wait3A_58 = arith.constant 0 : i32
    %dma_wait3A_59 = tpu.memref_slice %arg7[%dma_wait3A_57, %dma_wait3A_58] : memref<10008x128xf32, #tpu.memory_space<vmem_shared>> -> memref<10008x128xf32, #tpu.memory_space<vmem_shared>>
    tpu.wait_indirect_dma semaphore(%arg37 : memref<!tpu.dma_semaphore, #tpu.memory_space<semaphore_mem>>) src(%arg22 : memref<72x128xf32, #tpu.memory_space<vmem>>) dst(%dma_wait3A_59 : memref<10008x128xf32, #tpu.memory_space<vmem_shared>>)
    %barrier3A_60 = arith.constant 0 : index
    tpu.barrier barrier_id(%barrier3A_60)
    %lt3A_61 = arith.constant 10 : i32
    %lt3A_62 = arith.cmpi slt, %arg1, %lt3A_61 : i32
    %convert_element_type3A_63 = arith.extui %lt3A_62 : i1 to i32
    %cond3A_64 = arith.constant 0 : i32
    %cond3A_65 = arith.cmpi ne, %convert_element_type3A_63, %cond3A_64 : i32
    scf.if %cond3A_65 {
      %mul3A_66 = arith.constant 1000 : i32
      %mul3A_67 = arith.muli %arg1, %mul3A_66 : i32
      %mul3A_68 = arith.constant 1000 : i32
      %mul3A_69 = arith.muli %arg1, %mul3A_68 : i32
      "tpu.region"() ({
        %run_scoped3A = tpu.sem_alloc : memref<!tpu.dma_semaphore, #tpu.memory_space<semaphore_mem>>
        %dma_start3A_70 = arith.constant 0 : i32
        %dma_start3A_71 = tpu.memref_slice %arg6[%arg0, %mul3A_69, %dma_start3A_70] : memref<2x10000x128xf32, #tpu.memory_space<hbm>> -> memref<1x1000x128xf32, #tpu.memory_space<hbm>>
        %dma_start3A_72 = tpu.memref_squeeze %dma_start3A_71 : memref<1x1000x128xf32, #tpu.memory_space<hbm>> -> memref<1000x128xf32, #tpu.memory_space<hbm>>
        %dma_start3A_73 = arith.constant 0 : i32
        %dma_start3A_74 = tpu.memref_slice %arg7[%mul3A_67, %dma_start3A_73] : memref<10008x128xf32, #tpu.memory_space<vmem_shared>> -> memref<1000x128xf32, #tpu.memory_space<vmem_shared>>
        tpu.enqueue_dma source(%dma_start3A_74 : memref<1000x128xf32, #tpu.memory_space<vmem_shared>>) target(%dma_start3A_72 : memref<1000x128xf32, #tpu.memory_space<hbm>>) target_semaphore(%run_scoped3A : memref<!tpu.dma_semaphore, #tpu.memory_space<semaphore_mem>>)
        %dma_wait3A_75 = arith.constant 0 : i32
        %dma_wait3A_76 = tpu.memref_slice %arg6[%arg0, %mul3A_69, %dma_wait3A_75] : memref<2x10000x128xf32, #tpu.memory_space<hbm>> -> memref<1x1000x128xf32, #tpu.memory_space<hbm>>
        %dma_wait3A_77 = tpu.memref_squeeze %dma_wait3A_76 : memref<1x1000x128xf32, #tpu.memory_space<hbm>> -> memref<1000x128xf32, #tpu.memory_space<hbm>>
        %dma_wait3A_78 = arith.constant 0 : i32
        %dma_wait3A_79 = tpu.memref_slice %arg7[%mul3A_67, %dma_wait3A_78] : memref<10008x128xf32, #tpu.memory_space<vmem_shared>> -> memref<1000x128xf32, #tpu.memory_space<vmem_shared>>
        tpu.wait_dma2 semaphore(%run_scoped3A : memref<!tpu.dma_semaphore, #tpu.memory_space<semaphore_mem>>) src(%dma_wait3A_79 : memref<1000x128xf32, #tpu.memory_space<vmem_shared>>) dst(%dma_wait3A_77 : memref<1000x128xf32, #tpu.memory_space<hbm>>)
        tpu.yield
      }) : () -> ()
    } else {
    }
    return
  }
}

#map = affine_map<(d0, d1) -> (0, 0)>
#map1 = affine_map<(d0, d1) -> (0)>
#map2 = affine_map<(d0, d1) -> (0, 0, 0)>
module attributes {stable_mosaic.version = 14 : i64} {
  func.func @_sc_agg(%arg0: i32, %arg1: i32, %arg2: memref<20000x128xf32, #tpu.memory_space<hbm>>, %arg3: memref<645120xi32, #tpu.memory_space<hbm>>, %arg4: memref<645120xi32, #tpu.memory_space<hbm>>, %arg5: memref<10000x128xf32, #tpu.memory_space<hbm>>, %arg6: memref<2x10000x128xf32, #tpu.memory_space<hbm>>, %arg7: memref<10008x128xf32, #tpu.memory_space<vmem_shared>>, %arg8: memref<72xi32, #tpu.memory_space<vmem>>, %arg9: memref<72xi32, #tpu.memory_space<vmem>>, %arg10: memref<72xi32, #tpu.memory_space<vmem>>, %arg11: memref<72xi32, #tpu.memory_space<vmem>>, %arg12: memref<72xi32, #tpu.memory_space<vmem>>, %arg13: memref<72xi32, #tpu.memory_space<vmem>>, %arg14: memref<72xi32, #tpu.memory_space<vmem>>, %arg15: memref<72xi32, #tpu.memory_space<vmem>>, %arg16: memref<72xi32, #tpu.memory_space<vmem>>, %arg17: memref<72xi32, #tpu.memory_space<vmem>>, %arg18: memref<72x128xf32, #tpu.memory_space<vmem>>, %arg19: memref<72x128xf32, #tpu.memory_space<vmem>>, %arg20: memref<72x128xf32, #tpu.memory_space<vmem>>, %arg21: memref<72x128xf32, #tpu.memory_space<vmem>>, %arg22: memref<72x128xf32, #tpu.memory_space<vmem>>, %arg23: memref<!tpu.dma_semaphore, #tpu.memory_space<semaphore_mem>>, %arg24: memref<!tpu.dma_semaphore, #tpu.memory_space<semaphore_mem>>, %arg25: memref<!tpu.dma_semaphore, #tpu.memory_space<semaphore_mem>>, %arg26: memref<!tpu.dma_semaphore, #tpu.memory_space<semaphore_mem>>, %arg27: memref<!tpu.dma_semaphore, #tpu.memory_space<semaphore_mem>>, %arg28: memref<!tpu.dma_semaphore, #tpu.memory_space<semaphore_mem>>, %arg29: memref<!tpu.dma_semaphore, #tpu.memory_space<semaphore_mem>>, %arg30: memref<!tpu.dma_semaphore, #tpu.memory_space<semaphore_mem>>, %arg31: memref<!tpu.dma_semaphore, #tpu.memory_space<semaphore_mem>>, %arg32: memref<!tpu.dma_semaphore, #tpu.memory_space<semaphore_mem>>, %arg33: memref<!tpu.dma_semaphore, #tpu.memory_space<semaphore_mem>>, %arg34: memref<!tpu.dma_semaphore, #tpu.memory_space<semaphore_mem>>, %arg35: memref<!tpu.dma_semaphore, #tpu.memory_space<semaphore_mem>>, %arg36: memref<!tpu.dma_semaphore, #tpu.memory_space<semaphore_mem>>, %arg37: memref<!tpu.dma_semaphore, #tpu.memory_space<semaphore_mem>>) attributes {dimension_semantics = [#tpu.dimension_semantics<core_parallel>, #tpu.dimension_semantics<subcore_parallel>], iteration_bounds = array<i64: 2, 16>, scalar_prefetch = 0 : i64, scratch_operands = 31 : i64, tpu.core_type = #tpu.core_type<sc_vector_subcore>, window_params = [{transform_indices = #map}, {transform_indices = #map1}, {transform_indices = #map1}, {transform_indices = #map}, {transform_indices = #map2}]} {
    %lt3A = arith.constant 10 : i32
    %lt3A_0 = arith.cmpi slt, %arg1, %lt3A : i32
    %convert_element_type3A = arith.extui %lt3A_0 : i1 to i32
    %cond3A = arith.constant 0 : i32
    %cond3A_1 = arith.cmpi ne, %convert_element_type3A, %cond3A : i32
    scf.if %cond3A_1 {
      %mul3A_66 = arith.constant 1000 : i32
      %mul3A_67 = arith.muli %arg1, %mul3A_66 : i32
      %mul3A_68 = arith.constant 1000 : i32
      %mul3A_69 = arith.muli %arg1, %mul3A_68 : i32
      "tpu.region"() ({
        %run_scoped3A = tpu.sem_alloc : memref<!tpu.dma_semaphore, #tpu.memory_space<semaphore_mem>>
        %dma_start3A_70 = arith.constant 0 : i32
        %dma_start3A_71 = tpu.memref_slice %arg7[%mul3A_69, %dma_start3A_70] : memref<10008x128xf32, #tpu.memory_space<vmem_shared>> -> memref<1000x128xf32, #tpu.memory_space<vmem_shared>>
        %dma_start3A_72 = arith.constant 0 : i32
        %dma_start3A_73 = tpu.memref_slice %arg5[%mul3A_67, %dma_start3A_72] : memref<10000x128xf32, #tpu.memory_space<hbm>> -> memref<1000x128xf32, #tpu.memory_space<hbm>>
        tpu.enqueue_dma source(%dma_start3A_73 : memref<1000x128xf32, #tpu.memory_space<hbm>>) target(%dma_start3A_71 : memref<1000x128xf32, #tpu.memory_space<vmem_shared>>) target_semaphore(%run_scoped3A : memref<!tpu.dma_semaphore, #tpu.memory_space<semaphore_mem>>)
        %dma_wait3A_74 = arith.constant 0 : i32
        %dma_wait3A_75 = tpu.memref_slice %arg7[%mul3A_69, %dma_wait3A_74] : memref<10008x128xf32, #tpu.memory_space<vmem_shared>> -> memref<1000x128xf32, #tpu.memory_space<vmem_shared>>
        %dma_wait3A_76 = arith.constant 0 : i32
        %dma_wait3A_77 = tpu.memref_slice %arg5[%mul3A_67, %dma_wait3A_76] : memref<10000x128xf32, #tpu.memory_space<hbm>> -> memref<1000x128xf32, #tpu.memory_space<hbm>>
        tpu.wait_dma2 semaphore(%run_scoped3A : memref<!tpu.dma_semaphore, #tpu.memory_space<semaphore_mem>>) src(%dma_wait3A_77 : memref<1000x128xf32, #tpu.memory_space<hbm>>) dst(%dma_wait3A_75 : memref<1000x128xf32, #tpu.memory_space<vmem_shared>>)
        tpu.yield
      }) : () -> ()
    } else {
    }
    %barrier3A = arith.constant 0 : index
    tpu.barrier barrier_id(%barrier3A)
    %mul3A = arith.constant 322560 : i32
    %mul3A_2 = arith.muli %arg0, %mul3A : i32
    %mul3A_3 = arith.constant 20160 : i32
    %mul3A_4 = arith.muli %arg1, %mul3A_3 : i32
    %add3A = arith.addi %mul3A_2, %mul3A_4 : i32
    %add3A_5 = arith.constant 0 : i32
    %add3A_6 = arith.addi %add3A, %add3A_5 : i32
    %dma_start3A = tpu.memref_slice %arg3[%add3A_6] : memref<645120xi32, #tpu.memory_space<hbm>> -> memref<72xi32, #tpu.memory_space<hbm>>
    %dma_start3A_7 = tpu.memref_slice %arg3[%add3A_6] : memref<645120xi32, #tpu.memory_space<hbm>> -> memref<72xi32, #tpu.memory_space<hbm>>
    tpu.enqueue_dma source(%dma_start3A_7 : memref<72xi32, #tpu.memory_space<hbm>>) target(%arg8 : memref<72xi32, #tpu.memory_space<vmem>>) target_semaphore(%arg23 : memref<!tpu.dma_semaphore, #tpu.memory_space<semaphore_mem>>)
    %add3A_8 = arith.constant 0 : i32
    %add3A_9 = arith.addi %add3A, %add3A_8 : i32
    %dma_start3A_10 = tpu.memref_slice %arg4[%add3A_9] : memref<645120xi32, #tpu.memory_space<hbm>> -> memref<72xi32, #tpu.memory_space<hbm>>
    %dma_start3A_11 = tpu.memref_slice %arg4[%add3A_9] : memref<645120xi32, #tpu.memory_space<hbm>> -> memref<72xi32, #tpu.memory_space<hbm>>
    tpu.enqueue_dma source(%dma_start3A_11 : memref<72xi32, #tpu.memory_space<hbm>>) target(%arg13 : memref<72xi32, #tpu.memory_space<vmem>>) target_semaphore(%arg23 : memref<!tpu.dma_semaphore, #tpu.memory_space<semaphore_mem>>)
    %add3A_12 = arith.constant 72 : i32
    %add3A_13 = arith.addi %add3A, %add3A_12 : i32
    %dma_start3A_14 = tpu.memref_slice %arg3[%add3A_13] : memref<645120xi32, #tpu.memory_space<hbm>> -> memref<72xi32, #tpu.memory_space<hbm>>
    %dma_start3A_15 = tpu.memref_slice %arg3[%add3A_13] : memref<645120xi32, #tpu.memory_space<hbm>> -> memref<72xi32, #tpu.memory_space<hbm>>
    tpu.enqueue_dma source(%dma_start3A_15 : memref<72xi32, #tpu.memory_space<hbm>>) target(%arg9 : memref<72xi32, #tpu.memory_space<vmem>>) target_semaphore(%arg24 : memref<!tpu.dma_semaphore, #tpu.memory_space<semaphore_mem>>)
    %add3A_16 = arith.constant 72 : i32
    %add3A_17 = arith.addi %add3A, %add3A_16 : i32
    %dma_start3A_18 = tpu.memref_slice %arg4[%add3A_17] : memref<645120xi32, #tpu.memory_space<hbm>> -> memref<72xi32, #tpu.memory_space<hbm>>
    %dma_start3A_19 = tpu.memref_slice %arg4[%add3A_17] : memref<645120xi32, #tpu.memory_space<hbm>> -> memref<72xi32, #tpu.memory_space<hbm>>
    tpu.enqueue_dma source(%dma_start3A_19 : memref<72xi32, #tpu.memory_space<hbm>>) target(%arg14 : memref<72xi32, #tpu.memory_space<vmem>>) target_semaphore(%arg24 : memref<!tpu.dma_semaphore, #tpu.memory_space<semaphore_mem>>)
    %add3A_20 = arith.constant 144 : i32
    %add3A_21 = arith.addi %add3A, %add3A_20 : i32
    %dma_start3A_22 = tpu.memref_slice %arg3[%add3A_21] : memref<645120xi32, #tpu.memory_space<hbm>> -> memref<72xi32, #tpu.memory_space<hbm>>
    %dma_start3A_23 = tpu.memref_slice %arg3[%add3A_21] : memref<645120xi32, #tpu.memory_space<hbm>> -> memref<72xi32, #tpu.memory_space<hbm>>
    tpu.enqueue_dma source(%dma_start3A_23 : memref<72xi32, #tpu.memory_space<hbm>>) target(%arg10 : memref<72xi32, #tpu.memory_space<vmem>>) target_semaphore(%arg25 : memref<!tpu.dma_semaphore, #tpu.memory_space<semaphore_mem>>)
    %add3A_24 = arith.constant 144 : i32
    %add3A_25 = arith.addi %add3A, %add3A_24 : i32
    %dma_start3A_26 = tpu.memref_slice %arg4[%add3A_25] : memref<645120xi32, #tpu.memory_space<hbm>> -> memref<72xi32, #tpu.memory_space<hbm>>
    %dma_start3A_27 = tpu.memref_slice %arg4[%add3A_25] : memref<645120xi32, #tpu.memory_space<hbm>> -> memref<72xi32, #tpu.memory_space<hbm>>
    tpu.enqueue_dma source(%dma_start3A_27 : memref<72xi32, #tpu.memory_space<hbm>>) target(%arg15 : memref<72xi32, #tpu.memory_space<vmem>>) target_semaphore(%arg25 : memref<!tpu.dma_semaphore, #tpu.memory_space<semaphore_mem>>)
    %add3A_28 = arith.constant 0 : i32
    %add3A_29 = arith.addi %add3A, %add3A_28 : i32
    %dma_wait3A = tpu.memref_slice %arg3[%add3A_29] : memref<645120xi32, #tpu.memory_space<hbm>> -> memref<72xi32, #tpu.memory_space<hbm>>
    %dma_wait3A_30 = tpu.memref_slice %arg3[%add3A_29] : memref<645120xi32, #tpu.memory_space<hbm>> -> memref<72xi32, #tpu.memory_space<hbm>>
    tpu.wait_dma2 semaphore(%arg23 : memref<!tpu.dma_semaphore, #tpu.memory_space<semaphore_mem>>) src(%dma_wait3A_30 : memref<72xi32, #tpu.memory_space<hbm>>) dst(%arg8 : memref<72xi32, #tpu.memory_space<vmem>>)
    %add3A_31 = arith.constant 0 : i32
    %add3A_32 = arith.addi %add3A, %add3A_31 : i32
    %dma_wait3A_33 = tpu.memref_slice %arg4[%add3A_32] : memref<645120xi32, #tpu.memory_space<hbm>> -> memref<72xi32, #tpu.memory_space<hbm>>
    %dma_wait3A_34 = tpu.memref_slice %arg4[%add3A_32] : memref<645120xi32, #tpu.memory_space<hbm>> -> memref<72xi32, #tpu.memory_space<hbm>>
    tpu.wait_dma2 semaphore(%arg23 : memref<!tpu.dma_semaphore, #tpu.memory_space<semaphore_mem>>) src(%dma_wait3A_34 : memref<72xi32, #tpu.memory_space<hbm>>) dst(%arg13 : memref<72xi32, #tpu.memory_space<vmem>>)
    %dma_start3A_35 = arith.constant 0 : i32
    %dma_start3A_36 = arith.constant 0 : i32
    %dma_start3A_37 = tpu.memref_slice %arg2[%dma_start3A_35, %dma_start3A_36] : memref<20000x128xf32, #tpu.memory_space<hbm>> -> memref<20000x128xf32, #tpu.memory_space<hbm>>
    tpu.enqueue_indirect_dma source(%dma_start3A_37 : memref<20000x128xf32, #tpu.memory_space<hbm>>) target(%arg18 : memref<72x128xf32, #tpu.memory_space<vmem>>) offsets(%arg8 : memref<72xi32, #tpu.memory_space<vmem>>) semaphore(%arg28 : memref<!tpu.dma_semaphore, #tpu.memory_space<semaphore_mem>>)
    %add3A_38 = arith.constant 72 : i32
    %add3A_39 = arith.addi %add3A, %add3A_38 : i32
    %dma_wait3A_40 = tpu.memref_slice %arg3[%add3A_39] : memref<645120xi32, #tpu.memory_space<hbm>> -> memref<72xi32, #tpu.memory_space<hbm>>
    %dma_wait3A_41 = tpu.memref_slice %arg3[%add3A_39] : memref<645120xi32, #tpu.memory_space<hbm>> -> memref<72xi32, #tpu.memory_space<hbm>>
    tpu.wait_dma2 semaphore(%arg24 : memref<!tpu.dma_semaphore, #tpu.memory_space<semaphore_mem>>) src(%dma_wait3A_41 : memref<72xi32, #tpu.memory_space<hbm>>) dst(%arg9 : memref<72xi32, #tpu.memory_space<vmem>>)
    %add3A_42 = arith.constant 72 : i32
    %add3A_43 = arith.addi %add3A, %add3A_42 : i32
    %dma_wait3A_44 = tpu.memref_slice %arg4[%add3A_43] : memref<645120xi32, #tpu.memory_space<hbm>> -> memref<72xi32, #tpu.memory_space<hbm>>
    %dma_wait3A_45 = tpu.memref_slice %arg4[%add3A_43] : memref<645120xi32, #tpu.memory_space<hbm>> -> memref<72xi32, #tpu.memory_space<hbm>>
    tpu.wait_dma2 semaphore(%arg24 : memref<!tpu.dma_semaphore, #tpu.memory_space<semaphore_mem>>) src(%dma_wait3A_45 : memref<72xi32, #tpu.memory_space<hbm>>) dst(%arg14 : memref<72xi32, #tpu.memory_space<vmem>>)
    %dma_start3A_46 = arith.constant 0 : i32
    %dma_start3A_47 = arith.constant 0 : i32
    %dma_start3A_48 = tpu.memref_slice %arg2[%dma_start3A_46, %dma_start3A_47] : memref<20000x128xf32, #tpu.memory_space<hbm>> -> memref<20000x128xf32, #tpu.memory_space<hbm>>
    tpu.enqueue_indirect_dma source(%dma_start3A_48 : memref<20000x128xf32, #tpu.memory_space<hbm>>) target(%arg19 : memref<72x128xf32, #tpu.memory_space<vmem>>) offsets(%arg9 : memref<72xi32, #tpu.memory_space<vmem>>) semaphore(%arg29 : memref<!tpu.dma_semaphore, #tpu.memory_space<semaphore_mem>>)
    %scan3A = arith.constant 0 : i32
    %scan3A_49 = arith.constant 0 : i32
    %scan3A_50 = arith.constant 56 : i32
    %scan3A_51 = arith.addi %scan3A_49, %scan3A_50 : i32
    %scan3A_52 = arith.constant 1 : i32
    scf.for %scan3A_66 = %scan3A_49 to %scan3A_51 step %scan3A_52  : i32 {
      %mul3A_67 = arith.constant 5 : i32
      %mul3A_68 = arith.muli %mul3A_67, %scan3A_66 : i32
      %add3A_69 = arith.constant 0 : i32
      %add3A_70 = arith.addi %mul3A_68, %add3A_69 : i32
      %dma_wait3A_71 = arith.constant 0 : i32
      %dma_wait3A_72 = arith.constant 0 : i32
      %dma_wait3A_73 = tpu.memref_slice %arg2[%dma_wait3A_71, %dma_wait3A_72] : memref<20000x128xf32, #tpu.memory_space<hbm>> -> memref<20000x128xf32, #tpu.memory_space<hbm>>
      tpu.wait_indirect_dma semaphore(%arg28 : memref<!tpu.dma_semaphore, #tpu.memory_space<semaphore_mem>>) src(%dma_wait3A_73 : memref<20000x128xf32, #tpu.memory_space<hbm>>) dst(%arg18 : memref<72x128xf32, #tpu.memory_space<vmem>>)
      %dma_start3A_74 = arith.constant 0 : i32
      %dma_start3A_75 = arith.constant 0 : i32
      %dma_start3A_76 = tpu.memref_slice %arg7[%dma_start3A_74, %dma_start3A_75] : memref<10008x128xf32, #tpu.memory_space<vmem_shared>> -> memref<10008x128xf32, #tpu.memory_space<vmem_shared>>
      tpu.enqueue_indirect_dma source(%arg18 : memref<72x128xf32, #tpu.memory_space<vmem>>) target(%dma_start3A_76 : memref<10008x128xf32, #tpu.memory_space<vmem_shared>>) offsets(%arg13 : memref<72xi32, #tpu.memory_space<vmem>>) semaphore(%arg33 : memref<!tpu.dma_semaphore, #tpu.memory_space<semaphore_mem>>) {add = true}
      %gt3A = arith.constant 0 : i32
      %gt3A_77 = arith.cmpi sgt, %scan3A_66, %gt3A : i32
      %convert_element_type3A_78 = arith.extui %gt3A_77 : i1 to i32
      %cond3A_79 = arith.constant 0 : i32
      %cond3A_80 = arith.cmpi ne, %convert_element_type3A_78, %cond3A_79 : i32
      scf.if %cond3A_80 {
        %dma_wait3A_229 = arith.constant 0 : i32
        %dma_wait3A_230 = arith.constant 0 : i32
        %dma_wait3A_231 = tpu.memref_slice %arg7[%dma_wait3A_229, %dma_wait3A_230] : memref<10008x128xf32, #tpu.memory_space<vmem_shared>> -> memref<10008x128xf32, #tpu.memory_space<vmem_shared>>
        tpu.wait_indirect_dma semaphore(%arg36 : memref<!tpu.dma_semaphore, #tpu.memory_space<semaphore_mem>>) src(%arg21 : memref<72x128xf32, #tpu.memory_space<vmem>>) dst(%dma_wait3A_231 : memref<10008x128xf32, #tpu.memory_space<vmem_shared>>)
      } else {
      }
      %add3A_81 = arith.constant 3 : i32
      %add3A_82 = arith.addi %add3A_70, %add3A_81 : i32
      %mul3A_83 = arith.constant 72 : i32
      %mul3A_84 = arith.muli %add3A_82, %mul3A_83 : i32
      %add3A_85 = arith.addi %add3A, %mul3A_84 : i32
      %dma_start3A_86 = tpu.memref_slice %arg3[%add3A_85] : memref<645120xi32, #tpu.memory_space<hbm>> -> memref<72xi32, #tpu.memory_space<hbm>>
      %dma_start3A_87 = tpu.memref_slice %arg3[%add3A_85] : memref<645120xi32, #tpu.memory_space<hbm>> -> memref<72xi32, #tpu.memory_space<hbm>>
      tpu.enqueue_dma source(%dma_start3A_87 : memref<72xi32, #tpu.memory_space<hbm>>) target(%arg11 : memref<72xi32, #tpu.memory_space<vmem>>) target_semaphore(%arg26 : memref<!tpu.dma_semaphore, #tpu.memory_space<semaphore_mem>>)
      %mul3A_88 = arith.constant 72 : i32
      %mul3A_89 = arith.muli %add3A_82, %mul3A_88 : i32
      %add3A_90 = arith.addi %add3A, %mul3A_89 : i32
      %dma_start3A_91 = tpu.memref_slice %arg4[%add3A_90] : memref<645120xi32, #tpu.memory_space<hbm>> -> memref<72xi32, #tpu.memory_space<hbm>>
      %dma_start3A_92 = tpu.memref_slice %arg4[%add3A_90] : memref<645120xi32, #tpu.memory_space<hbm>> -> memref<72xi32, #tpu.memory_space<hbm>>
      tpu.enqueue_dma source(%dma_start3A_92 : memref<72xi32, #tpu.memory_space<hbm>>) target(%arg16 : memref<72xi32, #tpu.memory_space<vmem>>) target_semaphore(%arg26 : memref<!tpu.dma_semaphore, #tpu.memory_space<semaphore_mem>>)
      %add3A_93 = arith.constant 2 : i32
      %add3A_94 = arith.addi %add3A_70, %add3A_93 : i32
      %mul3A_95 = arith.constant 72 : i32
      %mul3A_96 = arith.muli %add3A_94, %mul3A_95 : i32
      %add3A_97 = arith.addi %add3A, %mul3A_96 : i32
      %dma_wait3A_98 = tpu.memref_slice %arg3[%add3A_97] : memref<645120xi32, #tpu.memory_space<hbm>> -> memref<72xi32, #tpu.memory_space<hbm>>
      %dma_wait3A_99 = tpu.memref_slice %arg3[%add3A_97] : memref<645120xi32, #tpu.memory_space<hbm>> -> memref<72xi32, #tpu.memory_space<hbm>>
      tpu.wait_dma2 semaphore(%arg25 : memref<!tpu.dma_semaphore, #tpu.memory_space<semaphore_mem>>) src(%dma_wait3A_99 : memref<72xi32, #tpu.memory_space<hbm>>) dst(%arg10 : memref<72xi32, #tpu.memory_space<vmem>>)
      %mul3A_100 = arith.constant 72 : i32
      %mul3A_101 = arith.muli %add3A_94, %mul3A_100 : i32
      %add3A_102 = arith.addi %add3A, %mul3A_101 : i32
      %dma_wait3A_103 = tpu.memref_slice %arg4[%add3A_102] : memref<645120xi32, #tpu.memory_space<hbm>> -> memref<72xi32, #tpu.memory_space<hbm>>
      %dma_wait3A_104 = tpu.memref_slice %arg4[%add3A_102] : memref<645120xi32, #tpu.memory_space<hbm>> -> memref<72xi32, #tpu.memory_space<hbm>>
      tpu.wait_dma2 semaphore(%arg25 : memref<!tpu.dma_semaphore, #tpu.memory_space<semaphore_mem>>) src(%dma_wait3A_104 : memref<72xi32, #tpu.memory_space<hbm>>) dst(%arg15 : memref<72xi32, #tpu.memory_space<vmem>>)
      %dma_start3A_105 = arith.constant 0 : i32
      %dma_start3A_106 = arith.constant 0 : i32
      %dma_start3A_107 = tpu.memref_slice %arg2[%dma_start3A_105, %dma_start3A_106] : memref<20000x128xf32, #tpu.memory_space<hbm>> -> memref<20000x128xf32, #tpu.memory_space<hbm>>
      tpu.enqueue_indirect_dma source(%dma_start3A_107 : memref<20000x128xf32, #tpu.memory_space<hbm>>) target(%arg20 : memref<72x128xf32, #tpu.memory_space<vmem>>) offsets(%arg10 : memref<72xi32, #tpu.memory_space<vmem>>) semaphore(%arg30 : memref<!tpu.dma_semaphore, #tpu.memory_space<semaphore_mem>>)
      %mul3A_108 = arith.constant 5 : i32
      %mul3A_109 = arith.muli %mul3A_108, %scan3A_66 : i32
      %add3A_110 = arith.constant 1 : i32
      %add3A_111 = arith.addi %mul3A_109, %add3A_110 : i32
      %dma_wait3A_112 = arith.constant 0 : i32
      %dma_wait3A_113 = arith.constant 0 : i32
      %dma_wait3A_114 = tpu.memref_slice %arg2[%dma_wait3A_112, %dma_wait3A_113] : memref<20000x128xf32, #tpu.memory_space<hbm>> -> memref<20000x128xf32, #tpu.memory_space<hbm>>
      tpu.wait_indirect_dma semaphore(%arg29 : memref<!tpu.dma_semaphore, #tpu.memory_space<semaphore_mem>>) src(%dma_wait3A_114 : memref<20000x128xf32, #tpu.memory_space<hbm>>) dst(%arg19 : memref<72x128xf32, #tpu.memory_space<vmem>>)
      %dma_start3A_115 = arith.constant 0 : i32
      %dma_start3A_116 = arith.constant 0 : i32
      %dma_start3A_117 = tpu.memref_slice %arg7[%dma_start3A_115, %dma_start3A_116] : memref<10008x128xf32, #tpu.memory_space<vmem_shared>> -> memref<10008x128xf32, #tpu.memory_space<vmem_shared>>
      tpu.enqueue_indirect_dma source(%arg19 : memref<72x128xf32, #tpu.memory_space<vmem>>) target(%dma_start3A_117 : memref<10008x128xf32, #tpu.memory_space<vmem_shared>>) offsets(%arg14 : memref<72xi32, #tpu.memory_space<vmem>>) semaphore(%arg34 : memref<!tpu.dma_semaphore, #tpu.memory_space<semaphore_mem>>) {add = true}
      %gt3A_118 = arith.constant 0 : i32
      %gt3A_119 = arith.cmpi sgt, %scan3A_66, %gt3A_118 : i32
      %convert_element_type3A_120 = arith.extui %gt3A_119 : i1 to i32
      %cond3A_121 = arith.constant 0 : i32
      %cond3A_122 = arith.cmpi ne, %convert_element_type3A_120, %cond3A_121 : i32
      scf.if %cond3A_122 {
        %dma_wait3A_229 = arith.constant 0 : i32
        %dma_wait3A_230 = arith.constant 0 : i32
        %dma_wait3A_231 = tpu.memref_slice %arg7[%dma_wait3A_229, %dma_wait3A_230] : memref<10008x128xf32, #tpu.memory_space<vmem_shared>> -> memref<10008x128xf32, #tpu.memory_space<vmem_shared>>
        tpu.wait_indirect_dma semaphore(%arg37 : memref<!tpu.dma_semaphore, #tpu.memory_space<semaphore_mem>>) src(%arg22 : memref<72x128xf32, #tpu.memory_space<vmem>>) dst(%dma_wait3A_231 : memref<10008x128xf32, #tpu.memory_space<vmem_shared>>)
      } else {
      }
      %add3A_123 = arith.constant 3 : i32
      %add3A_124 = arith.addi %add3A_111, %add3A_123 : i32
      %mul3A_125 = arith.constant 72 : i32
      %mul3A_126 = arith.muli %add3A_124, %mul3A_125 : i32
      %add3A_127 = arith.addi %add3A, %mul3A_126 : i32
      %dma_start3A_128 = tpu.memref_slice %arg3[%add3A_127] : memref<645120xi32, #tpu.memory_space<hbm>> -> memref<72xi32, #tpu.memory_space<hbm>>
      %dma_start3A_129 = tpu.memref_slice %arg3[%add3A_127] : memref<645120xi32, #tpu.memory_space<hbm>> -> memref<72xi32, #tpu.memory_space<hbm>>
      tpu.enqueue_dma source(%dma_start3A_129 : memref<72xi32, #tpu.memory_space<hbm>>) target(%arg12 : memref<72xi32, #tpu.memory_space<vmem>>) target_semaphore(%arg27 : memref<!tpu.dma_semaphore, #tpu.memory_space<semaphore_mem>>)
      %mul3A_130 = arith.constant 72 : i32
      %mul3A_131 = arith.muli %add3A_124, %mul3A_130 : i32
      %add3A_132 = arith.addi %add3A, %mul3A_131 : i32
      %dma_start3A_133 = tpu.memref_slice %arg4[%add3A_132] : memref<645120xi32, #tpu.memory_space<hbm>> -> memref<72xi32, #tpu.memory_space<hbm>>
      %dma_start3A_134 = tpu.memref_slice %arg4[%add3A_132] : memref<645120xi32, #tpu.memory_space<hbm>> -> memref<72xi32, #tpu.memory_space<hbm>>
      tpu.enqueue_dma source(%dma_start3A_134 : memref<72xi32, #tpu.memory_space<hbm>>) target(%arg17 : memref<72xi32, #tpu.memory_space<vmem>>) target_semaphore(%arg27 : memref<!tpu.dma_semaphore, #tpu.memory_space<semaphore_mem>>)
      %add3A_135 = arith.constant 2 : i32
      %add3A_136 = arith.addi %add3A_111, %add3A_135 : i32
      %mul3A_137 = arith.constant 72 : i32
      %mul3A_138 = arith.muli %add3A_136, %mul3A_137 : i32
      %add3A_139 = arith.addi %add3A, %mul3A_138 : i32
      %dma_wait3A_140 = tpu.memref_slice %arg3[%add3A_139] : memref<645120xi32, #tpu.memory_space<hbm>> -> memref<72xi32, #tpu.memory_space<hbm>>
      %dma_wait3A_141 = tpu.memref_slice %arg3[%add3A_139] : memref<645120xi32, #tpu.memory_space<hbm>> -> memref<72xi32, #tpu.memory_space<hbm>>
      tpu.wait_dma2 semaphore(%arg26 : memref<!tpu.dma_semaphore, #tpu.memory_space<semaphore_mem>>) src(%dma_wait3A_141 : memref<72xi32, #tpu.memory_space<hbm>>) dst(%arg11 : memref<72xi32, #tpu.memory_space<vmem>>)
      %mul3A_142 = arith.constant 72 : i32
      %mul3A_143 = arith.muli %add3A_136, %mul3A_142 : i32
      %add3A_144 = arith.addi %add3A, %mul3A_143 : i32
      %dma_wait3A_145 = tpu.memref_slice %arg4[%add3A_144] : memref<645120xi32, #tpu.memory_space<hbm>> -> memref<72xi32, #tpu.memory_space<hbm>>
      %dma_wait3A_146 = tpu.memref_slice %arg4[%add3A_144] : memref<645120xi32, #tpu.memory_space<hbm>> -> memref<72xi32, #tpu.memory_space<hbm>>
      tpu.wait_dma2 semaphore(%arg26 : memref<!tpu.dma_semaphore, #tpu.memory_space<semaphore_mem>>) src(%dma_wait3A_146 : memref<72xi32, #tpu.memory_space<hbm>>) dst(%arg16 : memref<72xi32, #tpu.memory_space<vmem>>)
      %dma_start3A_147 = arith.constant 0 : i32
      %dma_start3A_148 = arith.constant 0 : i32
      %dma_start3A_149 = tpu.memref_slice %arg2[%dma_start3A_147, %dma_start3A_148] : memref<20000x128xf32, #tpu.memory_space<hbm>> -> memref<20000x128xf32, #tpu.memory_space<hbm>>
      tpu.enqueue_indirect_dma source(%dma_start3A_149 : memref<20000x128xf32, #tpu.memory_space<hbm>>) target(%arg21 : memref<72x128xf32, #tpu.memory_space<vmem>>) offsets(%arg11 : memref<72xi32, #tpu.memory_space<vmem>>) semaphore(%arg31 : memref<!tpu.dma_semaphore, #tpu.memory_space<semaphore_mem>>)
      %mul3A_150 = arith.constant 5 : i32
      %mul3A_151 = arith.muli %mul3A_150, %scan3A_66 : i32
      %add3A_152 = arith.constant 2 : i32
      %add3A_153 = arith.addi %mul3A_151, %add3A_152 : i32
      %dma_wait3A_154 = arith.constant 0 : i32
      %dma_wait3A_155 = arith.constant 0 : i32
      %dma_wait3A_156 = tpu.memref_slice %arg2[%dma_wait3A_154, %dma_wait3A_155] : memref<20000x128xf32, #tpu.memory_space<hbm>> -> memref<20000x128xf32, #tpu.memory_space<hbm>>
      tpu.wait_indirect_dma semaphore(%arg30 : memref<!tpu.dma_semaphore, #tpu.memory_space<semaphore_mem>>) src(%dma_wait3A_156 : memref<20000x128xf32, #tpu.memory_space<hbm>>) dst(%arg20 : memref<72x128xf32, #tpu.memory_space<vmem>>)
      %dma_start3A_157 = arith.constant 0 : i32
      %dma_start3A_158 = arith.constant 0 : i32
      %dma_start3A_159 = tpu.memref_slice %arg7[%dma_start3A_157, %dma_start3A_158] : memref<10008x128xf32, #tpu.memory_space<vmem_shared>> -> memref<10008x128xf32, #tpu.memory_space<vmem_shared>>
      tpu.enqueue_indirect_dma source(%arg20 : memref<72x128xf32, #tpu.memory_space<vmem>>) target(%dma_start3A_159 : memref<10008x128xf32, #tpu.memory_space<vmem_shared>>) offsets(%arg15 : memref<72xi32, #tpu.memory_space<vmem>>) semaphore(%arg35 : memref<!tpu.dma_semaphore, #tpu.memory_space<semaphore_mem>>) {add = true}
      %dma_wait3A_160 = arith.constant 0 : i32
      %dma_wait3A_161 = arith.constant 0 : i32
      %dma_wait3A_162 = tpu.memref_slice %arg7[%dma_wait3A_160, %dma_wait3A_161] : memref<10008x128xf32, #tpu.memory_space<vmem_shared>> -> memref<10008x128xf32, #tpu.memory_space<vmem_shared>>
      tpu.wait_indirect_dma semaphore(%arg33 : memref<!tpu.dma_semaphore, #tpu.memory_space<semaphore_mem>>) src(%arg18 : memref<72x128xf32, #tpu.memory_space<vmem>>) dst(%dma_wait3A_162 : memref<10008x128xf32, #tpu.memory_space<vmem_shared>>)
      %lt3A_163 = arith.constant 55 : i32
      %lt3A_164 = arith.cmpi slt, %scan3A_66, %lt3A_163 : i32
      %convert_element_type3A_165 = arith.extui %lt3A_164 : i1 to i32
      %cond3A_166 = arith.constant 0 : i32
      %cond3A_167 = arith.cmpi ne, %convert_element_type3A_165, %cond3A_166 : i32
      scf.if %cond3A_167 {
        %add3A_229 = arith.constant 3 : i32
        %add3A_230 = arith.addi %add3A_153, %add3A_229 : i32
        %mul3A_231 = arith.constant 72 : i32
        %mul3A_232 = arith.muli %add3A_230, %mul3A_231 : i32
        %add3A_233 = arith.addi %add3A, %mul3A_232 : i32
        %dma_start3A_234 = tpu.memref_slice %arg3[%add3A_233] : memref<645120xi32, #tpu.memory_space<hbm>> -> memref<72xi32, #tpu.memory_space<hbm>>
        %dma_start3A_235 = tpu.memref_slice %arg3[%add3A_233] : memref<645120xi32, #tpu.memory_space<hbm>> -> memref<72xi32, #tpu.memory_space<hbm>>
        tpu.enqueue_dma source(%dma_start3A_235 : memref<72xi32, #tpu.memory_space<hbm>>) target(%arg8 : memref<72xi32, #tpu.memory_space<vmem>>) target_semaphore(%arg23 : memref<!tpu.dma_semaphore, #tpu.memory_space<semaphore_mem>>)
        %mul3A_236 = arith.constant 72 : i32
        %mul3A_237 = arith.muli %add3A_230, %mul3A_236 : i32
        %add3A_238 = arith.addi %add3A, %mul3A_237 : i32
        %dma_start3A_239 = tpu.memref_slice %arg4[%add3A_238] : memref<645120xi32, #tpu.memory_space<hbm>> -> memref<72xi32, #tpu.memory_space<hbm>>
        %dma_start3A_240 = tpu.memref_slice %arg4[%add3A_238] : memref<645120xi32, #tpu.memory_space<hbm>> -> memref<72xi32, #tpu.memory_space<hbm>>
        tpu.enqueue_dma source(%dma_start3A_240 : memref<72xi32, #tpu.memory_space<hbm>>) target(%arg13 : memref<72xi32, #tpu.memory_space<vmem>>) target_semaphore(%arg23 : memref<!tpu.dma_semaphore, #tpu.memory_space<semaphore_mem>>)
      } else {
      }
      %add3A_168 = arith.constant 2 : i32
      %add3A_169 = arith.addi %add3A_153, %add3A_168 : i32
      %mul3A_170 = arith.constant 72 : i32
      %mul3A_171 = arith.muli %add3A_169, %mul3A_170 : i32
      %add3A_172 = arith.addi %add3A, %mul3A_171 : i32
      %dma_wait3A_173 = tpu.memref_slice %arg3[%add3A_172] : memref<645120xi32, #tpu.memory_space<hbm>> -> memref<72xi32, #tpu.memory_space<hbm>>
      %dma_wait3A_174 = tpu.memref_slice %arg3[%add3A_172] : memref<645120xi32, #tpu.memory_space<hbm>> -> memref<72xi32, #tpu.memory_space<hbm>>
      tpu.wait_dma2 semaphore(%arg27 : memref<!tpu.dma_semaphore, #tpu.memory_space<semaphore_mem>>) src(%dma_wait3A_174 : memref<72xi32, #tpu.memory_space<hbm>>) dst(%arg12 : memref<72xi32, #tpu.memory_space<vmem>>)
      %mul3A_175 = arith.constant 72 : i32
      %mul3A_176 = arith.muli %add3A_169, %mul3A_175 : i32
      %add3A_177 = arith.addi %add3A, %mul3A_176 : i32
      %dma_wait3A_178 = tpu.memref_slice %arg4[%add3A_177] : memref<645120xi32, #tpu.memory_space<hbm>> -> memref<72xi32, #tpu.memory_space<hbm>>
      %dma_wait3A_179 = tpu.memref_slice %arg4[%add3A_177] : memref<645120xi32, #tpu.memory_space<hbm>> -> memref<72xi32, #tpu.memory_space<hbm>>
      tpu.wait_dma2 semaphore(%arg27 : memref<!tpu.dma_semaphore, #tpu.memory_space<semaphore_mem>>) src(%dma_wait3A_179 : memref<72xi32, #tpu.memory_space<hbm>>) dst(%arg17 : memref<72xi32, #tpu.memory_space<vmem>>)
      %dma_start3A_180 = arith.constant 0 : i32
      %dma_start3A_181 = arith.constant 0 : i32
      %dma_start3A_182 = tpu.memref_slice %arg2[%dma_start3A_180, %dma_start3A_181] : memref<20000x128xf32, #tpu.memory_space<hbm>> -> memref<20000x128xf32, #tpu.memory_space<hbm>>
      tpu.enqueue_indirect_dma source(%dma_start3A_182 : memref<20000x128xf32, #tpu.memory_space<hbm>>) target(%arg22 : memref<72x128xf32, #tpu.memory_space<vmem>>) offsets(%arg12 : memref<72xi32, #tpu.memory_space<vmem>>) semaphore(%arg32 : memref<!tpu.dma_semaphore, #tpu.memory_space<semaphore_mem>>)
      %mul3A_183 = arith.constant 5 : i32
      %mul3A_184 = arith.muli %mul3A_183, %scan3A_66 : i32
      %add3A_185 = arith.constant 3 : i32
      %add3A_186 = arith.addi %mul3A_184, %add3A_185 : i32
      %dma_wait3A_187 = arith.constant 0 : i32
      %dma_wait3A_188 = arith.constant 0 : i32
      %dma_wait3A_189 = tpu.memref_slice %arg2[%dma_wait3A_187, %dma_wait3A_188] : memref<20000x128xf32, #tpu.memory_space<hbm>> -> memref<20000x128xf32, #tpu.memory_space<hbm>>
      tpu.wait_indirect_dma semaphore(%arg31 : memref<!tpu.dma_semaphore, #tpu.memory_space<semaphore_mem>>) src(%dma_wait3A_189 : memref<20000x128xf32, #tpu.memory_space<hbm>>) dst(%arg21 : memref<72x128xf32, #tpu.memory_space<vmem>>)
      %dma_start3A_190 = arith.constant 0 : i32
      %dma_start3A_191 = arith.constant 0 : i32
      %dma_start3A_192 = tpu.memref_slice %arg7[%dma_start3A_190, %dma_start3A_191] : memref<10008x128xf32, #tpu.memory_space<vmem_shared>> -> memref<10008x128xf32, #tpu.memory_space<vmem_shared>>
      tpu.enqueue_indirect_dma source(%arg21 : memref<72x128xf32, #tpu.memory_space<vmem>>) target(%dma_start3A_192 : memref<10008x128xf32, #tpu.memory_space<vmem_shared>>) offsets(%arg16 : memref<72xi32, #tpu.memory_space<vmem>>) semaphore(%arg36 : memref<!tpu.dma_semaphore, #tpu.memory_space<semaphore_mem>>) {add = true}
      %dma_wait3A_193 = arith.constant 0 : i32
      %dma_wait3A_194 = arith.constant 0 : i32
      %dma_wait3A_195 = tpu.memref_slice %arg7[%dma_wait3A_193, %dma_wait3A_194] : memref<10008x128xf32, #tpu.memory_space<vmem_shared>> -> memref<10008x128xf32, #tpu.memory_space<vmem_shared>>
      tpu.wait_indirect_dma semaphore(%arg34 : memref<!tpu.dma_semaphore, #tpu.memory_space<semaphore_mem>>) src(%arg19 : memref<72x128xf32, #tpu.memory_space<vmem>>) dst(%dma_wait3A_195 : memref<10008x128xf32, #tpu.memory_space<vmem_shared>>)
      %lt3A_196 = arith.constant 55 : i32
      %lt3A_197 = arith.cmpi slt, %scan3A_66, %lt3A_196 : i32
      %convert_element_type3A_198 = arith.extui %lt3A_197 : i1 to i32
      %cond3A_199 = arith.constant 0 : i32
      %cond3A_200 = arith.cmpi ne, %convert_element_type3A_198, %cond3A_199 : i32
      scf.if %cond3A_200 {
        %add3A_229 = arith.constant 3 : i32
        %add3A_230 = arith.addi %add3A_186, %add3A_229 : i32
        %mul3A_231 = arith.constant 72 : i32
        %mul3A_232 = arith.muli %add3A_230, %mul3A_231 : i32
        %add3A_233 = arith.addi %add3A, %mul3A_232 : i32
        %dma_start3A_234 = tpu.memref_slice %arg3[%add3A_233] : memref<645120xi32, #tpu.memory_space<hbm>> -> memref<72xi32, #tpu.memory_space<hbm>>
        %dma_start3A_235 = tpu.memref_slice %arg3[%add3A_233] : memref<645120xi32, #tpu.memory_space<hbm>> -> memref<72xi32, #tpu.memory_space<hbm>>
        tpu.enqueue_dma source(%dma_start3A_235 : memref<72xi32, #tpu.memory_space<hbm>>) target(%arg9 : memref<72xi32, #tpu.memory_space<vmem>>) target_semaphore(%arg24 : memref<!tpu.dma_semaphore, #tpu.memory_space<semaphore_mem>>)
        %mul3A_236 = arith.constant 72 : i32
        %mul3A_237 = arith.muli %add3A_230, %mul3A_236 : i32
        %add3A_238 = arith.addi %add3A, %mul3A_237 : i32
        %dma_start3A_239 = tpu.memref_slice %arg4[%add3A_238] : memref<645120xi32, #tpu.memory_space<hbm>> -> memref<72xi32, #tpu.memory_space<hbm>>
        %dma_start3A_240 = tpu.memref_slice %arg4[%add3A_238] : memref<645120xi32, #tpu.memory_space<hbm>> -> memref<72xi32, #tpu.memory_space<hbm>>
        tpu.enqueue_dma source(%dma_start3A_240 : memref<72xi32, #tpu.memory_space<hbm>>) target(%arg14 : memref<72xi32, #tpu.memory_space<vmem>>) target_semaphore(%arg24 : memref<!tpu.dma_semaphore, #tpu.memory_space<semaphore_mem>>)
      } else {
      }
      %lt3A_201 = arith.constant 55 : i32
      %lt3A_202 = arith.cmpi slt, %scan3A_66, %lt3A_201 : i32
      %convert_element_type3A_203 = arith.extui %lt3A_202 : i1 to i32
      %cond3A_204 = arith.constant 0 : i32
      %cond3A_205 = arith.cmpi ne, %convert_element_type3A_203, %cond3A_204 : i32
      scf.if %cond3A_205 {
        %add3A_229 = arith.constant 2 : i32
        %add3A_230 = arith.addi %add3A_186, %add3A_229 : i32
        %mul3A_231 = arith.constant 72 : i32
        %mul3A_232 = arith.muli %add3A_230, %mul3A_231 : i32
        %add3A_233 = arith.addi %add3A, %mul3A_232 : i32
        %dma_wait3A_234 = tpu.memref_slice %arg3[%add3A_233] : memref<645120xi32, #tpu.memory_space<hbm>> -> memref<72xi32, #tpu.memory_space<hbm>>
        %dma_wait3A_235 = tpu.memref_slice %arg3[%add3A_233] : memref<645120xi32, #tpu.memory_space<hbm>> -> memref<72xi32, #tpu.memory_space<hbm>>
        tpu.wait_dma2 semaphore(%arg23 : memref<!tpu.dma_semaphore, #tpu.memory_space<semaphore_mem>>) src(%dma_wait3A_235 : memref<72xi32, #tpu.memory_space<hbm>>) dst(%arg8 : memref<72xi32, #tpu.memory_space<vmem>>)
        %mul3A_236 = arith.constant 72 : i32
        %mul3A_237 = arith.muli %add3A_230, %mul3A_236 : i32
        %add3A_238 = arith.addi %add3A, %mul3A_237 : i32
        %dma_wait3A_239 = tpu.memref_slice %arg4[%add3A_238] : memref<645120xi32, #tpu.memory_space<hbm>> -> memref<72xi32, #tpu.memory_space<hbm>>
        %dma_wait3A_240 = tpu.memref_slice %arg4[%add3A_238] : memref<645120xi32, #tpu.memory_space<hbm>> -> memref<72xi32, #tpu.memory_space<hbm>>
        tpu.wait_dma2 semaphore(%arg23 : memref<!tpu.dma_semaphore, #tpu.memory_space<semaphore_mem>>) src(%dma_wait3A_240 : memref<72xi32, #tpu.memory_space<hbm>>) dst(%arg13 : memref<72xi32, #tpu.memory_space<vmem>>)
        %dma_start3A_241 = arith.constant 0 : i32
        %dma_start3A_242 = arith.constant 0 : i32
        %dma_start3A_243 = tpu.memref_slice %arg2[%dma_start3A_241, %dma_start3A_242] : memref<20000x128xf32, #tpu.memory_space<hbm>> -> memref<20000x128xf32, #tpu.memory_space<hbm>>
        tpu.enqueue_indirect_dma source(%dma_start3A_243 : memref<20000x128xf32, #tpu.memory_space<hbm>>) target(%arg18 : memref<72x128xf32, #tpu.memory_space<vmem>>) offsets(%arg8 : memref<72xi32, #tpu.memory_space<vmem>>) semaphore(%arg28 : memref<!tpu.dma_semaphore, #tpu.memory_space<semaphore_mem>>)
      } else {
      }
      %mul3A_206 = arith.constant 5 : i32
      %mul3A_207 = arith.muli %mul3A_206, %scan3A_66 : i32
      %add3A_208 = arith.constant 4 : i32
      %add3A_209 = arith.addi %mul3A_207, %add3A_208 : i32
      %dma_wait3A_210 = arith.constant 0 : i32
      %dma_wait3A_211 = arith.constant 0 : i32
      %dma_wait3A_212 = tpu.memref_slice %arg2[%dma_wait3A_210, %dma_wait3A_211] : memref<20000x128xf32, #tpu.memory_space<hbm>> -> memref<20000x128xf32, #tpu.memory_space<hbm>>
      tpu.wait_indirect_dma semaphore(%arg32 : memref<!tpu.dma_semaphore, #tpu.memory_space<semaphore_mem>>) src(%dma_wait3A_212 : memref<20000x128xf32, #tpu.memory_space<hbm>>) dst(%arg22 : memref<72x128xf32, #tpu.memory_space<vmem>>)
      %dma_start3A_213 = arith.constant 0 : i32
      %dma_start3A_214 = arith.constant 0 : i32
      %dma_start3A_215 = tpu.memref_slice %arg7[%dma_start3A_213, %dma_start3A_214] : memref<10008x128xf32, #tpu.memory_space<vmem_shared>> -> memref<10008x128xf32, #tpu.memory_space<vmem_shared>>
      tpu.enqueue_indirect_dma source(%arg22 : memref<72x128xf32, #tpu.memory_space<vmem>>) target(%dma_start3A_215 : memref<10008x128xf32, #tpu.memory_space<vmem_shared>>) offsets(%arg17 : memref<72xi32, #tpu.memory_space<vmem>>) semaphore(%arg37 : memref<!tpu.dma_semaphore, #tpu.memory_space<semaphore_mem>>) {add = true}
      %dma_wait3A_216 = arith.constant 0 : i32
      %dma_wait3A_217 = arith.constant 0 : i32
      %dma_wait3A_218 = tpu.memref_slice %arg7[%dma_wait3A_216, %dma_wait3A_217] : memref<10008x128xf32, #tpu.memory_space<vmem_shared>> -> memref<10008x128xf32, #tpu.memory_space<vmem_shared>>
      tpu.wait_indirect_dma semaphore(%arg35 : memref<!tpu.dma_semaphore, #tpu.memory_space<semaphore_mem>>) src(%arg20 : memref<72x128xf32, #tpu.memory_space<vmem>>) dst(%dma_wait3A_218 : memref<10008x128xf32, #tpu.memory_space<vmem_shared>>)
      %lt3A_219 = arith.constant 55 : i32
      %lt3A_220 = arith.cmpi slt, %scan3A_66, %lt3A_219 : i32
      %convert_element_type3A_221 = arith.extui %lt3A_220 : i1 to i32
      %cond3A_222 = arith.constant 0 : i32
      %cond3A_223 = arith.cmpi ne, %convert_element_type3A_221, %cond3A_222 : i32
      scf.if %cond3A_223 {
        %add3A_229 = arith.constant 3 : i32
        %add3A_230 = arith.addi %add3A_209, %add3A_229 : i32
        %mul3A_231 = arith.constant 72 : i32
        %mul3A_232 = arith.muli %add3A_230, %mul3A_231 : i32
        %add3A_233 = arith.addi %add3A, %mul3A_232 : i32
        %dma_start3A_234 = tpu.memref_slice %arg3[%add3A_233] : memref<645120xi32, #tpu.memory_space<hbm>> -> memref<72xi32, #tpu.memory_space<hbm>>
        %dma_start3A_235 = tpu.memref_slice %arg3[%add3A_233] : memref<645120xi32, #tpu.memory_space<hbm>> -> memref<72xi32, #tpu.memory_space<hbm>>
        tpu.enqueue_dma source(%dma_start3A_235 : memref<72xi32, #tpu.memory_space<hbm>>) target(%arg10 : memref<72xi32, #tpu.memory_space<vmem>>) target_semaphore(%arg25 : memref<!tpu.dma_semaphore, #tpu.memory_space<semaphore_mem>>)
        %mul3A_236 = arith.constant 72 : i32
        %mul3A_237 = arith.muli %add3A_230, %mul3A_236 : i32
        %add3A_238 = arith.addi %add3A, %mul3A_237 : i32
        %dma_start3A_239 = tpu.memref_slice %arg4[%add3A_238] : memref<645120xi32, #tpu.memory_space<hbm>> -> memref<72xi32, #tpu.memory_space<hbm>>
        %dma_start3A_240 = tpu.memref_slice %arg4[%add3A_238] : memref<645120xi32, #tpu.memory_space<hbm>> -> memref<72xi32, #tpu.memory_space<hbm>>
        tpu.enqueue_dma source(%dma_start3A_240 : memref<72xi32, #tpu.memory_space<hbm>>) target(%arg15 : memref<72xi32, #tpu.memory_space<vmem>>) target_semaphore(%arg25 : memref<!tpu.dma_semaphore, #tpu.memory_space<semaphore_mem>>)
      } else {
      }
      %lt3A_224 = arith.constant 55 : i32
      %lt3A_225 = arith.cmpi slt, %scan3A_66, %lt3A_224 : i32
      %convert_element_type3A_226 = arith.extui %lt3A_225 : i1 to i32
      %cond3A_227 = arith.constant 0 : i32
      %cond3A_228 = arith.cmpi ne, %convert_element_type3A_226, %cond3A_227 : i32
      scf.if %cond3A_228 {
        %add3A_229 = arith.constant 2 : i32
        %add3A_230 = arith.addi %add3A_209, %add3A_229 : i32
        %mul3A_231 = arith.constant 72 : i32
        %mul3A_232 = arith.muli %add3A_230, %mul3A_231 : i32
        %add3A_233 = arith.addi %add3A, %mul3A_232 : i32
        %dma_wait3A_234 = tpu.memref_slice %arg3[%add3A_233] : memref<645120xi32, #tpu.memory_space<hbm>> -> memref<72xi32, #tpu.memory_space<hbm>>
        %dma_wait3A_235 = tpu.memref_slice %arg3[%add3A_233] : memref<645120xi32, #tpu.memory_space<hbm>> -> memref<72xi32, #tpu.memory_space<hbm>>
        tpu.wait_dma2 semaphore(%arg24 : memref<!tpu.dma_semaphore, #tpu.memory_space<semaphore_mem>>) src(%dma_wait3A_235 : memref<72xi32, #tpu.memory_space<hbm>>) dst(%arg9 : memref<72xi32, #tpu.memory_space<vmem>>)
        %mul3A_236 = arith.constant 72 : i32
        %mul3A_237 = arith.muli %add3A_230, %mul3A_236 : i32
        %add3A_238 = arith.addi %add3A, %mul3A_237 : i32
        %dma_wait3A_239 = tpu.memref_slice %arg4[%add3A_238] : memref<645120xi32, #tpu.memory_space<hbm>> -> memref<72xi32, #tpu.memory_space<hbm>>
        %dma_wait3A_240 = tpu.memref_slice %arg4[%add3A_238] : memref<645120xi32, #tpu.memory_space<hbm>> -> memref<72xi32, #tpu.memory_space<hbm>>
        tpu.wait_dma2 semaphore(%arg24 : memref<!tpu.dma_semaphore, #tpu.memory_space<semaphore_mem>>) src(%dma_wait3A_240 : memref<72xi32, #tpu.memory_space<hbm>>) dst(%arg14 : memref<72xi32, #tpu.memory_space<vmem>>)
        %dma_start3A_241 = arith.constant 0 : i32
        %dma_start3A_242 = arith.constant 0 : i32
        %dma_start3A_243 = tpu.memref_slice %arg2[%dma_start3A_241, %dma_start3A_242] : memref<20000x128xf32, #tpu.memory_space<hbm>> -> memref<20000x128xf32, #tpu.memory_space<hbm>>
        tpu.enqueue_indirect_dma source(%dma_start3A_243 : memref<20000x128xf32, #tpu.memory_space<hbm>>) target(%arg19 : memref<72x128xf32, #tpu.memory_space<vmem>>) offsets(%arg9 : memref<72xi32, #tpu.memory_space<vmem>>) semaphore(%arg29 : memref<!tpu.dma_semaphore, #tpu.memory_space<semaphore_mem>>)
      } else {
      }
    }
    %scan3A_53 = arith.constant 56 : i32
    %dma_wait3A_54 = arith.constant 0 : i32
    %dma_wait3A_55 = arith.constant 0 : i32
    %dma_wait3A_56 = tpu.memref_slice %arg7[%dma_wait3A_54, %dma_wait3A_55] : memref<10008x128xf32, #tpu.memory_space<vmem_shared>> -> memref<10008x128xf32, #tpu.memory_space<vmem_shared>>
    tpu.wait_indirect_dma semaphore(%arg36 : memref<!tpu.dma_semaphore, #tpu.memory_space<semaphore_mem>>) src(%arg21 : memref<72x128xf32, #tpu.memory_space<vmem>>) dst(%dma_wait3A_56 : memref<10008x128xf32, #tpu.memory_space<vmem_shared>>)
    %dma_wait3A_57 = arith.constant 0 : i32
    %dma_wait3A_58 = arith.constant 0 : i32
    %dma_wait3A_59 = tpu.memref_slice %arg7[%dma_wait3A_57, %dma_wait3A_58] : memref<10008x128xf32, #tpu.memory_space<vmem_shared>> -> memref<10008x128xf32, #tpu.memory_space<vmem_shared>>
    tpu.wait_indirect_dma semaphore(%arg37 : memref<!tpu.dma_semaphore, #tpu.memory_space<semaphore_mem>>) src(%arg22 : memref<72x128xf32, #tpu.memory_space<vmem>>) dst(%dma_wait3A_59 : memref<10008x128xf32, #tpu.memory_space<vmem_shared>>)
    %barrier3A_60 = arith.constant 0 : index
    tpu.barrier barrier_id(%barrier3A_60)
    %lt3A_61 = arith.constant 10 : i32
    %lt3A_62 = arith.cmpi slt, %arg1, %lt3A_61 : i32
    %convert_element_type3A_63 = arith.extui %lt3A_62 : i1 to i32
    %cond3A_64 = arith.constant 0 : i32
    %cond3A_65 = arith.cmpi ne, %convert_element_type3A_63, %cond3A_64 : i32
    scf.if %cond3A_65 {
      %mul3A_66 = arith.constant 1000 : i32
      %mul3A_67 = arith.muli %arg1, %mul3A_66 : i32
      %mul3A_68 = arith.constant 1000 : i32
      %mul3A_69 = arith.muli %arg1, %mul3A_68 : i32
      "tpu.region"() ({
        %run_scoped3A = tpu.sem_alloc : memref<!tpu.dma_semaphore, #tpu.memory_space<semaphore_mem>>
        %dma_start3A_70 = arith.constant 0 : i32
        %dma_start3A_71 = tpu.memref_slice %arg6[%arg0, %mul3A_69, %dma_start3A_70] : memref<2x10000x128xf32, #tpu.memory_space<hbm>> -> memref<1x1000x128xf32, #tpu.memory_space<hbm>>
        %dma_start3A_72 = tpu.memref_squeeze %dma_start3A_71 : memref<1x1000x128xf32, #tpu.memory_space<hbm>> -> memref<1000x128xf32, #tpu.memory_space<hbm>>
        %dma_start3A_73 = arith.constant 0 : i32
        %dma_start3A_74 = tpu.memref_slice %arg7[%mul3A_67, %dma_start3A_73] : memref<10008x128xf32, #tpu.memory_space<vmem_shared>> -> memref<1000x128xf32, #tpu.memory_space<vmem_shared>>
        tpu.enqueue_dma source(%dma_start3A_74 : memref<1000x128xf32, #tpu.memory_space<vmem_shared>>) target(%dma_start3A_72 : memref<1000x128xf32, #tpu.memory_space<hbm>>) target_semaphore(%run_scoped3A : memref<!tpu.dma_semaphore, #tpu.memory_space<semaphore_mem>>)
        %dma_wait3A_75 = arith.constant 0 : i32
        %dma_wait3A_76 = tpu.memref_slice %arg6[%arg0, %mul3A_69, %dma_wait3A_75] : memref<2x10000x128xf32, #tpu.memory_space<hbm>> -> memref<1x1000x128xf32, #tpu.memory_space<hbm>>
        %dma_wait3A_77 = tpu.memref_squeeze %dma_wait3A_76 : memref<1x1000x128xf32, #tpu.memory_space<hbm>> -> memref<1000x128xf32, #tpu.memory_space<hbm>>
        %dma_wait3A_78 = arith.constant 0 : i32
        %dma_wait3A_79 = tpu.memref_slice %arg7[%mul3A_67, %dma_wait3A_78] : memref<10008x128xf32, #tpu.memory_space<vmem_shared>> -> memref<1000x128xf32, #tpu.memory_space<vmem_shared>>
        tpu.wait_dma2 semaphore(%run_scoped3A : memref<!tpu.dma_semaphore, #tpu.memory_space<semaphore_mem>>) src(%dma_wait3A_79 : memref<1000x128xf32, #tpu.memory_space<vmem_shared>>) dst(%dma_wait3A_77 : memref<1000x128xf32, #tpu.memory_space<hbm>>)
        tpu.yield
      }) : () -> ()
    } else {
    }
    return
  }
}

module attributes {stable_mosaic.version = 14 : i64} {
  func.func @_tc_prep_body(%arg0: i32, %arg1: memref<1000x128xf32, #tpu.memory_space<vmem>>, %arg2: memref<1000x128xf32, #tpu.memory_space<vmem>>, %arg3: memref<1000x4xf32, #tpu.memory_space<vmem>>, %arg4: memref<2x1000x128xf32, #tpu.memory_space<vmem>>) attributes {dimension_semantics = [#tpu.dimension_semantics<arbitrary>], iteration_bounds = array<i64: 10>, scalar_prefetch = 0 : i64, scratch_operands = 0 : i64, tpu.core_type = #tpu.core_type<tc>, window_params = [{transform_indices = @transform_0, window_bounds = array<i64: 1000, 128>}, {transform_indices = @transform_1, window_bounds = array<i64: 1000, 128>}, {transform_indices = @transform_2, window_bounds = array<i64: 1000, 4>}, {transform_indices = @transform_3, window_bounds = array<i64: 2, 1000, 128>}]} {
    %get3A = arith.constant 0 : index
    %get3A_0 = arith.constant 0 : index
    %get3A_1 = vector.load %arg3[%get3A, %get3A_0] : memref<1000x4xf32, #tpu.memory_space<vmem>>, vector<1000x4xf32>
    %max3A = arith.constant 1.000000e+00 : f32
    %max3A_2 = vector.broadcast %max3A : f32 to vector<1000x4xf32>
    %max3A_3 = arith.maximumf %get3A_1, %max3A_2 : vector<1000x4xf32>
    %rsqrt3A = math.rsqrt %max3A_3 : vector<1000x4xf32>
    %get3A_4 = arith.constant 0 : index
    %get3A_5 = arith.constant 0 : index
    %get3A_6 = vector.load %arg1[%get3A_4, %get3A_5] : memref<1000x128xf32, #tpu.memory_space<vmem>>, vector<1000x128xf32>
    %slice3A = vector.extract_strided_slice %rsqrt3A {offsets = [0, 0], sizes = [1000, 1], strides = [1, 1]} : vector<1000x4xf32> to vector<1000x1xf32>
    %mul3A = vector.broadcast %slice3A : vector<1000x1xf32> to vector<1000x128xf32>
    %mul3A_7 = arith.mulf %get3A_6, %mul3A : vector<1000x128xf32>
    %swap3A = arith.constant 0 : index
    %swap3A_8 = arith.constant 0 : index
    %swap3A_9 = arith.constant 0 : index
    %swap3A_10 = vector.load %arg4[%swap3A, %swap3A_8, %swap3A_9] : memref<2x1000x128xf32, #tpu.memory_space<vmem>>, vector<1x1000x128xf32>
    %swap3A_11 = vector.shape_cast %swap3A_10 : vector<1x1000x128xf32> to vector<1000x128xf32>
    %swap3A_12 = vector.shape_cast %mul3A_7 : vector<1000x128xf32> to vector<1x1000x128xf32>
    tpu.vector_store %arg4[%swap3A, %swap3A_8, %swap3A_9], %swap3A_12 {strides = array<i32>} : memref<2x1000x128xf32, #tpu.memory_space<vmem>>, vector<1x1000x128xf32>,
    %get3A_13 = arith.constant 0 : index
    %get3A_14 = arith.constant 0 : index
    %get3A_15 = vector.load %arg2[%get3A_13, %get3A_14] : memref<1000x128xf32, #tpu.memory_space<vmem>>, vector<1000x128xf32>
    %slice3A_16 = vector.extract_strided_slice %rsqrt3A {offsets = [0, 2], sizes = [1000, 1], strides = [1, 1]} : vector<1000x4xf32> to vector<1000x1xf32>
    %mul3A_17 = vector.broadcast %slice3A_16 : vector<1000x1xf32> to vector<1000x128xf32>
    %mul3A_18 = arith.mulf %get3A_15, %mul3A_17 : vector<1000x128xf32>
    %swap3A_19 = arith.constant 1 : index
    %swap3A_20 = arith.constant 0 : index
    %swap3A_21 = arith.constant 0 : index
    %swap3A_22 = vector.load %arg4[%swap3A_19, %swap3A_20, %swap3A_21] : memref<2x1000x128xf32, #tpu.memory_space<vmem>>, vector<1x1000x128xf32>
    %swap3A_23 = vector.shape_cast %swap3A_22 : vector<1x1000x128xf32> to vector<1000x128xf32>
    %swap3A_24 = vector.shape_cast %mul3A_18 : vector<1000x128xf32> to vector<1x1000x128xf32>
    tpu.vector_store %arg4[%swap3A_19, %swap3A_20, %swap3A_21], %swap3A_24 {strides = array<i32>} : memref<2x1000x128xf32, #tpu.memory_space<vmem>>, vector<1x1000x128xf32>,
    return
  }
  func.func @transform_0(%arg0: i32) -> (i32, i32) {
    %c0_i32 = arith.constant 0 : i32
    %c0_i32_0 = arith.constant 0 : i32
    return %arg0, %c0_i32 : i32, i32
  }
  func.func @transform_1(%arg0: i32) -> (i32, i32) {
    %c0_i32 = arith.constant 0 : i32
    %c0_i32_0 = arith.constant 0 : i32
    return %arg0, %c0_i32 : i32, i32
  }
  func.func @transform_2(%arg0: i32) -> (i32, i32) {
    %c0_i32 = arith.constant 0 : i32
    %c0_i32_0 = arith.constant 0 : i32
    return %arg0, %c0_i32 : i32, i32
  }
  func.func @transform_3(%arg0: i32) -> (i32, i32, i32) {
    %c0_i32 = arith.constant 0 : i32
    %c0_i32_0 = arith.constant 0 : i32
    %c0_i32_1 = arith.constant 0 : i32
    return %c0_i32, %arg0, %c0_i32_0 : i32, i32, i32
  }
}

module attributes {stable_mosaic.version = 14 : i64} {
  func.func @_tc_mid_body(%arg0: i32, %arg1: memref<1000x128xf32, #tpu.memory_space<vmem>>, %arg2: memref<1000x128xf32, #tpu.memory_space<vmem>>, %arg3: memref<1000x4xf32, #tpu.memory_space<vmem>>, %arg4: memref<128x128xf32, #tpu.memory_space<vmem>>, %arg5: memref<1x128xf32, #tpu.memory_space<vmem>>, %arg6: memref<128x128xf32, #tpu.memory_space<vmem>>, %arg7: memref<1x128xf32, #tpu.memory_space<vmem>>, %arg8: memref<2x1000x128xf32, #tpu.memory_space<vmem>>) attributes {dimension_semantics = [#tpu.dimension_semantics<arbitrary>], iteration_bounds = array<i64: 10>, scalar_prefetch = 0 : i64, scratch_operands = 0 : i64, tpu.core_type = #tpu.core_type<tc>, window_params = [{transform_indices = @transform_0, window_bounds = array<i64: 1000, 128>}, {transform_indices = @transform_1, window_bounds = array<i64: 1000, 128>}, {transform_indices = @transform_2, window_bounds = array<i64: 1000, 4>}, {pipeline_mode = #tpu.pipeline_mode<synchronous>, transform_indices = @transform_3, window_bounds = array<i64: 128, 128>}, {pipeline_mode = #tpu.pipeline_mode<synchronous>, transform_indices = @transform_4, window_bounds = array<i64: 1, 128>}, {pipeline_mode = #tpu.pipeline_mode<synchronous>, transform_indices = @transform_5, window_bounds = array<i64: 128, 128>}, {pipeline_mode = #tpu.pipeline_mode<synchronous>, transform_indices = @transform_6, window_bounds = array<i64: 1, 128>}, {transform_indices = @transform_7, window_bounds = array<i64: 2, 1000, 128>}]} {
    %get3A = arith.constant 0 : index
    %get3A_0 = arith.constant 0 : index
    %get3A_1 = vector.load %arg3[%get3A, %get3A_0] : memref<1000x4xf32, #tpu.memory_space<vmem>>, vector<1000x4xf32>
    %max3A = arith.constant 1.000000e+00 : f32
    %max3A_2 = vector.broadcast %max3A : f32 to vector<1000x4xf32>
    %max3A_3 = arith.maximumf %get3A_1, %max3A_2 : vector<1000x4xf32>
    %rsqrt3A = math.rsqrt %max3A_3 : vector<1000x4xf32>
    %get3A_4 = arith.constant 0 : index
    %get3A_5 = arith.constant 0 : index
    %get3A_6 = vector.load %arg1[%get3A_4, %get3A_5] : memref<1000x128xf32, #tpu.memory_space<vmem>>, vector<1000x128xf32>
    %slice3A = vector.extract_strided_slice %rsqrt3A {offsets = [0, 1], sizes = [1000, 1], strides = [1, 1]} : vector<1000x4xf32> to vector<1000x1xf32>
    %mul3A = vector.broadcast %slice3A : vector<1000x1xf32> to vector<1000x128xf32>
    %mul3A_7 = arith.mulf %get3A_6, %mul3A : vector<1000x128xf32>
    %get3A_8 = arith.constant 0 : index
    %get3A_9 = arith.constant 0 : index
    %get3A_10 = vector.load %arg4[%get3A_8, %get3A_9] : memref<128x128xf32, #tpu.memory_space<vmem>>, vector<128x128xf32>
    %dot_general3A = arith.constant dense<0.000000e+00> : vector<1000x128xf32>
    %dot_general3A_11 = tpu.matmul %mul3A_7, %get3A_10, %dot_general3A {dimension_numbers = #tpu.dot_dimension_numbers<[1], [0], [0], [1], [0, 0, 1, 1], [], []>, transpose_lhs_hint = false} : vector<1000x128xf32>, vector<128x128xf32>, vector<1000x128xf32> -> vector<1000x128xf32>
    %get3A_12 = arith.constant 0 : index
    %get3A_13 = arith.constant 0 : index
    %get3A_14 = vector.load %arg5[%get3A_12, %get3A_13] : memref<1x128xf32, #tpu.memory_space<vmem>>, vector<1x128xf32>
    %add3A = vector.broadcast %get3A_14 : vector<1x128xf32> to vector<1000x128xf32>
    %add3A_15 = arith.addf %dot_general3A_11, %add3A : vector<1000x128xf32>
    %max3A_16 = arith.constant 0.000000e+00 : f32
    %max3A_17 = vector.broadcast %max3A_16 : f32 to vector<1000x128xf32>
    %max3A_18 = arith.maximumf %add3A_15, %max3A_17 : vector<1000x128xf32>
    %get3A_19 = arith.constant 0 : index
    %get3A_20 = arith.constant 0 : index
    %get3A_21 = vector.load %arg2[%get3A_19, %get3A_20] : memref<1000x128xf32, #tpu.memory_space<vmem>>, vector<1000x128xf32>
    %slice3A_22 = vector.extract_strided_slice %rsqrt3A {offsets = [0, 3], sizes = [1000, 1], strides = [1, 1]} : vector<1000x4xf32> to vector<1000x1xf32>
    %mul3A_23 = vector.broadcast %slice3A_22 : vector<1000x1xf32> to vector<1000x128xf32>
    %mul3A_24 = arith.mulf %get3A_21, %mul3A_23 : vector<1000x128xf32>
    %get3A_25 = arith.constant 0 : index
    %get3A_26 = arith.constant 0 : index
    %get3A_27 = vector.load %arg6[%get3A_25, %get3A_26] : memref<128x128xf32, #tpu.memory_space<vmem>>, vector<128x128xf32>
    %dot_general3A_28 = arith.constant dense<0.000000e+00> : vector<1000x128xf32>
    %dot_general3A_29 = tpu.matmul %mul3A_24, %get3A_27, %dot_general3A_28 {dimension_numbers = #tpu.dot_dimension_numbers<[1], [0], [0], [1], [0, 0, 1, 1], [], []>, transpose_lhs_hint = false} : vector<1000x128xf32>, vector<128x128xf32>, vector<1000x128xf32> -> vector<1000x128xf32>
    %get3A_30 = arith.constant 0 : index
    %get3A_31 = arith.constant 0 : index
    %get3A_32 = vector.load %arg7[%get3A_30, %get3A_31] : memref<1x128xf32, #tpu.memory_space<vmem>>, vector<1x128xf32>
    %add3A_33 = vector.broadcast %get3A_32 : vector<1x128xf32> to vector<1000x128xf32>
    %add3A_34 = arith.addf %dot_general3A_29, %add3A_33 : vector<1000x128xf32>
    %max3A_35 = arith.constant 0.000000e+00 : f32
    %max3A_36 = vector.broadcast %max3A_35 : f32 to vector<1000x128xf32>
    %max3A_37 = arith.maximumf %add3A_34, %max3A_36 : vector<1000x128xf32>
    %slice3A_38 = vector.extract_strided_slice %rsqrt3A {offsets = [0, 0], sizes = [1000, 1], strides = [1, 1]} : vector<1000x4xf32> to vector<1000x1xf32>
    %mul3A_39 = vector.broadcast %slice3A_38 : vector<1000x1xf32> to vector<1000x128xf32>
    %mul3A_40 = arith.mulf %max3A_37, %mul3A_39 : vector<1000x128xf32>
    %swap3A = arith.constant 0 : index
    %swap3A_41 = arith.constant 0 : index
    %swap3A_42 = arith.constant 0 : index
    %swap3A_43 = vector.load %arg8[%swap3A, %swap3A_41, %swap3A_42] : memref<2x1000x128xf32, #tpu.memory_space<vmem>>, vector<1x1000x128xf32>
    %swap3A_44 = vector.shape_cast %swap3A_43 : vector<1x1000x128xf32> to vector<1000x128xf32>
    %swap3A_45 = vector.shape_cast %mul3A_40 : vector<1000x128xf32> to vector<1x1000x128xf32>
    tpu.vector_store %arg8[%swap3A, %swap3A_41, %swap3A_42], %swap3A_45 {strides = array<i32>} : memref<2x1000x128xf32, #tpu.memory_space<vmem>>, vector<1x1000x128xf32>,
    %slice3A_46 = vector.extract_strided_slice %rsqrt3A {offsets = [0, 2], sizes = [1000, 1], strides = [1, 1]} : vector<1000x4xf32> to vector<1000x1xf32>
    %mul3A_47 = vector.broadcast %slice3A_46 : vector<1000x1xf32> to vector<1000x128xf32>
    %mul3A_48 = arith.mulf %max3A_18, %mul3A_47 : vector<1000x128xf32>
    %swap3A_49 = arith.constant 1 : index
    %swap3A_50 = arith.constant 0 : index
    %swap3A_51 = arith.constant 0 : index
    %swap3A_52 = vector.load %arg8[%swap3A_49, %swap3A_50, %swap3A_51] : memref<2x1000x128xf32, #tpu.memory_space<vmem>>, vector<1x1000x128xf32>
    %swap3A_53 = vector.shape_cast %swap3A_52 : vector<1x1000x128xf32> to vector<1000x128xf32>
    %swap3A_54 = vector.shape_cast %mul3A_48 : vector<1000x128xf32> to vector<1x1000x128xf32>
    tpu.vector_store %arg8[%swap3A_49, %swap3A_50, %swap3A_51], %swap3A_54 {strides = array<i32>} : memref<2x1000x128xf32, #tpu.memory_space<vmem>>, vector<1x1000x128xf32>,
    return
  }
  func.func @transform_0(%arg0: i32) -> (i32, i32) {
    %c0_i32 = arith.constant 0 : i32
    %c0_i32_0 = arith.constant 0 : i32
    return %arg0, %c0_i32 : i32, i32
  }
  func.func @transform_1(%arg0: i32) -> (i32, i32) {
    %c0_i32 = arith.constant 0 : i32
    %c0_i32_0 = arith.constant 0 : i32
    return %arg0, %c0_i32 : i32, i32
  }
  func.func @transform_2(%arg0: i32) -> (i32, i32) {
    %c0_i32 = arith.constant 0 : i32
    %c0_i32_0 = arith.constant 0 : i32
    return %arg0, %c0_i32 : i32, i32
  }
  func.func @transform_3(%arg0: i32) -> (i32, i32) {
    %c0_i32 = arith.constant 0 : i32
    %c0_i32_0 = arith.constant 0 : i32
    %c0_i32_1 = arith.constant 0 : i32
    return %c0_i32, %c0_i32_0 : i32, i32
  }
  func.func @transform_4(%arg0: i32) -> (i32, i32) {
    %c0_i32 = arith.constant 0 : i32
    %c0_i32_0 = arith.constant 0 : i32
    %c0_i32_1 = arith.constant 0 : i32
    return %c0_i32, %c0_i32_0 : i32, i32
  }
  func.func @transform_5(%arg0: i32) -> (i32, i32) {
    %c0_i32 = arith.constant 0 : i32
    %c0_i32_0 = arith.constant 0 : i32
    %c0_i32_1 = arith.constant 0 : i32
    return %c0_i32, %c0_i32_0 : i32, i32
  }
  func.func @transform_6(%arg0: i32) -> (i32, i32) {
    %c0_i32 = arith.constant 0 : i32
    %c0_i32_0 = arith.constant 0 : i32
    %c0_i32_1 = arith.constant 0 : i32
    return %c0_i32, %c0_i32_0 : i32, i32
  }
  func.func @transform_7(%arg0: i32) -> (i32, i32, i32) {
    %c0_i32 = arith.constant 0 : i32
    %c0_i32_0 = arith.constant 0 : i32
    %c0_i32_1 = arith.constant 0 : i32
    return %c0_i32, %arg0, %c0_i32_0 : i32, i32, i32
  }
}

module attributes {stable_mosaic.version = 14 : i64} {
  func.func @_tc_final_body(%arg0: i32, %arg1: memref<1000x128xf32, #tpu.memory_space<vmem>>, %arg2: memref<1000x128xf32, #tpu.memory_space<vmem>>, %arg3: memref<1000x4xf32, #tpu.memory_space<vmem>>, %arg4: memref<128x128xf32, #tpu.memory_space<vmem>>, %arg5: memref<1x128xf32, #tpu.memory_space<vmem>>, %arg6: memref<128x128xf32, #tpu.memory_space<vmem>>, %arg7: memref<1x128xf32, #tpu.memory_space<vmem>>, %arg8: memref<1000x128xf32, #tpu.memory_space<vmem>>, %arg9: memref<1000x128xf32, #tpu.memory_space<vmem>>) attributes {dimension_semantics = [#tpu.dimension_semantics<arbitrary>], iteration_bounds = array<i64: 10>, scalar_prefetch = 0 : i64, scratch_operands = 0 : i64, tpu.core_type = #tpu.core_type<tc>, window_params = [{transform_indices = @transform_0, window_bounds = array<i64: 1000, 128>}, {transform_indices = @transform_1, window_bounds = array<i64: 1000, 128>}, {transform_indices = @transform_2, window_bounds = array<i64: 1000, 4>}, {pipeline_mode = #tpu.pipeline_mode<synchronous>, transform_indices = @transform_3, window_bounds = array<i64: 128, 128>}, {pipeline_mode = #tpu.pipeline_mode<synchronous>, transform_indices = @transform_4, window_bounds = array<i64: 1, 128>}, {pipeline_mode = #tpu.pipeline_mode<synchronous>, transform_indices = @transform_5, window_bounds = array<i64: 128, 128>}, {pipeline_mode = #tpu.pipeline_mode<synchronous>, transform_indices = @transform_6, window_bounds = array<i64: 1, 128>}, {transform_indices = @transform_7, window_bounds = array<i64: 1000, 128>}, {transform_indices = @transform_8, window_bounds = array<i64: 1000, 128>}]} {
    %get3A = arith.constant 0 : index
    %get3A_0 = arith.constant 0 : index
    %get3A_1 = vector.load %arg3[%get3A, %get3A_0] : memref<1000x4xf32, #tpu.memory_space<vmem>>, vector<1000x4xf32>
    %max3A = arith.constant 1.000000e+00 : f32
    %max3A_2 = vector.broadcast %max3A : f32 to vector<1000x4xf32>
    %max3A_3 = arith.maximumf %get3A_1, %max3A_2 : vector<1000x4xf32>
    %rsqrt3A = math.rsqrt %max3A_3 : vector<1000x4xf32>
    %get3A_4 = arith.constant 0 : index
    %get3A_5 = arith.constant 0 : index
    %get3A_6 = vector.load %arg1[%get3A_4, %get3A_5] : memref<1000x128xf32, #tpu.memory_space<vmem>>, vector<1000x128xf32>
    %slice3A = vector.extract_strided_slice %rsqrt3A {offsets = [0, 1], sizes = [1000, 1], strides = [1, 1]} : vector<1000x4xf32> to vector<1000x1xf32>
    %mul3A = vector.broadcast %slice3A : vector<1000x1xf32> to vector<1000x128xf32>
    %mul3A_7 = arith.mulf %get3A_6, %mul3A : vector<1000x128xf32>
    %get3A_8 = arith.constant 0 : index
    %get3A_9 = arith.constant 0 : index
    %get3A_10 = vector.load %arg4[%get3A_8, %get3A_9] : memref<128x128xf32, #tpu.memory_space<vmem>>, vector<128x128xf32>
    %dot_general3A = arith.constant dense<0.000000e+00> : vector<1000x128xf32>
    %dot_general3A_11 = tpu.matmul %mul3A_7, %get3A_10, %dot_general3A {dimension_numbers = #tpu.dot_dimension_numbers<[1], [0], [0], [1], [0, 0, 1, 1], [], []>, transpose_lhs_hint = false} : vector<1000x128xf32>, vector<128x128xf32>, vector<1000x128xf32> -> vector<1000x128xf32>
    %get3A_12 = arith.constant 0 : index
    %get3A_13 = arith.constant 0 : index
    %get3A_14 = vector.load %arg5[%get3A_12, %get3A_13] : memref<1x128xf32, #tpu.memory_space<vmem>>, vector<1x128xf32>
    %add3A = vector.broadcast %get3A_14 : vector<1x128xf32> to vector<1000x128xf32>
    %add3A_15 = arith.addf %dot_general3A_11, %add3A : vector<1000x128xf32>
    %max3A_16 = arith.constant 0.000000e+00 : f32
    %max3A_17 = vector.broadcast %max3A_16 : f32 to vector<1000x128xf32>
    %max3A_18 = arith.maximumf %add3A_15, %max3A_17 : vector<1000x128xf32>
    %swap3A = arith.constant 0 : index
    %swap3A_19 = arith.constant 0 : index
    %swap3A_20 = vector.load %arg9[%swap3A, %swap3A_19] : memref<1000x128xf32, #tpu.memory_space<vmem>>, vector<1000x128xf32>
    tpu.vector_store %arg9[%swap3A, %swap3A_19], %max3A_18 {strides = array<i32>} : memref<1000x128xf32, #tpu.memory_space<vmem>>, vector<1000x128xf32>,
    %get3A_21 = arith.constant 0 : index
    %get3A_22 = arith.constant 0 : index
    %get3A_23 = vector.load %arg2[%get3A_21, %get3A_22] : memref<1000x128xf32, #tpu.memory_space<vmem>>, vector<1000x128xf32>
    %slice3A_24 = vector.extract_strided_slice %rsqrt3A {offsets = [0, 3], sizes = [1000, 1], strides = [1, 1]} : vector<1000x4xf32> to vector<1000x1xf32>
    %mul3A_25 = vector.broadcast %slice3A_24 : vector<1000x1xf32> to vector<1000x128xf32>
    %mul3A_26 = arith.mulf %get3A_23, %mul3A_25 : vector<1000x128xf32>
    %get3A_27 = arith.constant 0 : index
    %get3A_28 = arith.constant 0 : index
    %get3A_29 = vector.load %arg6[%get3A_27, %get3A_28] : memref<128x128xf32, #tpu.memory_space<vmem>>, vector<128x128xf32>
    %dot_general3A_30 = arith.constant dense<0.000000e+00> : vector<1000x128xf32>
    %dot_general3A_31 = tpu.matmul %mul3A_26, %get3A_29, %dot_general3A_30 {dimension_numbers = #tpu.dot_dimension_numbers<[1], [0], [0], [1], [0, 0, 1, 1], [], []>, transpose_lhs_hint = false} : vector<1000x128xf32>, vector<128x128xf32>, vector<1000x128xf32> -> vector<1000x128xf32>
    %get3A_32 = arith.constant 0 : index
    %get3A_33 = arith.constant 0 : index
    %get3A_34 = vector.load %arg7[%get3A_32, %get3A_33] : memref<1x128xf32, #tpu.memory_space<vmem>>, vector<1x128xf32>
    %add3A_35 = vector.broadcast %get3A_34 : vector<1x128xf32> to vector<1000x128xf32>
    %add3A_36 = arith.addf %dot_general3A_31, %add3A_35 : vector<1000x128xf32>
    %max3A_37 = arith.constant 0.000000e+00 : f32
    %max3A_38 = vector.broadcast %max3A_37 : f32 to vector<1000x128xf32>
    %max3A_39 = arith.maximumf %add3A_36, %max3A_38 : vector<1000x128xf32>
    %swap3A_40 = arith.constant 0 : index
    %swap3A_41 = arith.constant 0 : index
    %swap3A_42 = vector.load %arg8[%swap3A_40, %swap3A_41] : memref<1000x128xf32, #tpu.memory_space<vmem>>, vector<1000x128xf32>
    tpu.vector_store %arg8[%swap3A_40, %swap3A_41], %max3A_39 {strides = array<i32>} : memref<1000x128xf32, #tpu.memory_space<vmem>>, vector<1000x128xf32>,
    return
  }
  func.func @transform_0(%arg0: i32) -> (i32, i32) {
    %c0_i32 = arith.constant 0 : i32
    %c0_i32_0 = arith.constant 0 : i32
    return %arg0, %c0_i32 : i32, i32
  }
  func.func @transform_1(%arg0: i32) -> (i32, i32) {
    %c0_i32 = arith.constant 0 : i32
    %c0_i32_0 = arith.constant 0 : i32
    return %arg0, %c0_i32 : i32, i32
  }
  func.func @transform_2(%arg0: i32) -> (i32, i32) {
    %c0_i32 = arith.constant 0 : i32
    %c0_i32_0 = arith.constant 0 : i32
    return %arg0, %c0_i32 : i32, i32
  }
  func.func @transform_3(%arg0: i32) -> (i32, i32) {
    %c0_i32 = arith.constant 0 : i32
    %c0_i32_0 = arith.constant 0 : i32
    %c0_i32_1 = arith.constant 0 : i32
    return %c0_i32, %c0_i32_0 : i32, i32
  }
  func.func @transform_4(%arg0: i32) -> (i32, i32) {
    %c0_i32 = arith.constant 0 : i32
    %c0_i32_0 = arith.constant 0 : i32
    %c0_i32_1 = arith.constant 0 : i32
    return %c0_i32, %c0_i32_0 : i32, i32
  }
  func.func @transform_5(%arg0: i32) -> (i32, i32) {
    %c0_i32 = arith.constant 0 : i32
    %c0_i32_0 = arith.constant 0 : i32
    %c0_i32_1 = arith.constant 0 : i32
    return %c0_i32, %c0_i32_0 : i32, i32
  }
  func.func @transform_6(%arg0: i32) -> (i32, i32) {
    %c0_i32 = arith.constant 0 : i32
    %c0_i32_0 = arith.constant 0 : i32
    %c0_i32_1 = arith.constant 0 : i32
    return %c0_i32, %c0_i32_0 : i32, i32
  }
  func.func @transform_7(%arg0: i32) -> (i32, i32) {
    %c0_i32 = arith.constant 0 : i32
    %c0_i32_0 = arith.constant 0 : i32
    return %arg0, %c0_i32 : i32, i32
  }
  func.func @transform_8(%arg0: i32) -> (i32, i32) {
    %c0_i32 = arith.constant 0 : i32
    %c0_i32_0 = arith.constant 0 : i32
    return %arg0, %c0_i32 : i32, i32
  }
}

</mosaic_0001>

<sc_bundles>
// kernel: kernel.11.cloned.1.call-start
scs
__scs_entry_jumppad:
0x0: {  	(pc) =	sbr.rel $0x88, $3  }
0x1: {  	(tag) =	ssettag $0x0;
	lr =	simm.s32 $0x1  }
0x2: {  	[smem:$0x3F95] =	sst lr;
	_ =	strace $0xD0000000  }
0x3: {  	_ = 	snop  }
0x4: {  	_ = 	snop  }
0x5: {  	_ = 	snop  }
0x6: {  	_ = 	snop  }
0x7: {  	_ = 	snop  }
__scs_overlays_trampoline_lowered:
0x8: {  	[smem:$0x3FA4] =	sst s0  }
0x9: {  	[smem:$0x3FA5] =	sst s1  }
0xa: {  	[smem:$0x3FA6] =	sst s2  }
0xb: {  	[smem:$0x3FA7] =	sst s3  }
0xc: {  	[smem:$0x3FA8] =	sst s4  }
0xd: {  	[smem:$0x3FA9] =	sst s5  }
0xe: {  	[smem:$0x3FAA] =	sst s6  }
0xf: {  	[smem:$0x3FAB] =	sst s7  }
0x10: {  	[smem:$0x3FAC] =	sst s8  }
0x11: {  	[smem:$0x3FAD] =	sst s9;
	s0 =	simm.s32 @!p0 $0x0  }
0x12: {  	s1 =	sld [smem:$0x3F93];
	s0 =	simm.s32 @p0 $0x1  }
0x13: {  	[smem:$0x3FAE] =	sst s0;
	s0 =	simm.s32 @!p1 $0x0  }
0x14: {  	s2 =	sld [smem:$0x3F92];
	s0 =	simm.s32 @p1 $0x1  }
0x15: {  	[smem:$0x3FAF] =	sst s0;
	s0 =	simm.s32 @!p2 $0x0  }
0x16: {  	s3 =	sld [smem:$0x3FDB];
	s0 =	simm.s32 @p2 $0x1  }
0x17: {  	s4 =	simm.s32 $0x1BF5;
	[smem:$0x3FB1] =	sst s0  }
0x18: {  	s0 =	sld [smem:$0x3F94];
	_ =	swait.ge [sflag:s4], $0x0  }
0x19: {  	s7 =	sld [smem:$0x3F95]  }
0x1a: {  	s8 =	sadd.s32 $0xFFFFE003, lr  }
0x1b: {  	s9 =	sadd.s32 $0xFFFFFEF7, lr;
	s5 =	simm.s32 $0xFFFFFFFF;
	p2 =	slt.u32 s8, $0xFFFFF086  }
0x1c: {  	p1 =	slt.u32 s9, $0xF7A;
	s5 =	simm.s32 @!p2 $0x0  }
0x1d: {  	s5 =	simm.s32 @p1 $0x1;
	p0 =	seq.s32 s7, s2  }
0x1e: {  	s7 =	smul.u32 @!p0 $0xF7A, s2;
	p2 =	seq.s32 @!p0 s5, $0x0  }
0x1f: {  	s9 =	smul.u32 $0xF7A, s1;
	s8 =	simm.s32 @!p0 $0x1BF5;
	p2 =	por !p2, p0  }
0x20: {  	[sflag:s8] =	ssyncset.s32 @!p0 $0xFFFFF086;
	s6 =	sadd.s32 @!p0 s3, s7;
	s7 =	simm.s32 @!p0 $0x108  }
0x21: {  	s3 =	sadd.s32 s3, s9;
	s6 =	sadd.s32 @!p0 $0x88, s6;
	s7 =	simm.s32 @p2 $0x1082  }
0x22: {  	[simem:s7], [sflag:s8] =	dma.local @!p0 [hbm:s6], $0xF7A  }
0x23: {  	s9 =	sor.u32 $0xD0000000, s2;
	s6 =	simm.s32 $0x108;
	_ =	swait.ge @!p0 [sflag:s8], $0x0  }
0x24: {  	s3 =	sadd.s32 $0x88, s3;
	s6 =	simm.s32 @!p1 $0x1082;
	[sflag:s4] =	ssyncset.s32 $0xFFFFF086  }
0x25: {  	[simem:s6], [sflag:s4] =	dma.local [hbm:s3], $0xF7A  }
0x26: {  	[smem:$0x3F95] =	sst s1;
	(tag) =	ssettag s2;
	_ =	strace s9  }
0x27: {  	s1 =	sld [smem:$0x3FA5]  }
0x28: {  	s2 =	sld [smem:$0x3FA6]  }
0x29: {  	s4 =	sld [smem:$0x3FA8]  }
0x2a: {  	p0 =	seq.s32 s5, $0x0;
	s5 =	sld [smem:$0x3FA9]  }
0x2b: {  	s6 =	sld [smem:$0x3FAA]  }
0x2c: {  	s7 =	sld [smem:$0x3FAB]  }
0x2d: {  	s3 =	simm.s32 $0x108;
	s8 =	sld [smem:$0x3FAC]  }
0x2e: {  	s3 =	simm.s32 @!p0 $0x1082;
	s9 =	sld [smem:$0x3FAD]  }
0x2f: {  	lr =	sadd.s32 s0, s3;
	s0 =	sld [smem:$0x3FA4]  }
0x30: {  	s3 =	sld [smem:$0x3FA7]  }
0x31: {  	[smem:$0x3FB0] =	sst s10  }
0x32: {  	s10 =	sld [smem:$0x3FAE];
	_ =	sdelay $0x3  }
0x33: {  	p0 =	seq.s32 s10, $0x1;
	s10 =	sld [smem:$0x3FB0];
	_ =	sdelay $0x3  }
0x34: {  	[smem:$0x3FB0] =	sst s10  }
0x35: {  	s10 =	sld [smem:$0x3FAF];
	_ =	sdelay $0x3  }
0x36: {  	p1 =	seq.s32 s10, $0x1;
	s10 =	sld [smem:$0x3FB0];
	_ =	sdelay $0x3  }
0x37: {  	[smem:$0x3FB0] =	sst s10  }
0x38: {  	s10 =	sld [smem:$0x3FB1]  }
0x39: {  	_ = 	snop;
	(pc) =	sbr.ind lr, $3  }
0x3a: {  	_ = 	snop  }
0x3b: {  	_ = 	snop  }
0x3c: {  	p2 =	seq.s32 s10, $0x1;
	s10 =	sld [smem:$0x3FB0]  }
0x3d: {  	_ =	shalt  }
0x3e: {  	_ =	shalt  }
0x3f: {  	_ =	shalt  }
0x40: {  	_ =	shalt  }
0x41: {  	_ =	shalt  }
0x42: {  	_ =	shalt  }
0x43: {  	_ =	shalt  }
0x44: {  	_ =	shalt  }
0x45: {  	_ =	shalt  }
0x46: {  	_ =	shalt  }
0x47: {  	_ =	shalt  }
0x48: {  	_ =	shalt  }
0x49: {  	_ =	shalt  }
0x4a: {  	_ =	shalt  }
0x4b: {  	_ =	shalt  }
0x4c: {  	_ =	shalt  }
0x4d: {  	_ =	shalt  }
0x4e: {  	_ =	shalt  }
0x4f: {  	_ =	shalt  }
0x50: {  	_ =	shalt  }
0x51: {  	_ =	shalt  }
0x52: {  	_ =	shalt  }
0x53: {  	_ =	shalt  }
0x54: {  	_ =	shalt  }
0x55: {  	_ =	shalt  }
0x56: {  	_ =	shalt  }
0x57: {  	_ =	shalt  }
0x58: {  	_ =	shalt  }
0x59: {  	_ =	shalt  }
0x5a: {  	_ =	shalt  }
0x5b: {  	_ =	shalt  }
0x5c: {  	_ =	shalt  }
0x5d: {  	_ =	shalt  }
0x5e: {  	_ =	shalt  }
0x5f: {  	_ =	shalt  }
0x60: {  	_ =	shalt  }
0x61: {  	_ =	shalt  }
0x62: {  	_ =	shalt  }
0x63: {  	_ =	shalt  }
0x64: {  	_ =	shalt  }
0x65: {  	_ =	shalt  }
0x66: {  	_ =	shalt  }
0x67: {  	_ =	shalt  }
0x68: {  	_ =	shalt  }
0x69: {  	_ =	shalt  }
0x6a: {  	_ =	shalt  }
0x6b: {  	_ =	shalt  }
0x6c: {  	_ =	shalt  }
0x6d: {  	_ =	shalt  }
0x6e: {  	_ =	shalt  }
0x6f: {  	_ =	shalt  }
0x70: {  	_ =	shalt  }
0x71: {  	_ =	shalt  }
0x72: {  	_ =	shalt  }
0x73: {  	_ =	shalt  }
0x74: {  	_ =	shalt  }
0x75: {  	_ =	shalt  }
0x76: {  	_ =	shalt  }
0x77: {  	_ =	shalt  }
0x78: {  	_ =	shalt  }
0x79: {  	_ =	shalt  }
0x7a: {  	_ =	shalt  }
0x7b: {  	_ =	shalt  }
0x7c: {  	_ =	shalt  }
0x7d: {  	_ =	shalt  }
0x7e: {  	_ =	shalt  }
0x7f: {  	_ =	shalt  }
0x80: {  	_ =	shalt  }
0x81: {  	_ =	shalt  }
0x82: {  	_ =	shalt  }
0x83: {  	_ =	shalt  }
0x84: {  	_ =	shalt  }
0x85: {  	_ =	shalt  }
0x86: {  	_ =	shalt  }
0x87: {  	_ =	shalt  }
.Lfunc_end0:
.L_simem_size_0:
called_computation.1_lowered:
.L_overlay_start_0:
0x88: {  	s2 =	sld [smem:$0x3FD9]  }
0x89: {  	s3 =	sld [smem:$0x3FFE];
	_ =	sdelay $0x1  }
0x8a: {  	s1 =	srdreg.scid  }
0x8b: {  	s0 =	sand.u32 $0x1, s1  }
0x8c: {  	s14 =	sshll.u32 s0, $0xA;
	s2 =	sadd.s32 s3, s2  }
0x8d: {  	s2 =	sadd.s32 s2, s14  }
0x8e: {  	[smem:$0x3FBC] =	sst s2  }
0x8f: {  	_ = 	snop  }
0x90: {  	s2 =	sld [smem:$0x3FD0];
	_ =	sdelay $0x2  }
0x91: {  	s15 =	simm.s32 $0xA;
	s4 =	simm.s32 $0x10  }
0x92: {  	[smem:s4], [sflag:s15] =	dma.local [hbm:s2], $0x1  }
0x93: {  	_ =	swait.eq [sflag:s15], $0x1  }
0x94: {  	[sflag:s15] =	ssyncset.done $0x0  }
0x95: {  	s16 =	sld [smem:$0x10];
	[sflag:s15] =	ssyncadd.s32 $0xFFFFFFFF  }
0x96: {  	s17 =	sld [smem:$0x11];
	(tm) =	ssettm $0x1  }
0x97: {  	s18 =	sld [smem:$0x3FFB];
	_ =	sdelay $0x3  }
0x98: {  	_ =	strace s18  }
0x99: {  	s4 =	sld [smem:$0x3FFC];
	_ =	sdelay $0x3  }
0x9a: {  	_ =	strace s4  }
0x9b: {  	s4 =	sld [smem:$0x3FFD];
	_ =	sdelay $0x3  }
0x9c: {  	_ =	strace s4  }
0x9d: {  	_ =	strace $0x8FFFFFFF  }
0x9e: {  	s19 =	sld [smem:$0x3FDB];
	_ =	sdelay $0x1  }
0x9f: {  	s5 =	simm.s32 $_scs_section_size  }
0xa0: {  	s6 =	simm.s32 $_size__tile_overlayer_lowered;
	s7 =	simm.s32 $_tile_overlayer_lowered  }
0xa1: {  	s22 =	simm.s32 $0x1BFF;
	s21 =	sshll.u32 s7, $0x1;
	s4 =	sadd.s32 s5, s19  }
0xa2: {  	s8 =	simm.s32 $0x0;
	s20 =	sshll.u32 s6, $0x1;
	s6 =	sadd.s32 s21, s4  }
0xa3: {  	[timem:s8], [sflag:s22] =	dma.local [hbm:s6], s20  }
0xa4: {  	_ =	swait.ge [sflag:s22], s20  }
0xa5: {  	s5 =	ssub.s32 $0x0, s20;
	[sflag:s22] =	ssyncset.done $0x0  }
0xa6: {  	[sflag:s22] =	ssyncadd.s32 s5;
	_ =	sdelay $0x1  }
0xa7: {  	s23 =	simm.s32 $0x1B8B  }
0xa8: {  	_ =	swait.ge [sflag:s23], $0x1  }
0xa9: {  	[sflag:s23] =	ssyncset.done $0x0  }
0xaa: {  	s25 =	simm.s32 $0x1B8E;
	s24 =	sld [smem:$0x3FFE];
	[sflag:s23] =	ssyncadd.s32 $0xFFFFFFFF  }
0xab: {  	s26 =	simm.s32 $execute0_lowered;
	[smem:$0x3FD2] =	sst s25  }
0xac: {  	s6 =	sshll.u32 s26, $0x1;
	_ =	strace $0x80000049;
	[dreg:$0x1] =	wrdreg $0xFFFFFFFF  }
0xad: {  	s28 =	simm.s32 $_size_execute0_lowered;
	s4 =	sadd.s32 s4, s6;
	[dreg:$0x0] =	wrdreg $0x0  }
0xae: {  	s6 =	sshll.u32 s28, $0x1;
	[dreg:$0x2] =	wrdreg s4  }
0xaf: {  	[dreg:$0x3] =	wrdreg s6  }
0xb0: {  	[dreg:$0x4] =	wrdreg $0xC0  }
0xb1: {  	_ =	task [dreg:s8], $0x5FFFF  }
0xb2: {  	[dreg:$0x1] =	wrdreg $0xFFFFFFFF  }
0xb3: {  	[dreg:$0x0] =	wrdreg $0x60  }
0xb4: {  	[dreg:$0x2] =	wrdreg s24  }
0xb5: {  	[dreg:$0x3] =	wrdreg s16  }
0xb6: {  	[dreg:$0x4] =	wrdreg s17  }
0xb7: {  	[dreg:$0x5] =	wrdreg $0x0  }
0xb8: {  	[dreg:$0x6] =	wrdreg $0x9  }
0xb9: {  	_ =	task.clear_ibuf [dreg:s8], $0x7FFFF;
	_ =	strace $0x90000049  }
0xba: {  	s29 =	simm.s32 $0x9;
	_ =	strace $0x8000004B  }
0xbb: {  	_ =	swait.ge [sflag:s29], $0x1  }
0xbc: {  	[sflag:s29] =	ssyncadd.s32 $0xFFFFFFFF  }
0xbd: {  	_ =	strace $0x9000004B  }
0xbe: {  	_ =	sfence  }
0xbf: {  	s30 =	sld [smem:$0x0];
	_ =	sdelay $0x2  }
0xc0: {  	s31 =	sshll.u32 s1, $0xD;
	s1 =	sshrl.u32 s1, $0x2  }
0xc1: {  	s3 =	sand.u32 $0x4000, s31;
	s1 =	sadd.s32 s1, s30  }
0xc2: {  	s0 =	sor.u32 s3, s0;
	s1 =	sshll.u32 s1, $0x11  }
0xc3: {  	s0 =	sor.u32 s1, s0  }
0xc4: {  	s0 =	sadd.s32 $0x8F2B, s0  }
0xc5: {  	[sflag:s0] =	ssyncadd.remote.s32 $0x1  }
0xc6: {  	_ =	sfence.sel $0xFFFF  }
0xc7: {  	[dreg:$0x0] =	wrdreg $0xFFFFFFFF;
	(pc) =	sbr.abs _section_cstart, $3  }
0xc8: {  	[dreg:$0x1] =	wrdreg $0xFFFFFFFF  }
0xc9: {  	_ =	task.clear_ibuf [dreg:s8], $0x2FFFF;
	_ =	strace $0x9FFFFFFF  }
0xca: {  	(tm) =	ssettm $0x7FFFFFFF  }
0xcb: {  	_ =	shalt  }
tec
execute0_lowered:
.L_overlay_start_1:
0x0: {  	(tag) =	ssettag $0x1  }
0x1: {  	s0 =	rddreg [dreg:$0x0]  }
0x2: {  	s11 =	rddreg [dreg:$0x1]  }
0x3: {  	s1 =	rddreg [dreg:$0x2]  }
0x4: {  	s2 =	rddreg [dreg:$0x3];
	s12 =	stileid.u32  }
0x5: {  	s3 =	srdreg.scid;
	s7 =	smul.u32 $0x1F400, s12  }
0x6: {  	s4 =	simm.s32 $0x0;
	s31 =	simm.s32 $0x13BC0;
	s29 =	smul.u32 $0x7D000, s12  }
0x7: {  	s28 =	simm.s32 $0x13AC0;
	s3 =	sand.u32 $0x1, s3;
	s30 =	smul.u32 $0x4EC0, s12  }
0x8: {  	[smem:$0x7FF] =	sst s4;
	s5 =	sadd.s32 $0xE00, s0;
	s10 =	smul.u32 $0x3E80, s12  }
0x9: {  	s13 =	sadd.s32 $0xC4E00, s0;
	p0 =	sgt.u32 s12, $0x9;
	s6 =	smul.u32 $0x138800, s3  }
0xa: {  	s12 =	simm.s32 $0x13C40;
	s8 =	smul.u32 $0x4EC00, s3;
	s3 =	ssub.s32 $0x2, s3  }
0xb: {  	_ =	strace $0x8000004A;
	[dreg:$0x5] =	wrdreg s13;
	s9 =	sshrl.u32 s3, $0x1  }
0xc: {  	s1 =	sadd.s32 s1, s10;
	s6 =	sadd.s32 s7, s6;
	s7 =	sshrl.u32 s29, $0x2  }
0xd: {  	s3 =	ssub.s32 s3, s9;
	[dreg:$0x7] =	wrdreg s1;
	s7 =	sadd.s32 s7, s2  }
0xe: {  	s6 =	sshrl.u32 s6, $0x3;
	s3 =	smax.u32 s3, $0x1;
	[dreg:$0x6] =	wrdreg s7  }
0xf: {  	s0 =	sadd.s32 s6, s0;
	s6 =	sadd.s32 s30, s8;
	[dreg:$0xf] =	wrdreg s3  }
0x10: {  	s3 =	simm.s32 $0x1;
	s9 =	sshrl.u32 s6, $0x3;
	s10 =	sadd.s32 $0x48, s6  }
0x11: {  	s18 =	sadd.s32 $0x1F8, s6;
	s0 =	sadd.s32 $0x4F000, s0;
	s20 =	sadd.s32 $0x1B0, s6  }
0x12: {  	s23 =	sadd.s32 $0x120, s6;
	s24 =	sadd.s32 $0xD8, s6;
	s25 =	sadd.s32 $0x168, s6  }
0x13: {  	s6 =	simm.s32 $0x8;
	s14 =	sadd.s32 s11, s9;
	[dreg:$0xe] =	wrdreg s0  }
0x14: {  	s15 =	sadd.s32 s13, s9;
	s7 =	sshrl.u32 s10, $0x3;
	[dreg:$0x14] =	wrdreg s25  }
0x15: {  	s1 =	sadd.s32 $0x12, s9;
	s19 =	sshrl.u32 s18, $0x3;
	[dreg:$0x8] =	wrdreg s14  }
0x16: {  	s10 =	simm.s32 $0x139C0;
	[dreg:$0x9] =	wrdreg s15;
	s16 =	sadd.s32 s11, s7  }
0x17: {  	s9 =	simm.s32 $0x2;
	s7 =	sadd.s32 s13, s7;
	[dreg:$0xa] =	wrdreg s16  }
0x18: {  	s18 =	simm.s32 $0x5;
	s17 =	sadd.s32 s11, s1;
	[dreg:$0xb] =	wrdreg s7  }
0x19: {  	s1 =	sadd.s32 s13, s1;
	s21 =	sadd.s32 s19, s13;
	[dreg:$0xc] =	wrdreg s17  }
0x1a: {  	s0 =	sadd.s32 s19, s11;
	s14 =	simm.s32 $0x3;
	[dreg:$0xd] =	wrdreg s1  }
0x1b: {  	s19 =	simm.s32 $0x13D40;
	s15 =	simm.s32 $0x13DC0;
	[dreg:$0x10] =	wrdreg s21  }
0x1c: {  	s1 =	sshrl.u32 s20, $0x3;
	[dreg:$0x11] =	wrdreg s0;
	s0 =	sshrl.u32 s23, $0x3  }
0x1d: {  	s7 =	simm.s32 $0x48;
	s17 =	simm.s32 $0xB;
	s22 =	sadd.s32 s1, s13  }
0x1e: {  	s20 =	simm.s32 $0x9;
	s1 =	sadd.s32 s1, s11;
	[dreg:$0x12] =	wrdreg s22  }
0x1f: {  	s23 =	simm.s32 $0xA;
	s26 =	sadd.s32 s0, s13;
	[dreg:$0x13] =	wrdreg s1  }
.Ltmp0:
0x20: {  	s0 =	sadd.s32 s0, s11;
	[dreg:$0x15] =	wrdreg s26;
	(pc) =	sbr.rel .LBB2_1-.Ltmp0, $4  }
0x21: {  	s1 =	sshrl.u32 s24, $0x3;
	[dreg:$0x16] =	wrdreg s0;
	s26 =	simm.s32 $0x4  }
0x22: {  	s22 =	simm.s32 $0xC;
	s24 =	simm.s32 $0xD;
	s29 =	sadd.s32 s1, s13  }
0x23: {  	s30 =	sadd.s32 s1, s11;
	s13 =	simm.s32 $0x13DC0;
	[dreg:$0x17] =	wrdreg s29  }
0x24: {  	s1 =	simm.s32 $0x0;
	s11 =	simm.s32 $0x1A9C0;
	[dreg:$0x18] =	wrdreg s30  }
.LBB2_4:
0x25: {  	_ =	swait.ge [sflag:s23], $0x2400  }
0x26: {  	[sflag:s23] =	ssyncset.done $0x0  }
0x27: {  	[sflag:s23] =	ssyncadd.s32 $0xFFFFDC00  }
0x28: {  	[spmem:s2] =	stream.indirect.scatter.add.f32 [tilespmem:s1], [sflag:$0xF], $0x80, s19, s7, $0xb8;
	[tilespmem:$0x1F1C0] =	vst v63  }
0x29: {  	_ =	swait.ge [sflag:s24], $0x2400  }
0x2a: {  	[sflag:s24] =	ssyncset.done $0x0  }
0x2b: {  	s0 =	simm.s32 $0xE;
	[sflag:s24] =	ssyncadd.s32 $0xFFFFDC00  }
0x2c: {  	_ =	swait.ge [sflag:s0], $0x2400  }
0x2d: {  	[sflag:s0] =	ssyncset.done $0x0  }
0x2e: {  	s25 =	simm.s32 $0xF;
	[sflag:s0] =	ssyncadd.s32 $0xFFFFDC00  }
0x2f: {  	_ =	swait.ge [sflag:s25], $0x2400  }
0x30: {  	[sflag:s25] =	ssyncset.done $0x0  }
0x31: {  	[sflag:s25] =	ssyncadd.s32 $0xFFFFDC00  }
0x32: {  	[bflag:$0x0] =	sbarrier.arrive $0xFFFF  }
0x33: {  	s0 =	rddreg [dreg:$0xe]  }
0x34: {  	s1 =	rddreg [dreg:$0x1a]  }
0x35: {  	s8 =	rddreg [dreg:$0x1b]  }
0x36: {  	[hbm:s0], [sflag:s1] =	dma.local @!p0 [spmem:s8], $0x3E80  }
0x37: {  	s0 =	simm.s32 @!p0 $0x10  }
0x38: {  	_ =	swait.ge @!p0 [sflag:s0], $0x3E80  }
0x39: {  	s29 =	rddreg [dreg:$0x19]  }
0x3a: {  	s30 =	rddreg [dreg:$0xf];
	s1 =	sadd.s32 $0x1, s29  }
0x3b: {  	p1 =	sne.s32 s1, s30  }
.Ltmp1:
0x3c: {  	_ = 	snop;
	(pc) =	sbr.rel @!p1 .LBB2_5-.Ltmp1, $3  }
0x3d: {  	_ =	sdelay $0x1  }
0x3e: {  	s31 =	simm.s32 $0x13BC0;
	s10 =	simm.s32 $0x139C0;
	[sflag:s0] =	ssyncset.done @!p0 $0x0  }
0x3f: {  	s12 =	simm.s32 $0x13C40;
	s13 =	simm.s32 $0x13DC0;
	[sflag:s0] =	ssyncadd.s32 @!p0 $0xFFFFC180  }
.LBB2_1:
0x40: {  	[dreg:$0x19] =	wrdreg s1;
	s0 =	stileid.u32  }
0x41: {  	s25 =	sshll.u32 @!p0 s0, $0x6;
	s0 =	rddreg [dreg:$0x6]  }
0x42: {  	s1 =	sor.u32 @!p0 $0x1C10, s25;
	s8 =	sshrl.u32 @!p0 s0, $0x3;
	s0 =	rddreg [dreg:$0x7]  }
0x43: {  	[dreg:$0x1a] =	wrdreg s1  }
0x44: {  	s25 =	simm.s32 @!p0 $0x10;
	[dreg:$0x1b] =	wrdreg s8  }
0x45: {  	[spmem:s8], [sflag:s1] =	dma.local @!p0 [hbm:s0], $0x3E80  }
0x46: {  	_ =	swait.ge @!p0 [sflag:s25], $0x3E80  }
0x47: {  	[sflag:s25] =	ssyncset.done @!p0 $0x0  }
0x48: {  	[sflag:s25] =	ssyncadd.s32 @!p0 $0xFFFFC180  }
0x49: {  	[bflag:$0x0] =	sbarrier.arrive $0xFFFF  }
0x4a: {  	s8 =	simm.s32 $0x138C0;
	s1 =	rddreg [dreg:$0x8]  }
0x4b: {  	[tilespmem:s8], [sflag:$0x1] =	stream.linear.gather [hbm4b:s1+s4], $0x48, $0x38;
	[tilespmem:$0x1F1C0] =	vst v63  }
0x4c: {  	s21 =	simm.s32 $0x13B40;
	s16 =	rddreg [dreg:$0x9]  }
0x4d: {  	[tilespmem:s21], [sflag:$0x1] =	stream.linear.gather [hbm4b:s16+s4], $0x48, $0x38;
	[tilespmem:$0x1F1C0] =	vst v63  }
0x4e: {  	s30 =	rddreg [dreg:$0xa];
	s1 =	simm.s32 $0x13940  }
0x4f: {  	[tilespmem:s1], [sflag:$0x2] =	stream.linear.gather [hbm4b:s30+s4], $0x48, $0x38;
	[tilespmem:$0x1F1C0] =	vst v63  }
0x50: {  	s16 =	rddreg [dreg:$0xb]  }
0x51: {  	[tilespmem:s31], [sflag:$0x2] =	stream.linear.gather [hbm4b:s16+s4], $0x48, $0x38;
	[tilespmem:$0x1F1C0] =	vst v63  }
0x52: {  	s21 =	rddreg [dreg:$0xc]  }
0x53: {  	[tilespmem:s10], [sflag:$0x3] =	stream.linear.gather [hbm4b:s21+s4], $0x48, $0x38;
	[tilespmem:$0x1F1C0] =	vst v63  }
0x54: {  	s30 =	rddreg [dreg:$0xd]  }
0x55: {  	[tilespmem:s12], [sflag:$0x3] =	stream.linear.gather [hbm4b:s30+s4], $0x48, $0x38;
	[tilespmem:$0x1F1C0] =	vst v63  }
0x56: {  	_ =	swait.ge [sflag:s3], $0x48  }
0x57: {  	[sflag:s3] =	ssyncset.done $0x0  }
0x58: {  	[sflag:s3] =	ssyncadd.s32 $0xFFFFFFB8  }
0x59: {  	_ =	swait.ge [sflag:s3], $0x48  }
0x5a: {  	[sflag:s3] =	ssyncset.done $0x0  }
0x5b: {  	[sflag:s3] =	ssyncadd.s32 $0xFFFFFFB8  }
0x5c: {  	[tilespmem:s13], [sflag:$0x6] =	stream.indirect.gather [hbm4b:s5+s7], $0x80, s8, s7, $0xb8;
	[tilespmem:$0x1F1C0] =	vst v63  }
0x5d: {  	_ =	swait.ge [sflag:s9], $0x48  }
0x5e: {  	[sflag:s9] =	ssyncset.done $0x0  }
0x5f: {  	[sflag:s9] =	ssyncadd.s32 $0xFFFFFFB8  }
0x60: {  	_ =	swait.ge [sflag:s9], $0x48  }
0x61: {  	s29 =	simm.s32 $0x0;
	s16 =	simm.s32 $0x1CDC0;
	[sflag:s9] =	ssyncset.done $0x0  }
0x62: {  	s8 =	simm.s32 $0x161C0;
	s25 =	rddreg [dreg:$0x14];
	[sflag:s9] =	ssyncadd.s32 $0xFFFFFFB8  }
0x63: {  	[tilespmem:s8], [sflag:$0x7] =	stream.indirect.gather [hbm4b:s5+s7], $0x80, s1, s7, $0xb8;
	[tilespmem:$0x1F1C0] =	vst v63  }
.LBB2_2:
0x64: {  	s0 =	simm.s32 $0x6  }
0x65: {  	_ =	swait.ge [sflag:s0], $0x2400  }
0x66: {  	p1 =	seq.s32 s29, $0x0;
	[sflag:s0] =	ssyncset.done $0x0  }
0x67: {  	s21 =	simm.s32 $0x13B40;
	s30 =	simm.s32 @!p1 $0xE;
	[sflag:s0] =	ssyncadd.s32 $0xFFFFDC00  }
0x68: {  	[spmem:s2] =	stream.indirect.scatter.add.f32 [tilespmem:s13], [sflag:$0xB], $0x80, s21, s7, $0xb8;
	[tilespmem:$0x1F1C0] =	vst v63  }
0x69: {  	_ =	swait.ge @!p1 [sflag:s30], $0x2400  }
0x6a: {  	[sflag:s30] =	ssyncset.done @!p1 $0x0  }
0x6b: {  	[sflag:s30] =	ssyncadd.s32 @!p1 $0xFFFFDC00;
	s30 =	rddreg [dreg:$0x18]  }
0x6c: {  	s13 =	simm.s32 $0x13A40;
	s1 =	rddreg [dreg:$0x17];
	s0 =	sadd.s32 s29, s30  }
0x6d: {  	[tilespmem:s13], [sflag:$0x4] =	stream.linear.gather [hbm4b:s0+s4], $0x48, $0x38;
	[tilespmem:$0x1F1C0] =	vst v63  }
0x6e: {  	s21 =	sadd.s32 s29, s1;
	s1 =	simm.s32 $0x13CC0  }
0x6f: {  	[tilespmem:s1], [sflag:$0x4] =	stream.linear.gather [hbm4b:s21+s4], $0x48, $0x38;
	[tilespmem:$0x1F1C0] =	vst v63  }
0x70: {  	_ =	swait.ge [sflag:s14], $0x48  }
0x71: {  	[sflag:s14] =	ssyncset.done $0x0  }
0x72: {  	[sflag:s14] =	ssyncadd.s32 $0xFFFFFFB8  }
0x73: {  	_ =	swait.ge [sflag:s14], $0x48  }
0x74: {  	[sflag:s14] =	ssyncset.done $0x0  }
0x75: {  	s30 =	simm.s32 $0x7;
	s21 =	simm.s32 $0x185C0;
	[sflag:s14] =	ssyncadd.s32 $0xFFFFFFB8  }
0x76: {  	[tilespmem:s21], [sflag:$0x8] =	stream.indirect.gather [hbm4b:s5+s7], $0x80, s10, s7, $0xb8;
	[tilespmem:$0x1F1C0] =	vst v63  }
0x77: {  	_ =	swait.ge [sflag:s30], $0x2400  }
0x78: {  	[sflag:s30] =	ssyncset.done $0x0  }
0x79: {  	[sflag:s30] =	ssyncadd.s32 $0xFFFFDC00;
	s30 =	simm.s32 @!p1 $0xF  }
0x7a: {  	[spmem:s2] =	stream.indirect.scatter.add.f32 [tilespmem:s8], [sflag:$0xC], $0x80, s31, s7, $0xb8;
	[tilespmem:$0x1F1C0] =	vst v63  }
0x7b: {  	_ =	swait.ge @!p1 [sflag:s30], $0x2400  }
0x7c: {  	[sflag:s30] =	ssyncset.done @!p1 $0x0;
	s8 =	rddreg [dreg:$0x16]  }
0x7d: {  	[sflag:s30] =	ssyncadd.s32 @!p1 $0xFFFFDC00;
	s10 =	sadd.s32 s29, s8;
	s30 =	rddreg [dreg:$0x15]  }
0x7e: {  	[tilespmem:s28], [sflag:$0x5] =	stream.linear.gather [hbm4b:s10+s4], $0x48, $0x38;
	[tilespmem:$0x1F1C0] =	vst v63  }
0x7f: {  	s31 =	sadd.s32 s29, s30  }
0x80: {  	[tilespmem:s19], [sflag:$0x5] =	stream.linear.gather [hbm4b:s31+s4], $0x48, $0x38;
	[tilespmem:$0x1F1C0] =	vst v63  }
0x81: {  	_ =	swait.ge [sflag:s26], $0x48  }
0x82: {  	[sflag:s26] =	ssyncset.done $0x0  }
0x83: {  	[sflag:s26] =	ssyncadd.s32 $0xFFFFFFB8  }
0x84: {  	_ =	swait.ge [sflag:s26], $0x48  }
0x85: {  	[sflag:s26] =	ssyncset.done $0x0  }
0x86: {  	[sflag:s26] =	ssyncadd.s32 $0xFFFFFFB8  }
0x87: {  	[tilespmem:s11], [sflag:$0x9] =	stream.indirect.gather [hbm4b:s5+s7], $0x80, s13, s7, $0xb8;
	[tilespmem:$0x1F1C0] =	vst v63  }
0x88: {  	_ =	swait.ge [sflag:s6], $0x2400  }
0x89: {  	[sflag:s6] =	ssyncset.done $0x0  }
0x8a: {  	[sflag:s6] =	ssyncadd.s32 $0xFFFFDC00  }
0x8b: {  	[spmem:s2] =	stream.indirect.scatter.add.f32 [tilespmem:s21], [sflag:$0xD], $0x80, s12, s7, $0xb8;
	[tilespmem:$0x1F1C0] =	vst v63  }
0x8c: {  	_ =	swait.ge [sflag:s17], $0x2400  }
0x8d: {  	[sflag:s17] =	ssyncset.done $0x0  }
0x8e: {  	p1 =	seq.s32 s29, $0x9AB;
	[sflag:s17] =	ssyncadd.s32 $0xFFFFDC00  }
0x8f: {  	s30 =	sshrl.u32 @!p1 s25, $0x3;
	s0 =	rddreg [dreg:$0x1]  }
0x90: {  	s8 =	simm.s32 @!p1 $0x138C0;
	s31 =	sadd.s32 @!p1 s0, s30;
	s0 =	simm.s32 @!p1 $0x0  }
0x91: {  	[tilespmem:s8], [sflag:$0x1] =	stream.linear.gather @!p1 [hbm4b:s31+s0], $0x48, $0x38;
	[tilespmem:$0x1F1C0] =	vst v63  }
0x92: {  	s8 =	rddreg [dreg:$0x5]  }
0x93: {  	s8 =	sadd.s32 @!p1 s8, s30;
	s30 =	simm.s32 @!p1 $0x13B40  }
0x94: {  	[tilespmem:s30], [sflag:$0x1] =	stream.linear.gather @!p1 [hbm4b:s8+s0], $0x48, $0x38;
	[tilespmem:$0x1F1C0] =	vst v63  }
0x95: {  	_ =	swait.ge [sflag:s18], $0x48  }
0x96: {  	[sflag:s18] =	ssyncset.done $0x0  }
0x97: {  	[sflag:s18] =	ssyncadd.s32 $0xFFFFFFB8  }
0x98: {  	_ =	swait.ge [sflag:s18], $0x48  }
0x99: {  	[sflag:s18] =	ssyncset.done $0x0  }
0x9a: {  	[sflag:s18] =	ssyncadd.s32 $0xFFFFFFB8  }
0x9b: {  	[tilespmem:s16], [sflag:$0xA] =	stream.indirect.gather [hbm4b:s5+s7], $0x80, s28, s7, $0xb8;
	[tilespmem:$0x1F1C0] =	vst v63  }
0x9c: {  	_ =	swait.ge [sflag:s20], $0x2400  }
0x9d: {  	[sflag:s20] =	ssyncset.done $0x0  }
.Ltmp2:
0x9e: {  	[sflag:s20] =	ssyncadd.s32 $0xFFFFDC00;
	(pc) =	sbr.rel @p1 .LBB2_4-.Ltmp2, $4  }
0x9f: {  	[spmem:s2] =	stream.indirect.scatter.add.f32 [tilespmem:s11], [sflag:$0xE], $0x80, s1, s7, $0xb8;
	[tilespmem:$0x1F1C0] =	vst v63  }
0xa0: {  	s10 =	simm.s32 $0x13BC0;
	_ =	swait.ge [sflag:s22], $0x2400  }
0xa1: {  	s13 =	simm.s32 $0x13C40;
	s12 =	simm.s32 $0x139C0;
	[sflag:s22] =	ssyncset.done $0x0  }
0xa2: {  	s21 =	simm.s32 $0x161C0;
	s1 =	simm.s32 $0x1CDC0;
	[sflag:s22] =	ssyncadd.s32 $0xFFFFDC00  }
0xa3: {  	s0 =	rddreg [dreg:$0x13]  }
0xa4: {  	s8 =	simm.s32 $0x13940;
	s30 =	rddreg [dreg:$0x12];
	s0 =	sadd.s32 s29, s0  }
0xa5: {  	[tilespmem:s8], [sflag:$0x2] =	stream.linear.gather [hbm4b:s0+s4], $0x48, $0x38;
	[tilespmem:$0x1F1C0] =	vst v63  }
0xa6: {  	s0 =	sadd.s32 s29, s30  }
0xa7: {  	[tilespmem:s10], [sflag:$0x2] =	stream.linear.gather [hbm4b:s0+s4], $0x48, $0x38;
	[tilespmem:$0x1F1C0] =	vst v63  }
0xa8: {  	_ =	swait.ge [sflag:s3], $0x48  }
0xa9: {  	[sflag:s3] =	ssyncset.done $0x0  }
0xaa: {  	[sflag:s3] =	ssyncadd.s32 $0xFFFFFFB8  }
0xab: {  	_ =	swait.ge [sflag:s3], $0x48  }
0xac: {  	[sflag:s3] =	ssyncset.done $0x0  }
0xad: {  	s10 =	simm.s32 $0x138C0;
	[sflag:s3] =	ssyncadd.s32 $0xFFFFFFB8  }
0xae: {  	[tilespmem:s15], [sflag:$0x6] =	stream.indirect.gather [hbm4b:s5+s7], $0x80, s10, s7, $0xb8;
	[tilespmem:$0x1F1C0] =	vst v63  }
0xaf: {  	_ =	swait.ge [sflag:s23], $0x2400  }
0xb0: {  	[sflag:s23] =	ssyncset.done $0x0  }
0xb1: {  	[sflag:s23] =	ssyncadd.s32 $0xFFFFDC00  }
0xb2: {  	[spmem:s2] =	stream.indirect.scatter.add.f32 [tilespmem:s1], [sflag:$0xF], $0x80, s19, s7, $0xb8;
	[tilespmem:$0x1F1C0] =	vst v63  }
0xb3: {  	_ =	swait.ge [sflag:s24], $0x2400  }
0xb4: {  	[sflag:s24] =	ssyncset.done $0x0;
	s16 =	rddreg [dreg:$0x11]  }
0xb5: {  	s30 =	rddreg [dreg:$0x10];
	[sflag:s24] =	ssyncadd.s32 $0xFFFFDC00;
	s0 =	sadd.s32 s29, s16  }
0xb6: {  	[tilespmem:s12], [sflag:$0x3] =	stream.linear.gather [hbm4b:s0+s4], $0x48, $0x38;
	[tilespmem:$0x1F1C0] =	vst v63  }
0xb7: {  	s0 =	sadd.s32 s29, s30  }
0xb8: {  	[tilespmem:s13], [sflag:$0x3] =	stream.linear.gather [hbm4b:s0+s4], $0x48, $0x38;
	[tilespmem:$0x1F1C0] =	vst v63  }
0xb9: {  	_ =	swait.ge [sflag:s9], $0x48  }
0xba: {  	[sflag:s9] =	ssyncset.done $0x0  }
0xbb: {  	[sflag:s9] =	ssyncadd.s32 $0xFFFFFFB8  }
.Ltmp3:
0xbc: {  	s25 =	sadd.s32 $0x168, s25;
	_ =	swait.ge [sflag:s9], $0x48;
	(pc) =	sbr.rel .LBB2_2-.Ltmp3, $4  }
0xbd: {  	s31 =	simm.s32 $0x13BC0;
	s10 =	simm.s32 $0x139C0;
	[sflag:s9] =	ssyncset.done $0x0  }
0xbe: {  	s16 =	simm.s32 $0x1CDC0;
	s29 =	sadd.s32 $0x2D, s29;
	[sflag:s9] =	ssyncadd.s32 $0xFFFFFFB8  }
0xbf: {  	[tilespmem:s21], [sflag:$0x7] =	stream.indirect.gather [hbm4b:s5+s7], $0x80, s8, s7, $0xb8;
	[tilespmem:$0x1F1C0] =	vst v63  }
0xc0: {  	s12 =	simm.s32 $0x13C40;
	s13 =	simm.s32 $0x13DC0;
	s8 =	simm.s32 $0x161C0  }
.LBB2_5:
0xc1: {  	_ =	sfence.sel $0x180000  }
0xc2: {  	[bflag:$0x0] =	sbarrier.arrive $0xFFFF  }
0xc3: {  	_ =	strace $0x9000004A  }
0xc4: {  	s0 =	stileid.u32;
	[bflag:$0x2] =	sbarrier.arrive $0xFFFF  }
0xc5: {  	p0 =	sne.s32 s0, $0x0;
	s0 =	rddreg [dreg:$0x4]  }
0xc6: {  	s0 =	sadd.s32 @!p0 $0x100000, s0  }
0xc7: {  	[sflag:s0] =	ssyncadd.tile.s32 @!p0 $0x1;
	_ =	shalt  }
.Lfunc_end2:
_tile_overlayer_lowered:
.L_overlay_start_2:
0xc8: {  	(tag) =	ssettag $0x2  }
0xc9: {  	s0 =	rddreg [dreg:$0x0];
	s2 =	stileid.u32  }
0xca: {  	s1 =	rddreg [dreg:$0x1];
	p0 =	sne.s32 s2, $0x0  }
0xcb: {  	s3 =	rddreg [dreg:$0x2];
	[bflag:$0x3] =	sbarrier.arrive $0xFFFF;
	s2 =	simm.s32 @!p0 $0x1C10  }
0xcc: {  	[timem:s3], [sflag:s2] =	dma.local @!p0 [hbm:s0], s1  }
0xcd: {  	s0 =	simm.s32 @!p0 $0x10  }
0xce: {  	_ =	swait.ge @!p0 [sflag:s0], s1  }
0xcf: {  	s1 =	ssub.s32 @!p0 $0x0, s1;
	[sflag:s0] =	ssyncset.done @!p0 $0x0  }
0xd0: {  	[sflag:s0] =	ssyncadd.s32 @!p0 s1  }
0xd1: {  	[bflag:$0x3] =	sbarrier.arrive $0xFFFF  }
0xd2: {  	_ =	shalt  }

// kernel: kernel.14.cloned.1.call-start
scs
__scs_entry_jumppad:
0x0: {  	(pc) =	sbr.rel $0x88, $3  }
0x1: {  	(tag) =	ssettag $0x0;
	lr =	simm.s32 $0x1  }
0x2: {  	[smem:$0x3F95] =	sst lr;
	_ =	strace $0xD0000000  }
0x3: {  	_ = 	snop  }
0x4: {  	_ = 	snop  }
0x5: {  	_ = 	snop  }
0x6: {  	_ = 	snop  }
0x7: {  	_ = 	snop  }
__scs_overlays_trampoline_lowered:
0x8: {  	[smem:$0x3FA4] =	sst s0  }
0x9: {  	[smem:$0x3FA5] =	sst s1  }
0xa: {  	[smem:$0x3FA6] =	sst s2  }
0xb: {  	[smem:$0x3FA7] =	sst s3  }
0xc: {  	[smem:$0x3FA8] =	sst s4  }
0xd: {  	[smem:$0x3FA9] =	sst s5  }
0xe: {  	[smem:$0x3FAA] =	sst s6  }
0xf: {  	[smem:$0x3FAB] =	sst s7  }
0x10: {  	[smem:$0x3FAC] =	sst s8  }
0x11: {  	[smem:$0x3FAD] =	sst s9;
	s0 =	simm.s32 @!p0 $0x0  }
0x12: {  	s1 =	sld [smem:$0x3F93];
	s0 =	simm.s32 @p0 $0x1  }
0x13: {  	[smem:$0x3FAE] =	sst s0;
	s0 =	simm.s32 @!p1 $0x0  }
0x14: {  	s2 =	sld [smem:$0x3F92];
	s0 =	simm.s32 @p1 $0x1  }
0x15: {  	[smem:$0x3FAF] =	sst s0;
	s0 =	simm.s32 @!p2 $0x0  }
0x16: {  	s3 =	sld [smem:$0x3FDB];
	s0 =	simm.s32 @p2 $0x1  }
0x17: {  	s4 =	simm.s32 $0x1BF5;
	[smem:$0x3FB1] =	sst s0  }
0x18: {  	s0 =	sld [smem:$0x3F94];
	_ =	swait.ge [sflag:s4], $0x0  }
0x19: {  	s7 =	sld [smem:$0x3F95]  }
0x1a: {  	s8 =	sadd.s32 $0xFFFFE003, lr  }
0x1b: {  	s9 =	sadd.s32 $0xFFFFFEF7, lr;
	s5 =	simm.s32 $0xFFFFFFFF;
	p2 =	slt.u32 s8, $0xFFFFF086  }
0x1c: {  	p1 =	slt.u32 s9, $0xF7A;
	s5 =	simm.s32 @!p2 $0x0  }
0x1d: {  	s5 =	simm.s32 @p1 $0x1;
	p0 =	seq.s32 s7, s2  }
0x1e: {  	s7 =	smul.u32 @!p0 $0xF7A, s2;
	p2 =	seq.s32 @!p0 s5, $0x0  }
0x1f: {  	s9 =	smul.u32 $0xF7A, s1;
	s8 =	simm.s32 @!p0 $0x1BF5;
	p2 =	por !p2, p0  }
0x20: {  	[sflag:s8] =	ssyncset.s32 @!p0 $0xFFFFF086;
	s6 =	sadd.s32 @!p0 s3, s7;
	s7 =	simm.s32 @!p0 $0x108  }
0x21: {  	s3 =	sadd.s32 s3, s9;
	s6 =	sadd.s32 @!p0 $0x88, s6;
	s7 =	simm.s32 @p2 $0x1082  }
0x22: {  	[simem:s7], [sflag:s8] =	dma.local @!p0 [hbm:s6], $0xF7A  }
0x23: {  	s9 =	sor.u32 $0xD0000000, s2;
	s6 =	simm.s32 $0x108;
	_ =	swait.ge @!p0 [sflag:s8], $0x0  }
0x24: {  	s3 =	sadd.s32 $0x88, s3;
	s6 =	simm.s32 @!p1 $0x1082;
	[sflag:s4] =	ssyncset.s32 $0xFFFFF086  }
0x25: {  	[simem:s6], [sflag:s4] =	dma.local [hbm:s3], $0xF7A  }
0x26: {  	[smem:$0x3F95] =	sst s1;
	(tag) =	ssettag s2;
	_ =	strace s9  }
0x27: {  	s1 =	sld [smem:$0x3FA5]  }
0x28: {  	s2 =	sld [smem:$0x3FA6]  }
0x29: {  	s4 =	sld [smem:$0x3FA8]  }
0x2a: {  	p0 =	seq.s32 s5, $0x0;
	s5 =	sld [smem:$0x3FA9]  }
0x2b: {  	s6 =	sld [smem:$0x3FAA]  }
0x2c: {  	s7 =	sld [smem:$0x3FAB]  }
0x2d: {  	s3 =	simm.s32 $0x108;
	s8 =	sld [smem:$0x3FAC]  }
0x2e: {  	s3 =	simm.s32 @!p0 $0x1082;
	s9 =	sld [smem:$0x3FAD]  }
0x2f: {  	lr =	sadd.s32 s0, s3;
	s0 =	sld [smem:$0x3FA4]  }
0x30: {  	s3 =	sld [smem:$0x3FA7]  }
0x31: {  	[smem:$0x3FB0] =	sst s10  }
0x32: {  	s10 =	sld [smem:$0x3FAE];
	_ =	sdelay $0x3  }
0x33: {  	p0 =	seq.s32 s10, $0x1;
	s10 =	sld [smem:$0x3FB0];
	_ =	sdelay $0x3  }
0x34: {  	[smem:$0x3FB0] =	sst s10  }
0x35: {  	s10 =	sld [smem:$0x3FAF];
	_ =	sdelay $0x3  }
0x36: {  	p1 =	seq.s32 s10, $0x1;
	s10 =	sld [smem:$0x3FB0];
	_ =	sdelay $0x3  }
0x37: {  	[smem:$0x3FB0] =	sst s10  }
0x38: {  	s10 =	sld [smem:$0x3FB1]  }
0x39: {  	_ = 	snop;
	(pc) =	sbr.ind lr, $3  }
0x3a: {  	_ = 	snop  }
0x3b: {  	_ = 	snop  }
0x3c: {  	p2 =	seq.s32 s10, $0x1;
	s10 =	sld [smem:$0x3FB0]  }
0x3d: {  	_ =	shalt  }
0x3e: {  	_ =	shalt  }
0x3f: {  	_ =	shalt  }
0x40: {  	_ =	shalt  }
0x41: {  	_ =	shalt  }
0x42: {  	_ =	shalt  }
0x43: {  	_ =	shalt  }
0x44: {  	_ =	shalt  }
0x45: {  	_ =	shalt  }
0x46: {  	_ =	shalt  }
0x47: {  	_ =	shalt  }
0x48: {  	_ =	shalt  }
0x49: {  	_ =	shalt  }
0x4a: {  	_ =	shalt  }
0x4b: {  	_ =	shalt  }
0x4c: {  	_ =	shalt  }
0x4d: {  	_ =	shalt  }
0x4e: {  	_ =	shalt  }
0x4f: {  	_ =	shalt  }
0x50: {  	_ =	shalt  }
0x51: {  	_ =	shalt  }
0x52: {  	_ =	shalt  }
0x53: {  	_ =	shalt  }
0x54: {  	_ =	shalt  }
0x55: {  	_ =	shalt  }
0x56: {  	_ =	shalt  }
0x57: {  	_ =	shalt  }
0x58: {  	_ =	shalt  }
0x59: {  	_ =	shalt  }
0x5a: {  	_ =	shalt  }
0x5b: {  	_ =	shalt  }
0x5c: {  	_ =	shalt  }
0x5d: {  	_ =	shalt  }
0x5e: {  	_ =	shalt  }
0x5f: {  	_ =	shalt  }
0x60: {  	_ =	shalt  }
0x61: {  	_ =	shalt  }
0x62: {  	_ =	shalt  }
0x63: {  	_ =	shalt  }
0x64: {  	_ =	shalt  }
0x65: {  	_ =	shalt  }
0x66: {  	_ =	shalt  }
0x67: {  	_ =	shalt  }
0x68: {  	_ =	shalt  }
0x69: {  	_ =	shalt  }
0x6a: {  	_ =	shalt  }
0x6b: {  	_ =	shalt  }
0x6c: {  	_ =	shalt  }
0x6d: {  	_ =	shalt  }
0x6e: {  	_ =	shalt  }
0x6f: {  	_ =	shalt  }
0x70: {  	_ =	shalt  }
0x71: {  	_ =	shalt  }
0x72: {  	_ =	shalt  }
0x73: {  	_ =	shalt  }
0x74: {  	_ =	shalt  }
0x75: {  	_ =	shalt  }
0x76: {  	_ =	shalt  }
0x77: {  	_ =	shalt  }
0x78: {  	_ =	shalt  }
0x79: {  	_ =	shalt  }
0x7a: {  	_ =	shalt  }
0x7b: {  	_ =	shalt  }
0x7c: {  	_ =	shalt  }
0x7d: {  	_ =	shalt  }
0x7e: {  	_ =	shalt  }
0x7f: {  	_ =	shalt  }
0x80: {  	_ =	shalt  }
0x81: {  	_ =	shalt  }
0x82: {  	_ =	shalt  }
0x83: {  	_ =	shalt  }
0x84: {  	_ =	shalt  }
0x85: {  	_ =	shalt  }
0x86: {  	_ =	shalt  }
0x87: {  	_ =	shalt  }
.Lfunc_end0:
.L_simem_size_0:
called_computation.2_lowered:
.L_overlay_start_0:
0x88: {  	s2 =	sld [smem:$0x3FD9]  }
0x89: {  	s3 =	sld [smem:$0x3FFE];
	_ =	sdelay $0x1  }
0x8a: {  	s1 =	srdreg.scid  }
0x8b: {  	s0 =	sand.u32 $0x1, s1  }
0x8c: {  	s14 =	sshll.u32 s0, $0xA;
	s2 =	sadd.s32 s3, s2  }
0x8d: {  	s2 =	sadd.s32 s2, s14  }
0x8e: {  	[smem:$0x3FBC] =	sst s2  }
0x8f: {  	_ = 	snop  }
0x90: {  	s2 =	sld [smem:$0x3FD0];
	_ =	sdelay $0x2  }
0x91: {  	s15 =	simm.s32 $0xA;
	s4 =	simm.s32 $0x10  }
0x92: {  	[smem:s4], [sflag:s15] =	dma.local [hbm:s2], $0x1  }
0x93: {  	_ =	swait.eq [sflag:s15], $0x1  }
0x94: {  	[sflag:s15] =	ssyncset.done $0x0  }
0x95: {  	s16 =	sld [smem:$0x10];
	[sflag:s15] =	ssyncadd.s32 $0xFFFFFFFF  }
0x96: {  	s17 =	sld [smem:$0x11];
	(tm) =	ssettm $0x1  }
0x97: {  	s18 =	sld [smem:$0x3FFB];
	_ =	sdelay $0x3  }
0x98: {  	_ =	strace s18  }
0x99: {  	s4 =	sld [smem:$0x3FFC];
	_ =	sdelay $0x3  }
0x9a: {  	_ =	strace s4  }
0x9b: {  	s4 =	sld [smem:$0x3FFD];
	_ =	sdelay $0x3  }
0x9c: {  	_ =	strace s4  }
0x9d: {  	_ =	strace $0x8FFFFFFF  }
0x9e: {  	s19 =	sld [smem:$0x3FDB];
	_ =	sdelay $0x1  }
0x9f: {  	s5 =	simm.s32 $_scs_section_size  }
0xa0: {  	s6 =	simm.s32 $_size__tile_overlayer_lowered;
	s7 =	simm.s32 $_tile_overlayer_lowered  }
0xa1: {  	s22 =	simm.s32 $0x1BFF;
	s21 =	sshll.u32 s7, $0x1;
	s4 =	sadd.s32 s5, s19  }
0xa2: {  	s8 =	simm.s32 $0x0;
	s20 =	sshll.u32 s6, $0x1;
	s6 =	sadd.s32 s21, s4  }
0xa3: {  	[timem:s8], [sflag:s22] =	dma.local [hbm:s6], s20  }
0xa4: {  	_ =	swait.ge [sflag:s22], s20  }
0xa5: {  	s5 =	ssub.s32 $0x0, s20;
	[sflag:s22] =	ssyncset.done $0x0  }
0xa6: {  	[sflag:s22] =	ssyncadd.s32 s5;
	_ =	sdelay $0x1  }
0xa7: {  	s23 =	simm.s32 $0x1B8B  }
0xa8: {  	_ =	swait.ge [sflag:s23], $0x1  }
0xa9: {  	[sflag:s23] =	ssyncset.done $0x0  }
0xaa: {  	s25 =	simm.s32 $0x1B8E;
	s24 =	sld [smem:$0x3FFE];
	[sflag:s23] =	ssyncadd.s32 $0xFFFFFFFF  }
0xab: {  	s26 =	simm.s32 $execute0_lowered;
	[smem:$0x3FD2] =	sst s25  }
0xac: {  	s6 =	sshll.u32 s26, $0x1;
	_ =	strace $0x8000004C;
	[dreg:$0x1] =	wrdreg $0xFFFFFFFF  }
0xad: {  	s28 =	simm.s32 $_size_execute0_lowered;
	s4 =	sadd.s32 s4, s6;
	[dreg:$0x0] =	wrdreg $0x0  }
0xae: {  	s6 =	sshll.u32 s28, $0x1;
	[dreg:$0x2] =	wrdreg s4  }
0xaf: {  	[dreg:$0x3] =	wrdreg s6  }
0xb0: {  	[dreg:$0x4] =	wrdreg $0xC0  }
0xb1: {  	_ =	task [dreg:s8], $0x5FFFF  }
0xb2: {  	[dreg:$0x1] =	wrdreg $0xFFFFFFFF  }
0xb3: {  	[dreg:$0x0] =	wrdreg $0x60  }
0xb4: {  	[dreg:$0x2] =	wrdreg s24  }
0xb5: {  	[dreg:$0x3] =	wrdreg s16  }
0xb6: {  	[dreg:$0x4] =	wrdreg s17  }
0xb7: {  	[dreg:$0x5] =	wrdreg $0x0  }
0xb8: {  	[dreg:$0x6] =	wrdreg $0x9  }
0xb9: {  	_ =	task.clear_ibuf [dreg:s8], $0x7FFFF;
	_ =	strace $0x9000004C  }
0xba: {  	s29 =	simm.s32 $0x9;
	_ =	strace $0x8000004E  }
0xbb: {  	_ =	swait.ge [sflag:s29], $0x1  }
0xbc: {  	[sflag:s29] =	ssyncadd.s32 $0xFFFFFFFF  }
0xbd: {  	_ =	strace $0x9000004E  }
0xbe: {  	_ =	sfence  }
0xbf: {  	s30 =	sld [smem:$0x0];
	_ =	sdelay $0x2  }
0xc0: {  	s31 =	sshll.u32 s1, $0xD;
	s1 =	sshrl.u32 s1, $0x2  }
0xc1: {  	s3 =	sand.u32 $0x4000, s31;
	s1 =	sadd.s32 s1, s30  }
0xc2: {  	s0 =	sor.u32 s3, s0;
	s1 =	sshll.u32 s1, $0x11  }
0xc3: {  	s0 =	sor.u32 s1, s0  }
0xc4: {  	s0 =	sadd.s32 $0x8F2B, s0  }
0xc5: {  	[sflag:s0] =	ssyncadd.remote.s32 $0x1  }
0xc6: {  	_ =	sfence.sel $0xFFFF  }
0xc7: {  	[dreg:$0x0] =	wrdreg $0xFFFFFFFF;
	(pc) =	sbr.abs _section_cstart, $3  }
0xc8: {  	[dreg:$0x1] =	wrdreg $0xFFFFFFFF  }
0xc9: {  	_ =	task.clear_ibuf [dreg:s8], $0x2FFFF;
	_ =	strace $0x9FFFFFFF  }
0xca: {  	(tm) =	ssettm $0x7FFFFFFF  }
0xcb: {  	_ =	shalt  }
tec
execute0_lowered:
.L_overlay_start_1:
0x0: {  	(tag) =	ssettag $0x1  }
0x1: {  	s0 =	rddreg [dreg:$0x0]  }
0x2: {  	s11 =	rddreg [dreg:$0x1]  }
0x3: {  	s1 =	rddreg [dreg:$0x2]  }
0x4: {  	s2 =	rddreg [dreg:$0x3];
	s12 =	stileid.u32  }
0x5: {  	s3 =	srdreg.scid;
	s7 =	smul.u32 $0x1F400, s12  }
0x6: {  	s4 =	simm.s32 $0x0;
	s31 =	simm.s32 $0x13BC0;
	s29 =	smul.u32 $0x7D000, s12  }
0x7: {  	s28 =	simm.s32 $0x13AC0;
	s3 =	sand.u32 $0x1, s3;
	s30 =	smul.u32 $0x4EC0, s12  }
0x8: {  	[smem:$0x7FF] =	sst s4;
	s5 =	sadd.s32 $0xE00, s0;
	s10 =	smul.u32 $0x3E80, s12  }
0x9: {  	s13 =	sadd.s32 $0xC4E00, s0;
	p0 =	sgt.u32 s12, $0x9;
	s6 =	smul.u32 $0x138800, s3  }
0xa: {  	s12 =	simm.s32 $0x13C40;
	s8 =	smul.u32 $0x4EC00, s3;
	s3 =	ssub.s32 $0x2, s3  }
0xb: {  	_ =	strace $0x8000004D;
	[dreg:$0x5] =	wrdreg s13;
	s9 =	sshrl.u32 s3, $0x1  }
0xc: {  	s1 =	sadd.s32 s1, s10;
	s6 =	sadd.s32 s7, s6;
	s7 =	sshrl.u32 s29, $0x2  }
0xd: {  	s3 =	ssub.s32 s3, s9;
	[dreg:$0x7] =	wrdreg s1;
	s7 =	sadd.s32 s7, s2  }
0xe: {  	s6 =	sshrl.u32 s6, $0x3;
	s3 =	smax.u32 s3, $0x1;
	[dreg:$0x6] =	wrdreg s7  }
0xf: {  	s0 =	sadd.s32 s6, s0;
	s6 =	sadd.s32 s30, s8;
	[dreg:$0xf] =	wrdreg s3  }
0x10: {  	s3 =	simm.s32 $0x1;
	s9 =	sshrl.u32 s6, $0x3;
	s10 =	sadd.s32 $0x48, s6  }
0x11: {  	s18 =	sadd.s32 $0x1F8, s6;
	s0 =	sadd.s32 $0x4F000, s0;
	s20 =	sadd.s32 $0x1B0, s6  }
0x12: {  	s23 =	sadd.s32 $0x120, s6;
	s24 =	sadd.s32 $0xD8, s6;
	s25 =	sadd.s32 $0x168, s6  }
0x13: {  	s6 =	simm.s32 $0x8;
	s14 =	sadd.s32 s11, s9;
	[dreg:$0xe] =	wrdreg s0  }
0x14: {  	s15 =	sadd.s32 s13, s9;
	s7 =	sshrl.u32 s10, $0x3;
	[dreg:$0x14] =	wrdreg s25  }
0x15: {  	s1 =	sadd.s32 $0x12, s9;
	s19 =	sshrl.u32 s18, $0x3;
	[dreg:$0x8] =	wrdreg s14  }
0x16: {  	s10 =	simm.s32 $0x139C0;
	[dreg:$0x9] =	wrdreg s15;
	s16 =	sadd.s32 s11, s7  }
0x17: {  	s9 =	simm.s32 $0x2;
	s7 =	sadd.s32 s13, s7;
	[dreg:$0xa] =	wrdreg s16  }
0x18: {  	s18 =	simm.s32 $0x5;
	s17 =	sadd.s32 s11, s1;
	[dreg:$0xb] =	wrdreg s7  }
0x19: {  	s1 =	sadd.s32 s13, s1;
	s21 =	sadd.s32 s19, s13;
	[dreg:$0xc] =	wrdreg s17  }
0x1a: {  	s0 =	sadd.s32 s19, s11;
	s14 =	simm.s32 $0x3;
	[dreg:$0xd] =	wrdreg s1  }
0x1b: {  	s19 =	simm.s32 $0x13D40;
	s15 =	simm.s32 $0x13DC0;
	[dreg:$0x10] =	wrdreg s21  }
0x1c: {  	s1 =	sshrl.u32 s20, $0x3;
	[dreg:$0x11] =	wrdreg s0;
	s0 =	sshrl.u32 s23, $0x3  }
0x1d: {  	s7 =	simm.s32 $0x48;
	s17 =	simm.s32 $0xB;
	s22 =	sadd.s32 s1, s13  }
0x1e: {  	s20 =	simm.s32 $0x9;
	s1 =	sadd.s32 s1, s11;
	[dreg:$0x12] =	wrdreg s22  }
0x1f: {  	s23 =	simm.s32 $0xA;
	s26 =	sadd.s32 s0, s13;
	[dreg:$0x13] =	wrdreg s1  }
.Ltmp0:
0x20: {  	s0 =	sadd.s32 s0, s11;
	[dreg:$0x15] =	wrdreg s26;
	(pc) =	sbr.rel .LBB2_1-.Ltmp0, $4  }
0x21: {  	s1 =	sshrl.u32 s24, $0x3;
	[dreg:$0x16] =	wrdreg s0;
	s26 =	simm.s32 $0x4  }
0x22: {  	s22 =	simm.s32 $0xC;
	s24 =	simm.s32 $0xD;
	s29 =	sadd.s32 s1, s13  }
0x23: {  	s30 =	sadd.s32 s1, s11;
	s13 =	simm.s32 $0x13DC0;
	[dreg:$0x17] =	wrdreg s29  }
0x24: {  	s1 =	simm.s32 $0x0;
	s11 =	simm.s32 $0x1A9C0;
	[dreg:$0x18] =	wrdreg s30  }
.LBB2_4:
0x25: {  	_ =	swait.ge [sflag:s23], $0x2400  }
0x26: {  	[sflag:s23] =	ssyncset.done $0x0  }
0x27: {  	[sflag:s23] =	ssyncadd.s32 $0xFFFFDC00  }
0x28: {  	[spmem:s2] =	stream.indirect.scatter.add.f32 [tilespmem:s1], [sflag:$0xF], $0x80, s19, s7, $0xb8;
	[tilespmem:$0x1F1C0] =	vst v63  }
0x29: {  	_ =	swait.ge [sflag:s24], $0x2400  }
0x2a: {  	[sflag:s24] =	ssyncset.done $0x0  }
0x2b: {  	s0 =	simm.s32 $0xE;
	[sflag:s24] =	ssyncadd.s32 $0xFFFFDC00  }
0x2c: {  	_ =	swait.ge [sflag:s0], $0x2400  }
0x2d: {  	[sflag:s0] =	ssyncset.done $0x0  }
0x2e: {  	s25 =	simm.s32 $0xF;
	[sflag:s0] =	ssyncadd.s32 $0xFFFFDC00  }
0x2f: {  	_ =	swait.ge [sflag:s25], $0x2400  }
0x30: {  	[sflag:s25] =	ssyncset.done $0x0  }
0x31: {  	[sflag:s25] =	ssyncadd.s32 $0xFFFFDC00  }
0x32: {  	[bflag:$0x0] =	sbarrier.arrive $0xFFFF  }
0x33: {  	s0 =	rddreg [dreg:$0xe]  }
0x34: {  	s1 =	rddreg [dreg:$0x1a]  }
0x35: {  	s8 =	rddreg [dreg:$0x1b]  }
0x36: {  	[hbm:s0], [sflag:s1] =	dma.local @!p0 [spmem:s8], $0x3E80  }
0x37: {  	s0 =	simm.s32 @!p0 $0x10  }
0x38: {  	_ =	swait.ge @!p0 [sflag:s0], $0x3E80  }
0x39: {  	s29 =	rddreg [dreg:$0x19]  }
0x3a: {  	s30 =	rddreg [dreg:$0xf];
	s1 =	sadd.s32 $0x1, s29  }
0x3b: {  	p1 =	sne.s32 s1, s30  }
.Ltmp1:
0x3c: {  	_ = 	snop;
	(pc) =	sbr.rel @!p1 .LBB2_5-.Ltmp1, $3  }
0x3d: {  	_ =	sdelay $0x1  }
0x3e: {  	s31 =	simm.s32 $0x13BC0;
	s10 =	simm.s32 $0x139C0;
	[sflag:s0] =	ssyncset.done @!p0 $0x0  }
0x3f: {  	s12 =	simm.s32 $0x13C40;
	s13 =	simm.s32 $0x13DC0;
	[sflag:s0] =	ssyncadd.s32 @!p0 $0xFFFFC180  }
.LBB2_1:
0x40: {  	[dreg:$0x19] =	wrdreg s1;
	s0 =	stileid.u32  }
0x41: {  	s25 =	sshll.u32 @!p0 s0, $0x6;
	s0 =	rddreg [dreg:$0x6]  }
0x42: {  	s1 =	sor.u32 @!p0 $0x1C10, s25;
	s8 =	sshrl.u32 @!p0 s0, $0x3;
	s0 =	rddreg [dreg:$0x7]  }
0x43: {  	[dreg:$0x1a] =	wrdreg s1  }
0x44: {  	s25 =	simm.s32 @!p0 $0x10;
	[dreg:$0x1b] =	wrdreg s8  }
0x45: {  	[spmem:s8], [sflag:s1] =	dma.local @!p0 [hbm:s0], $0x3E80  }
0x46: {  	_ =	swait.ge @!p0 [sflag:s25], $0x3E80  }
0x47: {  	[sflag:s25] =	ssyncset.done @!p0 $0x0  }
0x48: {  	[sflag:s25] =	ssyncadd.s32 @!p0 $0xFFFFC180  }
0x49: {  	[bflag:$0x0] =	sbarrier.arrive $0xFFFF  }
0x4a: {  	s8 =	simm.s32 $0x138C0;
	s1 =	rddreg [dreg:$0x8]  }
0x4b: {  	[tilespmem:s8], [sflag:$0x1] =	stream.linear.gather [hbm4b:s1+s4], $0x48, $0x38;
	[tilespmem:$0x1F1C0] =	vst v63  }
0x4c: {  	s21 =	simm.s32 $0x13B40;
	s16 =	rddreg [dreg:$0x9]  }
0x4d: {  	[tilespmem:s21], [sflag:$0x1] =	stream.linear.gather [hbm4b:s16+s4], $0x48, $0x38;
	[tilespmem:$0x1F1C0] =	vst v63  }
0x4e: {  	s30 =	rddreg [dreg:$0xa];
	s1 =	simm.s32 $0x13940  }
0x4f: {  	[tilespmem:s1], [sflag:$0x2] =	stream.linear.gather [hbm4b:s30+s4], $0x48, $0x38;
	[tilespmem:$0x1F1C0] =	vst v63  }
0x50: {  	s16 =	rddreg [dreg:$0xb]  }
0x51: {  	[tilespmem:s31], [sflag:$0x2] =	stream.linear.gather [hbm4b:s16+s4], $0x48, $0x38;
	[tilespmem:$0x1F1C0] =	vst v63  }
0x52: {  	s21 =	rddreg [dreg:$0xc]  }
0x53: {  	[tilespmem:s10], [sflag:$0x3] =	stream.linear.gather [hbm4b:s21+s4], $0x48, $0x38;
	[tilespmem:$0x1F1C0] =	vst v63  }
0x54: {  	s30 =	rddreg [dreg:$0xd]  }
0x55: {  	[tilespmem:s12], [sflag:$0x3] =	stream.linear.gather [hbm4b:s30+s4], $0x48, $0x38;
	[tilespmem:$0x1F1C0] =	vst v63  }
0x56: {  	_ =	swait.ge [sflag:s3], $0x48  }
0x57: {  	[sflag:s3] =	ssyncset.done $0x0  }
0x58: {  	[sflag:s3] =	ssyncadd.s32 $0xFFFFFFB8  }
0x59: {  	_ =	swait.ge [sflag:s3], $0x48  }
0x5a: {  	[sflag:s3] =	ssyncset.done $0x0  }
0x5b: {  	[sflag:s3] =	ssyncadd.s32 $0xFFFFFFB8  }
0x5c: {  	[tilespmem:s13], [sflag:$0x6] =	stream.indirect.gather [hbm4b:s5+s7], $0x80, s8, s7, $0xb8;
	[tilespmem:$0x1F1C0] =	vst v63  }
0x5d: {  	_ =	swait.ge [sflag:s9], $0x48  }
0x5e: {  	[sflag:s9] =	ssyncset.done $0x0  }
0x5f: {  	[sflag:s9] =	ssyncadd.s32 $0xFFFFFFB8  }
0x60: {  	_ =	swait.ge [sflag:s9], $0x48  }
0x61: {  	s29 =	simm.s32 $0x0;
	s16 =	simm.s32 $0x1CDC0;
	[sflag:s9] =	ssyncset.done $0x0  }
0x62: {  	s8 =	simm.s32 $0x161C0;
	s25 =	rddreg [dreg:$0x14];
	[sflag:s9] =	ssyncadd.s32 $0xFFFFFFB8  }
0x63: {  	[tilespmem:s8], [sflag:$0x7] =	stream.indirect.gather [hbm4b:s5+s7], $0x80, s1, s7, $0xb8;
	[tilespmem:$0x1F1C0] =	vst v63  }
.LBB2_2:
0x64: {  	s0 =	simm.s32 $0x6  }
0x65: {  	_ =	swait.ge [sflag:s0], $0x2400  }
0x66: {  	p1 =	seq.s32 s29, $0x0;
	[sflag:s0] =	ssyncset.done $0x0  }
0x67: {  	s21 =	simm.s32 $0x13B40;
	s30 =	simm.s32 @!p1 $0xE;
	[sflag:s0] =	ssyncadd.s32 $0xFFFFDC00  }
0x68: {  	[spmem:s2] =	stream.indirect.scatter.add.f32 [tilespmem:s13], [sflag:$0xB], $0x80, s21, s7, $0xb8;
	[tilespmem:$0x1F1C0] =	vst v63  }
0x69: {  	_ =	swait.ge @!p1 [sflag:s30], $0x2400  }
0x6a: {  	[sflag:s30] =	ssyncset.done @!p1 $0x0  }
0x6b: {  	[sflag:s30] =	ssyncadd.s32 @!p1 $0xFFFFDC00;
	s30 =	rddreg [dreg:$0x18]  }
0x6c: {  	s13 =	simm.s32 $0x13A40;
	s1 =	rddreg [dreg:$0x17];
	s0 =	sadd.s32 s29, s30  }
0x6d: {  	[tilespmem:s13], [sflag:$0x4] =	stream.linear.gather [hbm4b:s0+s4], $0x48, $0x38;
	[tilespmem:$0x1F1C0] =	vst v63  }
0x6e: {  	s21 =	sadd.s32 s29, s1;
	s1 =	simm.s32 $0x13CC0  }
0x6f: {  	[tilespmem:s1], [sflag:$0x4] =	stream.linear.gather [hbm4b:s21+s4], $0x48, $0x38;
	[tilespmem:$0x1F1C0] =	vst v63  }
0x70: {  	_ =	swait.ge [sflag:s14], $0x48  }
0x71: {  	[sflag:s14] =	ssyncset.done $0x0  }
0x72: {  	[sflag:s14] =	ssyncadd.s32 $0xFFFFFFB8  }
0x73: {  	_ =	swait.ge [sflag:s14], $0x48  }
0x74: {  	[sflag:s14] =	ssyncset.done $0x0  }
0x75: {  	s30 =	simm.s32 $0x7;
	s21 =	simm.s32 $0x185C0;
	[sflag:s14] =	ssyncadd.s32 $0xFFFFFFB8  }
0x76: {  	[tilespmem:s21], [sflag:$0x8] =	stream.indirect.gather [hbm4b:s5+s7], $0x80, s10, s7, $0xb8;
	[tilespmem:$0x1F1C0] =	vst v63  }
0x77: {  	_ =	swait.ge [sflag:s30], $0x2400  }
0x78: {  	[sflag:s30] =	ssyncset.done $0x0  }
0x79: {  	[sflag:s30] =	ssyncadd.s32 $0xFFFFDC00;
	s30 =	simm.s32 @!p1 $0xF  }
0x7a: {  	[spmem:s2] =	stream.indirect.scatter.add.f32 [tilespmem:s8], [sflag:$0xC], $0x80, s31, s7, $0xb8;
	[tilespmem:$0x1F1C0] =	vst v63  }
0x7b: {  	_ =	swait.ge @!p1 [sflag:s30], $0x2400  }
0x7c: {  	[sflag:s30] =	ssyncset.done @!p1 $0x0;
	s8 =	rddreg [dreg:$0x16]  }
0x7d: {  	[sflag:s30] =	ssyncadd.s32 @!p1 $0xFFFFDC00;
	s10 =	sadd.s32 s29, s8;
	s30 =	rddreg [dreg:$0x15]  }
0x7e: {  	[tilespmem:s28], [sflag:$0x5] =	stream.linear.gather [hbm4b:s10+s4], $0x48, $0x38;
	[tilespmem:$0x1F1C0] =	vst v63  }
0x7f: {  	s31 =	sadd.s32 s29, s30  }
0x80: {  	[tilespmem:s19], [sflag:$0x5] =	stream.linear.gather [hbm4b:s31+s4], $0x48, $0x38;
	[tilespmem:$0x1F1C0] =	vst v63  }
0x81: {  	_ =	swait.ge [sflag:s26], $0x48  }
0x82: {  	[sflag:s26] =	ssyncset.done $0x0  }
0x83: {  	[sflag:s26] =	ssyncadd.s32 $0xFFFFFFB8  }
0x84: {  	_ =	swait.ge [sflag:s26], $0x48  }
0x85: {  	[sflag:s26] =	ssyncset.done $0x0  }
0x86: {  	[sflag:s26] =	ssyncadd.s32 $0xFFFFFFB8  }
0x87: {  	[tilespmem:s11], [sflag:$0x9] =	stream.indirect.gather [hbm4b:s5+s7], $0x80, s13, s7, $0xb8;
	[tilespmem:$0x1F1C0] =	vst v63  }
0x88: {  	_ =	swait.ge [sflag:s6], $0x2400  }
0x89: {  	[sflag:s6] =	ssyncset.done $0x0  }
0x8a: {  	[sflag:s6] =	ssyncadd.s32 $0xFFFFDC00  }
0x8b: {  	[spmem:s2] =	stream.indirect.scatter.add.f32 [tilespmem:s21], [sflag:$0xD], $0x80, s12, s7, $0xb8;
	[tilespmem:$0x1F1C0] =	vst v63  }
0x8c: {  	_ =	swait.ge [sflag:s17], $0x2400  }
0x8d: {  	[sflag:s17] =	ssyncset.done $0x0  }
0x8e: {  	p1 =	seq.s32 s29, $0x9AB;
	[sflag:s17] =	ssyncadd.s32 $0xFFFFDC00  }
0x8f: {  	s30 =	sshrl.u32 @!p1 s25, $0x3;
	s0 =	rddreg [dreg:$0x1]  }
0x90: {  	s8 =	simm.s32 @!p1 $0x138C0;
	s31 =	sadd.s32 @!p1 s0, s30;
	s0 =	simm.s32 @!p1 $0x0  }
0x91: {  	[tilespmem:s8], [sflag:$0x1] =	stream.linear.gather @!p1 [hbm4b:s31+s0], $0x48, $0x38;
	[tilespmem:$0x1F1C0] =	vst v63  }
0x92: {  	s8 =	rddreg [dreg:$0x5]  }
0x93: {  	s8 =	sadd.s32 @!p1 s8, s30;
	s30 =	simm.s32 @!p1 $0x13B40  }
0x94: {  	[tilespmem:s30], [sflag:$0x1] =	stream.linear.gather @!p1 [hbm4b:s8+s0], $0x48, $0x38;
	[tilespmem:$0x1F1C0] =	vst v63  }
0x95: {  	_ =	swait.ge [sflag:s18], $0x48  }
0x96: {  	[sflag:s18] =	ssyncset.done $0x0  }
0x97: {  	[sflag:s18] =	ssyncadd.s32 $0xFFFFFFB8  }
0x98: {  	_ =	swait.ge [sflag:s18], $0x48  }
0x99: {  	[sflag:s18] =	ssyncset.done $0x0  }
0x9a: {  	[sflag:s18] =	ssyncadd.s32 $0xFFFFFFB8  }
0x9b: {  	[tilespmem:s16], [sflag:$0xA] =	stream.indirect.gather [hbm4b:s5+s7], $0x80, s28, s7, $0xb8;
	[tilespmem:$0x1F1C0] =	vst v63  }
0x9c: {  	_ =	swait.ge [sflag:s20], $0x2400  }
0x9d: {  	[sflag:s20] =	ssyncset.done $0x0  }
.Ltmp2:
0x9e: {  	[sflag:s20] =	ssyncadd.s32 $0xFFFFDC00;
	(pc) =	sbr.rel @p1 .LBB2_4-.Ltmp2, $4  }
0x9f: {  	[spmem:s2] =	stream.indirect.scatter.add.f32 [tilespmem:s11], [sflag:$0xE], $0x80, s1, s7, $0xb8;
	[tilespmem:$0x1F1C0] =	vst v63  }
0xa0: {  	s10 =	simm.s32 $0x13BC0;
	_ =	swait.ge [sflag:s22], $0x2400  }
0xa1: {  	s13 =	simm.s32 $0x13C40;
	s12 =	simm.s32 $0x139C0;
	[sflag:s22] =	ssyncset.done $0x0  }
0xa2: {  	s21 =	simm.s32 $0x161C0;
	s1 =	simm.s32 $0x1CDC0;
	[sflag:s22] =	ssyncadd.s32 $0xFFFFDC00  }
0xa3: {  	s0 =	rddreg [dreg:$0x13]  }
0xa4: {  	s8 =	simm.s32 $0x13940;
	s30 =	rddreg [dreg:$0x12];
	s0 =	sadd.s32 s29, s0  }
0xa5: {  	[tilespmem:s8], [sflag:$0x2] =	stream.linear.gather [hbm4b:s0+s4], $0x48, $0x38;
	[tilespmem:$0x1F1C0] =	vst v63  }
0xa6: {  	s0 =	sadd.s32 s29, s30  }
0xa7: {  	[tilespmem:s10], [sflag:$0x2] =	stream.linear.gather [hbm4b:s0+s4], $0x48, $0x38;
	[tilespmem:$0x1F1C0] =	vst v63  }
0xa8: {  	_ =	swait.ge [sflag:s3], $0x48  }
0xa9: {  	[sflag:s3] =	ssyncset.done $0x0  }
0xaa: {  	[sflag:s3] =	ssyncadd.s32 $0xFFFFFFB8  }
0xab: {  	_ =	swait.ge [sflag:s3], $0x48  }
0xac: {  	[sflag:s3] =	ssyncset.done $0x0  }
0xad: {  	s10 =	simm.s32 $0x138C0;
	[sflag:s3] =	ssyncadd.s32 $0xFFFFFFB8  }
0xae: {  	[tilespmem:s15], [sflag:$0x6] =	stream.indirect.gather [hbm4b:s5+s7], $0x80, s10, s7, $0xb8;
	[tilespmem:$0x1F1C0] =	vst v63  }
0xaf: {  	_ =	swait.ge [sflag:s23], $0x2400  }
0xb0: {  	[sflag:s23] =	ssyncset.done $0x0  }
0xb1: {  	[sflag:s23] =	ssyncadd.s32 $0xFFFFDC00  }
0xb2: {  	[spmem:s2] =	stream.indirect.scatter.add.f32 [tilespmem:s1], [sflag:$0xF], $0x80, s19, s7, $0xb8;
	[tilespmem:$0x1F1C0] =	vst v63  }
0xb3: {  	_ =	swait.ge [sflag:s24], $0x2400  }
0xb4: {  	[sflag:s24] =	ssyncset.done $0x0;
	s16 =	rddreg [dreg:$0x11]  }
0xb5: {  	s30 =	rddreg [dreg:$0x10];
	[sflag:s24] =	ssyncadd.s32 $0xFFFFDC00;
	s0 =	sadd.s32 s29, s16  }
0xb6: {  	[tilespmem:s12], [sflag:$0x3] =	stream.linear.gather [hbm4b:s0+s4], $0x48, $0x38;
	[tilespmem:$0x1F1C0] =	vst v63  }
0xb7: {  	s0 =	sadd.s32 s29, s30  }
0xb8: {  	[tilespmem:s13], [sflag:$0x3] =	stream.linear.gather [hbm4b:s0+s4], $0x48, $0x38;
	[tilespmem:$0x1F1C0] =	vst v63  }
0xb9: {  	_ =	swait.ge [sflag:s9], $0x48  }
0xba: {  	[sflag:s9] =	ssyncset.done $0x0  }
0xbb: {  	[sflag:s9] =	ssyncadd.s32 $0xFFFFFFB8  }
.Ltmp3:
0xbc: {  	s25 =	sadd.s32 $0x168, s25;
	_ =	swait.ge [sflag:s9], $0x48;
	(pc) =	sbr.rel .LBB2_2-.Ltmp3, $4  }
0xbd: {  	s31 =	simm.s32 $0x13BC0;
	s10 =	simm.s32 $0x139C0;
	[sflag:s9] =	ssyncset.done $0x0  }
0xbe: {  	s16 =	simm.s32 $0x1CDC0;
	s29 =	sadd.s32 $0x2D, s29;
	[sflag:s9] =	ssyncadd.s32 $0xFFFFFFB8  }
0xbf: {  	[tilespmem:s21], [sflag:$0x7] =	stream.indirect.gather [hbm4b:s5+s7], $0x80, s8, s7, $0xb8;
	[tilespmem:$0x1F1C0] =	vst v63  }
0xc0: {  	s12 =	simm.s32 $0x13C40;
	s13 =	simm.s32 $0x13DC0;
	s8 =	simm.s32 $0x161C0  }
.LBB2_5:
0xc1: {  	_ =	sfence.sel $0x180000  }
0xc2: {  	[bflag:$0x0] =	sbarrier.arrive $0xFFFF  }
0xc3: {  	_ =	strace $0x9000004D  }
0xc4: {  	s0 =	stileid.u32;
	[bflag:$0x2] =	sbarrier.arrive $0xFFFF  }
0xc5: {  	p0 =	sne.s32 s0, $0x0;
	s0 =	rddreg [dreg:$0x4]  }
0xc6: {  	s0 =	sadd.s32 @!p0 $0x100000, s0  }
0xc7: {  	[sflag:s0] =	ssyncadd.tile.s32 @!p0 $0x1;
	_ =	shalt  }
.Lfunc_end2:
_tile_overlayer_lowered:
.L_overlay_start_2:
0xc8: {  	(tag) =	ssettag $0x2  }
0xc9: {  	s0 =	rddreg [dreg:$0x0];
	s2 =	stileid.u32  }
0xca: {  	s1 =	rddreg [dreg:$0x1];
	p0 =	sne.s32 s2, $0x0  }
0xcb: {  	s3 =	rddreg [dreg:$0x2];
	[bflag:$0x3] =	sbarrier.arrive $0xFFFF;
	s2 =	simm.s32 @!p0 $0x1C10  }
0xcc: {  	[timem:s3], [sflag:s2] =	dma.local @!p0 [hbm:s0], s1  }
0xcd: {  	s0 =	simm.s32 @!p0 $0x10  }
0xce: {  	_ =	swait.ge @!p0 [sflag:s0], s1  }
0xcf: {  	s1 =	ssub.s32 @!p0 $0x0, s1;
	[sflag:s0] =	ssyncset.done @!p0 $0x0  }
0xd0: {  	[sflag:s0] =	ssyncadd.s32 @!p0 s1  }
0xd1: {  	[bflag:$0x3] =	sbarrier.arrive $0xFFFF  }
0xd2: {  	_ =	shalt  }

// kernel: kernel.8.cloned.1.call-start
scs
__scs_entry_jumppad:
0x0: {  	(pc) =	sbr.rel $0x88, $3  }
0x1: {  	(tag) =	ssettag $0x0;
	lr =	simm.s32 $0x1  }
0x2: {  	[smem:$0x3F95] =	sst lr;
	_ =	strace $0xD0000000  }
0x3: {  	_ = 	snop  }
0x4: {  	_ = 	snop  }
0x5: {  	_ = 	snop  }
0x6: {  	_ = 	snop  }
0x7: {  	_ = 	snop  }
__scs_overlays_trampoline_lowered:
0x8: {  	[smem:$0x3FA4] =	sst s0  }
0x9: {  	[smem:$0x3FA5] =	sst s1  }
0xa: {  	[smem:$0x3FA6] =	sst s2  }
0xb: {  	[smem:$0x3FA7] =	sst s3  }
0xc: {  	[smem:$0x3FA8] =	sst s4  }
0xd: {  	[smem:$0x3FA9] =	sst s5  }
0xe: {  	[smem:$0x3FAA] =	sst s6  }
0xf: {  	[smem:$0x3FAB] =	sst s7  }
0x10: {  	[smem:$0x3FAC] =	sst s8  }
0x11: {  	[smem:$0x3FAD] =	sst s9;
	s0 =	simm.s32 @!p0 $0x0  }
0x12: {  	s1 =	sld [smem:$0x3F93];
	s0 =	simm.s32 @p0 $0x1  }
0x13: {  	[smem:$0x3FAE] =	sst s0;
	s0 =	simm.s32 @!p1 $0x0  }
0x14: {  	s2 =	sld [smem:$0x3F92];
	s0 =	simm.s32 @p1 $0x1  }
0x15: {  	[smem:$0x3FAF] =	sst s0;
	s0 =	simm.s32 @!p2 $0x0  }
0x16: {  	s3 =	sld [smem:$0x3FDB];
	s0 =	simm.s32 @p2 $0x1  }
0x17: {  	s4 =	simm.s32 $0x1BF5;
	[smem:$0x3FB1] =	sst s0  }
0x18: {  	s0 =	sld [smem:$0x3F94];
	_ =	swait.ge [sflag:s4], $0x0  }
0x19: {  	s7 =	sld [smem:$0x3F95]  }
0x1a: {  	s8 =	sadd.s32 $0xFFFFE003, lr  }
0x1b: {  	s9 =	sadd.s32 $0xFFFFFEF7, lr;
	s5 =	simm.s32 $0xFFFFFFFF;
	p2 =	slt.u32 s8, $0xFFFFF086  }
0x1c: {  	p1 =	slt.u32 s9, $0xF7A;
	s5 =	simm.s32 @!p2 $0x0  }
0x1d: {  	s5 =	simm.s32 @p1 $0x1;
	p0 =	seq.s32 s7, s2  }
0x1e: {  	s7 =	smul.u32 @!p0 $0xF7A, s2;
	p2 =	seq.s32 @!p0 s5, $0x0  }
0x1f: {  	s9 =	smul.u32 $0xF7A, s1;
	s8 =	simm.s32 @!p0 $0x1BF5;
	p2 =	por !p2, p0  }
0x20: {  	[sflag:s8] =	ssyncset.s32 @!p0 $0xFFFFF086;
	s6 =	sadd.s32 @!p0 s3, s7;
	s7 =	simm.s32 @!p0 $0x108  }
0x21: {  	s3 =	sadd.s32 s3, s9;
	s6 =	sadd.s32 @!p0 $0x88, s6;
	s7 =	simm.s32 @p2 $0x1082  }
0x22: {  	[simem:s7], [sflag:s8] =	dma.local @!p0 [hbm:s6], $0xF7A  }
0x23: {  	s9 =	sor.u32 $0xD0000000, s2;
	s6 =	simm.s32 $0x108;
	_ =	swait.ge @!p0 [sflag:s8], $0x0  }
0x24: {  	s3 =	sadd.s32 $0x88, s3;
	s6 =	simm.s32 @!p1 $0x1082;
	[sflag:s4] =	ssyncset.s32 $0xFFFFF086  }
0x25: {  	[simem:s6], [sflag:s4] =	dma.local [hbm:s3], $0xF7A  }
0x26: {  	[smem:$0x3F95] =	sst s1;
	(tag) =	ssettag s2;
	_ =	strace s9  }
0x27: {  	s1 =	sld [smem:$0x3FA5]  }
0x28: {  	s2 =	sld [smem:$0x3FA6]  }
0x29: {  	s4 =	sld [smem:$0x3FA8]  }
0x2a: {  	p0 =	seq.s32 s5, $0x0;
	s5 =	sld [smem:$0x3FA9]  }
0x2b: {  	s6 =	sld [smem:$0x3FAA]  }
0x2c: {  	s7 =	sld [smem:$0x3FAB]  }
0x2d: {  	s3 =	simm.s32 $0x108;
	s8 =	sld [smem:$0x3FAC]  }
0x2e: {  	s3 =	simm.s32 @!p0 $0x1082;
	s9 =	sld [smem:$0x3FAD]  }
0x2f: {  	lr =	sadd.s32 s0, s3;
	s0 =	sld [smem:$0x3FA4]  }
0x30: {  	s3 =	sld [smem:$0x3FA7]  }
0x31: {  	[smem:$0x3FB0] =	sst s10  }
0x32: {  	s10 =	sld [smem:$0x3FAE];
	_ =	sdelay $0x3  }
0x33: {  	p0 =	seq.s32 s10, $0x1;
	s10 =	sld [smem:$0x3FB0];
	_ =	sdelay $0x3  }
0x34: {  	[smem:$0x3FB0] =	sst s10  }
0x35: {  	s10 =	sld [smem:$0x3FAF];
	_ =	sdelay $0x3  }
0x36: {  	p1 =	seq.s32 s10, $0x1;
	s10 =	sld [smem:$0x3FB0];
	_ =	sdelay $0x3  }
0x37: {  	[smem:$0x3FB0] =	sst s10  }
0x38: {  	s10 =	sld [smem:$0x3FB1]  }
0x39: {  	_ = 	snop;
	(pc) =	sbr.ind lr, $3  }
0x3a: {  	_ = 	snop  }
0x3b: {  	_ = 	snop  }
0x3c: {  	p2 =	seq.s32 s10, $0x1;
	s10 =	sld [smem:$0x3FB0]  }
0x3d: {  	_ =	shalt  }
0x3e: {  	_ =	shalt  }
0x3f: {  	_ =	shalt  }
0x40: {  	_ =	shalt  }
0x41: {  	_ =	shalt  }
0x42: {  	_ =	shalt  }
0x43: {  	_ =	shalt  }
0x44: {  	_ =	shalt  }
0x45: {  	_ =	shalt  }
0x46: {  	_ =	shalt  }
0x47: {  	_ =	shalt  }
0x48: {  	_ =	shalt  }
0x49: {  	_ =	shalt  }
0x4a: {  	_ =	shalt  }
0x4b: {  	_ =	shalt  }
0x4c: {  	_ =	shalt  }
0x4d: {  	_ =	shalt  }
0x4e: {  	_ =	shalt  }
0x4f: {  	_ =	shalt  }
0x50: {  	_ =	shalt  }
0x51: {  	_ =	shalt  }
0x52: {  	_ =	shalt  }
0x53: {  	_ =	shalt  }
0x54: {  	_ =	shalt  }
0x55: {  	_ =	shalt  }
0x56: {  	_ =	shalt  }
0x57: {  	_ =	shalt  }
0x58: {  	_ =	shalt  }
0x59: {  	_ =	shalt  }
0x5a: {  	_ =	shalt  }
0x5b: {  	_ =	shalt  }
0x5c: {  	_ =	shalt  }
0x5d: {  	_ =	shalt  }
0x5e: {  	_ =	shalt  }
0x5f: {  	_ =	shalt  }
0x60: {  	_ =	shalt  }
0x61: {  	_ =	shalt  }
0x62: {  	_ =	shalt  }
0x63: {  	_ =	shalt  }
0x64: {  	_ =	shalt  }
0x65: {  	_ =	shalt  }
0x66: {  	_ =	shalt  }
0x67: {  	_ =	shalt  }
0x68: {  	_ =	shalt  }
0x69: {  	_ =	shalt  }
0x6a: {  	_ =	shalt  }
0x6b: {  	_ =	shalt  }
0x6c: {  	_ =	shalt  }
0x6d: {  	_ =	shalt  }
0x6e: {  	_ =	shalt  }
0x6f: {  	_ =	shalt  }
0x70: {  	_ =	shalt  }
0x71: {  	_ =	shalt  }
0x72: {  	_ =	shalt  }
0x73: {  	_ =	shalt  }
0x74: {  	_ =	shalt  }
0x75: {  	_ =	shalt  }
0x76: {  	_ =	shalt  }
0x77: {  	_ =	shalt  }
0x78: {  	_ =	shalt  }
0x79: {  	_ =	shalt  }
0x7a: {  	_ =	shalt  }
0x7b: {  	_ =	shalt  }
0x7c: {  	_ =	shalt  }
0x7d: {  	_ =	shalt  }
0x7e: {  	_ =	shalt  }
0x7f: {  	_ =	shalt  }
0x80: {  	_ =	shalt  }
0x81: {  	_ =	shalt  }
0x82: {  	_ =	shalt  }
0x83: {  	_ =	shalt  }
0x84: {  	_ =	shalt  }
0x85: {  	_ =	shalt  }
0x86: {  	_ =	shalt  }
0x87: {  	_ =	shalt  }
.Lfunc_end0:
.L_simem_size_0:
called_computation_lowered:
.L_overlay_start_0:
0x88: {  	s2 =	sld [smem:$0x3FD9]  }
0x89: {  	s3 =	sld [smem:$0x3FFE];
	_ =	sdelay $0x1  }
0x8a: {  	s1 =	srdreg.scid  }
0x8b: {  	s0 =	sand.u32 $0x1, s1  }
0x8c: {  	s14 =	sshll.u32 s0, $0xA;
	s2 =	sadd.s32 s3, s2  }
0x8d: {  	s2 =	sadd.s32 s2, s14  }
0x8e: {  	[smem:$0x3FBC] =	sst s2  }
0x8f: {  	_ = 	snop  }
0x90: {  	s2 =	sld [smem:$0x3FD0];
	_ =	sdelay $0x2  }
0x91: {  	s15 =	simm.s32 $0xA;
	s4 =	simm.s32 $0x10  }
0x92: {  	[smem:s4], [sflag:s15] =	dma.local [hbm:s2], $0x1  }
0x93: {  	_ =	swait.eq [sflag:s15], $0x1  }
0x94: {  	[sflag:s15] =	ssyncset.done $0x0  }
0x95: {  	[sflag:s15] =	ssyncadd.s32 $0xFFFFFFFF  }
0x96: {  	s16 =	sld [smem:$0x11];
	(tm) =	ssettm $0x1  }
0x97: {  	s17 =	sld [smem:$0x3FFB];
	_ =	sdelay $0x3  }
0x98: {  	_ =	strace s17  }
0x99: {  	s3 =	sld [smem:$0x3FFC];
	_ =	sdelay $0x3  }
0x9a: {  	_ =	strace s3  }
0x9b: {  	s3 =	sld [smem:$0x3FFD];
	_ =	sdelay $0x3  }
0x9c: {  	_ =	strace s3  }
0x9d: {  	_ =	strace $0x8FFFFFFF  }
0x9e: {  	s18 =	sld [smem:$0x3FDB];
	_ =	sdelay $0x1  }
0x9f: {  	s19 =	simm.s32 $_scs_section_size  }
0xa0: {  	s5 =	simm.s32 $_size__tile_overlayer_lowered;
	s6 =	simm.s32 $_tile_overlayer_lowered  }
0xa1: {  	s22 =	simm.s32 $0x1BFF;
	s21 =	sshll.u32 s6, $0x1;
	s3 =	sadd.s32 s19, s18  }
0xa2: {  	s7 =	simm.s32 $0x0;
	s20 =	sshll.u32 s5, $0x1;
	s5 =	sadd.s32 s21, s3  }
0xa3: {  	[timem:s7], [sflag:s22] =	dma.local [hbm:s5], s20  }
0xa4: {  	_ =	swait.ge [sflag:s22], s20  }
0xa5: {  	s4 =	ssub.s32 $0x0, s20;
	[sflag:s22] =	ssyncset.done $0x0  }
0xa6: {  	[sflag:s22] =	ssyncadd.s32 s4;
	_ =	sdelay $0x1  }
0xa7: {  	s23 =	simm.s32 $0x1B8B  }
0xa8: {  	_ =	swait.ge [sflag:s23], $0x1  }
0xa9: {  	[sflag:s23] =	ssyncset.done $0x0  }
0xaa: {  	s25 =	simm.s32 $0x1B8E;
	s24 =	sld [smem:$0x3FFE];
	[sflag:s23] =	ssyncadd.s32 $0xFFFFFFFF  }
0xab: {  	s26 =	simm.s32 $execute0_lowered;
	[smem:$0x3FD2] =	sst s25  }
0xac: {  	s5 =	sshll.u32 s26, $0x1;
	_ =	strace $0x80000046;
	[dreg:$0x1] =	wrdreg $0xFFFFFFFF  }
0xad: {  	s28 =	simm.s32 $_size_execute0_lowered;
	s3 =	sadd.s32 s3, s5;
	[dreg:$0x0] =	wrdreg $0x0  }
0xae: {  	s5 =	sshll.u32 s28, $0x1;
	[dreg:$0x2] =	wrdreg s3  }
0xaf: {  	[dreg:$0x3] =	wrdreg s5  }
0xb0: {  	[dreg:$0x4] =	wrdreg $0xC0  }
0xb1: {  	_ =	task [dreg:s7], $0x5FFFF  }
0xb2: {  	[dreg:$0x1] =	wrdreg $0xFFFFFFFF  }
0xb3: {  	[dreg:$0x0] =	wrdreg $0x60  }
0xb4: {  	[dreg:$0x2] =	wrdreg s24  }
0xb5: {  	[dreg:$0x3] =	wrdreg s16  }
0xb6: {  	[dreg:$0x4] =	wrdreg $0x0  }
0xb7: {  	[dreg:$0x5] =	wrdreg $0x9  }
0xb8: {  	_ =	task.clear_ibuf [dreg:s7], $0x6FFFF;
	_ =	strace $0x90000046  }
0xb9: {  	s29 =	simm.s32 $0x9;
	_ =	strace $0x80000048  }
0xba: {  	_ =	swait.ge [sflag:s29], $0x1  }
0xbb: {  	[sflag:s29] =	ssyncadd.s32 $0xFFFFFFFF  }
0xbc: {  	_ =	strace $0x90000048  }
0xbd: {  	_ =	sfence  }
0xbe: {  	s30 =	sld [smem:$0x0];
	_ =	sdelay $0x2  }
0xbf: {  	s31 =	sshll.u32 s1, $0xD;
	s1 =	sshrl.u32 s1, $0x2  }
0xc0: {  	s3 =	sand.u32 $0x4000, s31;
	s1 =	sadd.s32 s1, s30  }
0xc1: {  	s0 =	sor.u32 s3, s0;
	s1 =	sshll.u32 s1, $0x11  }
0xc2: {  	s0 =	sor.u32 s1, s0  }
0xc3: {  	s0 =	sadd.s32 $0x8F2B, s0  }
0xc4: {  	[sflag:s0] =	ssyncadd.remote.s32 $0x1  }
0xc5: {  	_ =	sfence.sel $0xFFFF  }
0xc6: {  	[dreg:$0x0] =	wrdreg $0xFFFFFFFF;
	(pc) =	sbr.abs _section_cstart, $3  }
0xc7: {  	[dreg:$0x1] =	wrdreg $0xFFFFFFFF  }
0xc8: {  	_ =	task.clear_ibuf [dreg:s7], $0x2FFFF;
	_ =	strace $0x9FFFFFFF  }
0xc9: {  	(tm) =	ssettm $0x7FFFFFFF  }
tec
execute0_lowered:
.L_overlay_start_1:
0x0: {  	(tag) =	ssettag $0x1  }
0x1: {  	s0 =	rddreg [dreg:$0x0]  }
0x2: {  	s1 =	rddreg [dreg:$0x1];
	s12 =	stileid.u32  }
0x3: {  	s2 =	rddreg [dreg:$0x2];
	s5 =	smul.u32 $0x1F400, s12  }
0x4: {  	s3 =	simm.s32 $0x0;
	s4 =	srdreg.scid;
	s9 =	smul.u32 $0x4EC0, s12  }
0x5: {  	[smem:$0x7FF] =	sst s3;
	s11 =	smul.u32 $0x7D000, s12  }
0x6: {  	s4 =	sand.u32 $0x1, s4;
	s7 =	sadd.s32 $0xE00, s0;
	s29 =	smul.u32 $0x3E80, s12  }
0x7: {  	s8 =	sadd.s32 $0x28400, s0;
	p0 =	sgt.u32 s12, $0x9;
	s6 =	smul.u32 $0x271000, s4  }
0x8: {  	s12 =	simm.s32 $0x3;
	s26 =	smul.u32 $0x9D800, s4;
	s4 =	ssub.s32 $0x2, s4  }
0x9: {  	_ =	strace $0x80000047;
	[dreg:$0x4] =	wrdreg s8;
	s10 =	sshrl.u32 s4, $0x1  }
0xa: {  	s28 =	sshrl.u32 s11, $0x2;
	s6 =	sadd.s32 s5, s6;
	s4 =	ssub.s32 s4, s10  }
0xb: {  	s8 =	sadd.s32 s28, s2;
	s5 =	sshrl.u32 s5, $0x3;
	s6 =	sshrl.u32 s6, $0x3  }
0xc: {  	[dreg:$0x5] =	wrdreg s8;
	s0 =	sadd.s32 s6, s0;
	s6 =	sadd.s32 s9, s26  }
0xd: {  	s9 =	sadd.s32 s1, s29;
	s1 =	sadd.s32 s1, s5;
	s5 =	simm.s32 $0x15D40  }
0xe: {  	s30 =	sadd.s32 $0x48, s6;
	s11 =	sshrl.u32 s6, $0x3;
	[dreg:$0x6] =	wrdreg s9  }
0xf: {  	s14 =	sadd.s32 $0xD8, s6;
	s15 =	sadd.s32 $0x4EC48, s6;
	s16 =	sadd.s32 $0x168, s6  }
0x10: {  	[dreg:$0x8] =	wrdreg s1;
	s18 =	sadd.s32 $0x4ECD8, s6;
	s19 =	sadd.s32 $0x4ED68, s6  }
0x11: {  	s23 =	sadd.s32 $0x288, s6;
	s24 =	sadd.s32 $0x240, s6;
	s28 =	sadd.s32 $0x1F8, s6  }
0x12: {  	s29 =	sadd.s32 $0x1B0, s6;
	s10 =	sshrl.u32 s30, $0x3;
	s11 =	sadd.s32 s7, s11  }
0x13: {  	s17 =	sshrl.u32 s15, $0x3;
	s8 =	sshrl.u32 s14, $0x3;
	s20 =	sshrl.u32 s16, $0x3  }
0x14: {  	s22 =	sshrl.u32 s19, $0x3;
	s25 =	sshrl.u32 s23, $0x3;
	s26 =	sshrl.u32 s24, $0x3  }
0x15: {  	s30 =	sadd.s32 $0x4EE88, s6;
	s9 =	sshrl.u32 s29, $0x3;
	s14 =	sadd.s32 $0x4EDF8, s6  }
0x16: {  	s23 =	sadd.s32 $0x28A00, s0;
	s0 =	sadd.s32 $0x4FB00, s0;
	s24 =	smax.u32 s4, $0x1  }
0x17: {  	s4 =	simm.s32 $0x15CC0;
	s13 =	sadd.s32 s7, s10;
	[dreg:$0xe] =	wrdreg s23  }
0x18: {  	s1 =	sadd.s32 s7, s17;
	s8 =	sadd.s32 s7, s8;
	[dreg:$0xf] =	wrdreg s0  }
0x19: {  	s21 =	sadd.s32 s7, s20;
	s15 =	sadd.s32 s25, s7;
	[dreg:$0x10] =	wrdreg s24  }
0x1a: {  	s16 =	sadd.s32 s26, s7;
	s10 =	sshrl.u32 s30, $0x3;
	[dreg:$0x7] =	wrdreg s13  }
0x1b: {  	s25 =	sadd.s32 $0x9D80, s11;
	s26 =	sadd.s32 $0x12, s11;
	[dreg:$0x9] =	wrdreg s1  }
0x1c: {  	s29 =	sadd.s32 $0x9D92, s11;
	s31 =	smov.u32 s11;
	[dreg:$0xa] =	wrdreg s8  }
0x1d: {  	s30 =	sadd.s32 $0x9DA4, s11;
	s0 =	simm.s32 $0x138C0;
	[dreg:$0xb] =	wrdreg s21  }
0x1e: {  	s23 =	simm.s32 $0x7;
	s24 =	simm.s32 $0x8;
	[dreg:$0x11] =	wrdreg s25  }
0x1f: {  	s1 =	sshrl.u32 s18, $0x3;
	s18 =	sadd.s32 s9, s7;
	[dreg:$0x12] =	wrdreg s26  }
0x20: {  	s19 =	sadd.s32 s10, s7;
	s13 =	sadd.s32 $0x4EE40, s6;
	[dreg:$0x14] =	wrdreg s29  }
0x21: {  	s6 =	sadd.s32 $0x4EDB0, s6;
	s21 =	sshrl.u32 s14, $0x3;
	[dreg:$0x15] =	wrdreg s30  }
0x22: {  	s8 =	simm.s32 $0x48;
	s9 =	simm.s32 $0x15DC0;
	s10 =	simm.s32 $0x2  }
0x23: {  	s14 =	simm.s32 $0x4;
	s25 =	simm.s32 $0x0;
	s1 =	sadd.s32 s7, s1  }
0x24: {  	s21 =	sadd.s32 s21, s7;
	[dreg:$0xc] =	wrdreg s1;
	s1 =	sadd.s32 s7, s22  }
.Ltmp0:
0x25: {  	s22 =	sshrl.u32 s6, $0x3;
	s6 =	simm.s32 $0x1;
	(pc) =	sbr.rel .LBB2_1-.Ltmp0, $4  }
0x26: {  	[dreg:$0xd] =	wrdreg s1;
	s1 =	sshrl.u32 s28, $0x3;
	s22 =	sadd.s32 s22, s7  }
0x27: {  	s28 =	sadd.s32 $0x24, s11;
	s11 =	simm.s32 $0x15E40;
	s17 =	sadd.s32 s1, s7  }
0x28: {  	s1 =	sshrl.u32 s13, $0x3;
	[dreg:$0x13] =	wrdreg s28;
	s13 =	simm.s32 $0x5  }
0x29: {  	s20 =	sadd.s32 s1, s7;
	s1 =	simm.s32 $0x9;
	s7 =	simm.s32 $0x6  }
.LBB2_7:
0x2a: {  	_ =	swait.ge [sflag:s14], $0x48  }
0x2b: {  	[sflag:s14] =	ssyncset.done $0x0  }
0x2c: {  	[sflag:s14] =	ssyncadd.s32 $0xFFFFFFB8  }
0x2d: {  	_ =	swait.ge [sflag:s7], $0x2400  }
0x2e: {  	[sflag:s7] =	ssyncset.done $0x0  }
0x2f: {  	[sflag:s7] =	ssyncadd.s32 $0xFFFFDC00  }
0x30: {  	[spmem:s2] =	stream.indirect.scatter.add.f32 [tilespmem:s0], [sflag:$0x8], $0x80, s11, s8, $0xb8;
	[tilespmem:$0x15EC0] =	vst v63  }
0x31: {  	_ =	swait.ge [sflag:s23], $0x2400  }
0x32: {  	[sflag:s23] =	ssyncset.done $0x0  }
0x33: {  	[sflag:s23] =	ssyncadd.s32 $0xFFFFDC00  }
0x34: {  	_ =	swait.ge [sflag:s24], $0x2400  }
0x35: {  	[sflag:s24] =	ssyncset.done $0x0  }
0x36: {  	[sflag:s24] =	ssyncadd.s32 $0xFFFFDC00  }
0x37: {  	[bflag:$0x0] =	sbarrier.arrive $0xFFFF  }
0x38: {  	s29 =	rddreg [dreg:$0xf]  }
0x39: {  	[hbm:s29], [sflag:s26] =	dma.local @!p0 [spmem:s28], $0x3E80  }
0x3a: {  	s26 =	simm.s32 @!p0 $0x9  }
0x3b: {  	_ =	swait.ge @!p0 [sflag:s26], $0x3E80  }
0x3c: {  	s25 =	sadd.s32 $0x1, s25;
	s30 =	rddreg [dreg:$0x10]  }
0x3d: {  	p1 =	sne.s32 s25, s30  }
.Ltmp1:
0x3e: {  	_ = 	snop;
	(pc) =	sbr.rel @!p1 .LBB2_8-.Ltmp1, $3  }
0x3f: {  	[sflag:s26] =	ssyncset.done @!p0 $0x0  }
0x40: {  	[sflag:s26] =	ssyncadd.s32 @!p0 $0xFFFFC180  }
0x41: {  	[bflag:$0x0] =	sbarrier.arrive $0xFFFF;
	_ =	sdelay $0x1  }
.LBB2_1:
0x42: {  	s26 =	rddreg [dreg:$0x4]  }
0x43: {  	[tilespmem:s0], [sflag:$0x9] =	stream.linear.gather [hbm4b:s26+s3], $0x2400, $0x38;
	[tilespmem:$0x15EC0] =	vst v63  }
0x44: {  	s26 =	stileid.u32  }
0x45: {  	_ =	swait.ge [sflag:s1], $0x2400;
	s26 =	sshll.u32 @!p0 s26, $0x6  }
0x46: {  	[sflag:s1] =	ssyncset.done $0x0;
	s26 =	sor.u32 @!p0 $0x1C09, s26;
	s28 =	rddreg [dreg:$0x5]  }
0x47: {  	s29 =	rddreg [dreg:$0x6];
	[sflag:s1] =	ssyncadd.s32 $0xFFFFDC00;
	s28 =	sshrl.u32 @!p0 s28, $0x3  }
0x48: {  	[spmem:s28], [sflag:s26] =	dma.local @!p0 [hbm:s29], $0x3E80  }
0x49: {  	s29 =	simm.s32 @!p0 $0x9  }
0x4a: {  	_ =	swait.ge @!p0 [sflag:s29], $0x3E80  }
0x4b: {  	[sflag:s29] =	ssyncset.done @!p0 $0x0  }
0x4c: {  	[sflag:s29] =	ssyncadd.s32 @!p0 $0xFFFFC180  }
0x4d: {  	[bflag:$0x0] =	sbarrier.arrive $0xFFFF  }
0x4e: {  	[tilespmem:s4], [sflag:$0x1] =	stream.linear.gather [hbm4b:s31+s3], $0x48, $0x38;
	[tilespmem:$0x15EC0] =	vst v63  }
0x4f: {  	s29 =	rddreg [dreg:$0x7]  }
0x50: {  	[tilespmem:s5], [sflag:$0x2] =	stream.linear.gather [hbm4b:s29+s3], $0x48, $0x38;
	[tilespmem:$0x15EC0] =	vst v63  }
0x51: {  	_ =	swait.ge [sflag:s6], $0x48  }
0x52: {  	[sflag:s6] =	ssyncset.done $0x0  }
0x53: {  	[sflag:s6] =	ssyncadd.s32 $0xFFFFFFB8  }
0x54: {  	[spmem:s2] =	stream.indirect.scatter.add.f32 [tilespmem:s0], [sflag:$0x5], $0x80, s4, s8, $0xb8;
	[tilespmem:$0x15EC0] =	vst v63  }
0x55: {  	s29 =	rddreg [dreg:$0x12]  }
0x56: {  	[tilespmem:s9], [sflag:$0x3] =	stream.linear.gather [hbm4b:s29+s3], $0x48, $0x38;
	[tilespmem:$0x15EC0] =	vst v63  }
0x57: {  	_ =	swait.ge [sflag:s10], $0x48  }
0x58: {  	[sflag:s10] =	ssyncset.done $0x0  }
0x59: {  	[sflag:s10] =	ssyncadd.s32 $0xFFFFFFB8  }
0x5a: {  	[spmem:s2] =	stream.indirect.scatter.add.f32 [tilespmem:s0], [sflag:$0x6], $0x80, s5, s8, $0xb8;
	[tilespmem:$0x15EC0] =	vst v63  }
0x5b: {  	s29 =	rddreg [dreg:$0xa]  }
0x5c: {  	[tilespmem:s11], [sflag:$0x4] =	stream.linear.gather [hbm4b:s29+s3], $0x48, $0x38;
	[tilespmem:$0x15EC0] =	vst v63  }
0x5d: {  	_ =	swait.ge [sflag:s12], $0x48  }
0x5e: {  	[sflag:s12] =	ssyncset.done $0x0  }
0x5f: {  	[sflag:s12] =	ssyncadd.s32 $0xFFFFFFB8  }
0x60: {  	_ =	swait.ge [sflag:s13], $0x2400  }
0x61: {  	[sflag:s13] =	ssyncset.done $0x0  }
0x62: {  	[sflag:s13] =	ssyncadd.s32 $0xFFFFDC00  }
0x63: {  	[spmem:s2] =	stream.indirect.scatter.add.f32 [tilespmem:s0], [sflag:$0x7], $0x80, s9, s8, $0xb8;
	[tilespmem:$0x15EC0] =	vst v63  }
0x64: {  	s29 =	rddreg [dreg:$0x13]  }
0x65: {  	[tilespmem:s4], [sflag:$0x1] =	stream.linear.gather [hbm4b:s29+s3], $0x48, $0x38;
	[tilespmem:$0x15EC0] =	vst v63  }
0x66: {  	_ =	swait.ge [sflag:s14], $0x48  }
0x67: {  	[sflag:s14] =	ssyncset.done $0x0  }
0x68: {  	[sflag:s14] =	ssyncadd.s32 $0xFFFFFFB8  }
0x69: {  	_ =	swait.ge [sflag:s7], $0x2400  }
0x6a: {  	[sflag:s7] =	ssyncset.done $0x0  }
0x6b: {  	[sflag:s7] =	ssyncadd.s32 $0xFFFFDC00  }
0x6c: {  	[spmem:s2] =	stream.indirect.scatter.add.f32 [tilespmem:s0], [sflag:$0x8], $0x80, s11, s8, $0xb8;
	[tilespmem:$0x15EC0] =	vst v63  }
0x6d: {  	s29 =	rddreg [dreg:$0xb]  }
0x6e: {  	[tilespmem:s5], [sflag:$0x2] =	stream.linear.gather [hbm4b:s29+s3], $0x48, $0x38;
	[tilespmem:$0x15EC0] =	vst v63  }
0x6f: {  	s29 =	simm.s32 $0x0  }
.LBB2_2:
0x70: {  	_ =	swait.ge [sflag:s6], $0x48  }
0x71: {  	[sflag:s6] =	ssyncset.done $0x0  }
0x72: {  	[sflag:s6] =	ssyncadd.s32 $0xFFFFFFB8  }
0x73: {  	_ =	swait.ge [sflag:s23], $0x2400  }
0x74: {  	[sflag:s23] =	ssyncset.done $0x0  }
0x75: {  	[sflag:s23] =	ssyncadd.s32 $0xFFFFDC00  }
0x76: {  	[spmem:s2] =	stream.indirect.scatter.add.f32 [tilespmem:s0], [sflag:$0x5], $0x80, s4, s8, $0xb8;
	[tilespmem:$0x15EC0] =	vst v63  }
0x77: {  	s30 =	sadd.s32 s29, s18  }
0x78: {  	[tilespmem:s9], [sflag:$0x3] =	stream.linear.gather [hbm4b:s30+s3], $0x48, $0x38;
	[tilespmem:$0x15EC0] =	vst v63  }
0x79: {  	_ =	swait.ge [sflag:s10], $0x48  }
0x7a: {  	[sflag:s10] =	ssyncset.done $0x0  }
0x7b: {  	[sflag:s10] =	ssyncadd.s32 $0xFFFFFFB8  }
0x7c: {  	_ =	swait.ge [sflag:s24], $0x2400  }
0x7d: {  	[sflag:s24] =	ssyncset.done $0x0  }
0x7e: {  	[sflag:s24] =	ssyncadd.s32 $0xFFFFDC00  }
0x7f: {  	[spmem:s2] =	stream.indirect.scatter.add.f32 [tilespmem:s0], [sflag:$0x6], $0x80, s5, s8, $0xb8;
	[tilespmem:$0x15EC0] =	vst v63  }
0x80: {  	s30 =	sadd.s32 s29, s17  }
0x81: {  	[tilespmem:s11], [sflag:$0x4] =	stream.linear.gather [hbm4b:s30+s3], $0x48, $0x38;
	[tilespmem:$0x15EC0] =	vst v63  }
0x82: {  	_ =	swait.ge [sflag:s12], $0x48  }
0x83: {  	p1 =	seq.s32 s29, $0x990;
	[sflag:s12] =	ssyncset.done $0x0  }
.Ltmp2:
0x84: {  	[sflag:s12] =	ssyncadd.s32 $0xFFFFFFB8;
	(pc) =	sbr.rel @p1 .LBB2_4-.Ltmp2, $4  }
0x85: {  	_ =	swait.ge [sflag:s13], $0x2400  }
0x86: {  	[sflag:s13] =	ssyncset.done $0x0  }
0x87: {  	[sflag:s13] =	ssyncadd.s32 $0xFFFFDC00  }
0x88: {  	[spmem:s2] =	stream.indirect.scatter.add.f32 [tilespmem:s0], [sflag:$0x7], $0x80, s9, s8, $0xb8;
	[tilespmem:$0x15EC0] =	vst v63  }
0x89: {  	s30 =	sadd.s32 s29, s16  }
0x8a: {  	[tilespmem:s4], [sflag:$0x1] =	stream.linear.gather [hbm4b:s30+s3], $0x48, $0x38;
	[tilespmem:$0x15EC0] =	vst v63  }
0x8b: {  	_ =	swait.ge [sflag:s14], $0x48  }
0x8c: {  	[sflag:s14] =	ssyncset.done $0x0  }
0x8d: {  	[sflag:s14] =	ssyncadd.s32 $0xFFFFFFB8  }
0x8e: {  	_ =	swait.ge [sflag:s7], $0x2400  }
.Ltmp3:
0x8f: {  	[sflag:s7] =	ssyncset.done $0x0;
	(pc) =	sbr.rel .LBB2_2-.Ltmp3, $4  }
0x90: {  	[sflag:s7] =	ssyncadd.s32 $0xFFFFDC00  }
0x91: {  	[spmem:s2] =	stream.indirect.scatter.add.f32 [tilespmem:s0], [sflag:$0x8], $0x80, s11, s8, $0xb8;
	[tilespmem:$0x15EC0] =	vst v63  }
0x92: {  	s30 =	sadd.s32 s29, s15;
	s29 =	sadd.s32 $0x24, s29  }
0x93: {  	[tilespmem:s5], [sflag:$0x2] =	stream.linear.gather [hbm4b:s30+s3], $0x48, $0x38;
	[tilespmem:$0x15EC0] =	vst v63  }
.LBB2_4:
0x94: {  	_ =	swait.ge [sflag:s14], $0x48  }
0x95: {  	[sflag:s14] =	ssyncset.done $0x0  }
0x96: {  	[sflag:s14] =	ssyncadd.s32 $0xFFFFFFB8  }
0x97: {  	_ =	swait.ge [sflag:s7], $0x2400  }
0x98: {  	[sflag:s7] =	ssyncset.done $0x0  }
0x99: {  	[sflag:s7] =	ssyncadd.s32 $0xFFFFDC00  }
0x9a: {  	[spmem:s2] =	stream.indirect.scatter.add.f32 [tilespmem:s0], [sflag:$0x8], $0x80, s11, s8, $0xb8;
	[tilespmem:$0x15EC0] =	vst v63  }
0x9b: {  	_ =	swait.ge [sflag:s23], $0x2400  }
0x9c: {  	[sflag:s23] =	ssyncset.done $0x0  }
0x9d: {  	[sflag:s23] =	ssyncadd.s32 $0xFFFFDC00  }
0x9e: {  	_ =	swait.ge [sflag:s24], $0x2400  }
0x9f: {  	[sflag:s24] =	ssyncset.done $0x0  }
0xa0: {  	[sflag:s24] =	ssyncadd.s32 $0xFFFFDC00  }
0xa1: {  	[bflag:$0x0] =	sbarrier.arrive $0xFFFF  }
0xa2: {  	[bflag:$0x0] =	sbarrier.arrive @p0 $0xFFFF  }
0xa3: {  	s29 =	rddreg [dreg:$0xe]  }
0xa4: {  	[hbm:s29], [sflag:s26] =	dma.local @!p0 [spmem:s28], $0x3E80  }
0xa5: {  	s29 =	simm.s32 @!p0 $0x9  }
0xa6: {  	_ =	swait.ge @!p0 [sflag:s29], $0x3E80  }
0xa7: {  	[sflag:s29] =	ssyncset.done @!p0 $0x0  }
0xa8: {  	[sflag:s29] =	ssyncadd.s32 @!p0 $0xFFFFC180  }
0xa9: {  	[bflag:$0x0] =	sbarrier.arrive @!p0 $0xFFFF  }
0xaa: {  	s30 =	rddreg [dreg:$0x8]  }
0xab: {  	[spmem:s28], [sflag:s26] =	dma.local @!p0 [hbm:s30], $0x3E80  }
0xac: {  	_ =	swait.ge @!p0 [sflag:s29], $0x3E80  }
0xad: {  	[sflag:s29] =	ssyncset.done @!p0 $0x0  }
0xae: {  	[sflag:s29] =	ssyncadd.s32 @!p0 $0xFFFFC180  }
0xaf: {  	[bflag:$0x0] =	sbarrier.arrive $0xFFFF  }
0xb0: {  	s29 =	simm.s32 $0x0;
	s30 =	rddreg [dreg:$0x11]  }
0xb1: {  	[tilespmem:s4], [sflag:$0x1] =	stream.linear.gather [hbm4b:s30+s29], $0x48, $0x38;
	[tilespmem:$0x15EC0] =	vst v63  }
0xb2: {  	s30 =	rddreg [dreg:$0x9]  }
0xb3: {  	[tilespmem:s5], [sflag:$0x2] =	stream.linear.gather [hbm4b:s30+s29], $0x48, $0x38;
	[tilespmem:$0x15EC0] =	vst v63  }
0xb4: {  	_ =	swait.ge [sflag:s6], $0x48  }
0xb5: {  	[sflag:s6] =	ssyncset.done $0x0  }
0xb6: {  	[sflag:s6] =	ssyncadd.s32 $0xFFFFFFB8  }
0xb7: {  	[spmem:s2] =	stream.indirect.scatter.add.f32 [tilespmem:s0], [sflag:$0x5], $0x80, s4, s8, $0xb8;
	[tilespmem:$0x15EC0] =	vst v63  }
0xb8: {  	s30 =	rddreg [dreg:$0x14]  }
0xb9: {  	[tilespmem:s9], [sflag:$0x3] =	stream.linear.gather [hbm4b:s30+s29], $0x48, $0x38;
	[tilespmem:$0x15EC0] =	vst v63  }
0xba: {  	_ =	swait.ge [sflag:s10], $0x48  }
0xbb: {  	[sflag:s10] =	ssyncset.done $0x0  }
0xbc: {  	[sflag:s10] =	ssyncadd.s32 $0xFFFFFFB8  }
0xbd: {  	[spmem:s2] =	stream.indirect.scatter.add.f32 [tilespmem:s0], [sflag:$0x6], $0x80, s5, s8, $0xb8;
	[tilespmem:$0x15EC0] =	vst v63  }
0xbe: {  	s30 =	rddreg [dreg:$0xc]  }
0xbf: {  	[tilespmem:s11], [sflag:$0x4] =	stream.linear.gather [hbm4b:s30+s29], $0x48, $0x38;
	[tilespmem:$0x15EC0] =	vst v63  }
0xc0: {  	_ =	swait.ge [sflag:s12], $0x48  }
0xc1: {  	[sflag:s12] =	ssyncset.done $0x0  }
0xc2: {  	[sflag:s12] =	ssyncadd.s32 $0xFFFFFFB8  }
0xc3: {  	_ =	swait.ge [sflag:s13], $0x2400  }
0xc4: {  	[sflag:s13] =	ssyncset.done $0x0  }
0xc5: {  	[sflag:s13] =	ssyncadd.s32 $0xFFFFDC00  }
0xc6: {  	[spmem:s2] =	stream.indirect.scatter.add.f32 [tilespmem:s0], [sflag:$0x7], $0x80, s9, s8, $0xb8;
	[tilespmem:$0x15EC0] =	vst v63  }
0xc7: {  	s30 =	rddreg [dreg:$0x15]  }
0xc8: {  	[tilespmem:s4], [sflag:$0x1] =	stream.linear.gather [hbm4b:s30+s29], $0x48, $0x38;
	[tilespmem:$0x15EC0] =	vst v63  }
0xc9: {  	_ =	swait.ge [sflag:s14], $0x48  }
0xca: {  	[sflag:s14] =	ssyncset.done $0x0  }
0xcb: {  	[sflag:s14] =	ssyncadd.s32 $0xFFFFFFB8  }
0xcc: {  	_ =	swait.ge [sflag:s7], $0x2400  }
0xcd: {  	[sflag:s7] =	ssyncset.done $0x0  }
0xce: {  	[sflag:s7] =	ssyncadd.s32 $0xFFFFDC00  }
0xcf: {  	[spmem:s2] =	stream.indirect.scatter.add.f32 [tilespmem:s0], [sflag:$0x8], $0x80, s11, s8, $0xb8;
	[tilespmem:$0x15EC0] =	vst v63  }
0xd0: {  	s30 =	rddreg [dreg:$0xd]  }
0xd1: {  	[tilespmem:s5], [sflag:$0x2] =	stream.linear.gather [hbm4b:s30+s29], $0x48, $0x38;
	[tilespmem:$0x15EC0] =	vst v63  }
.LBB2_5:
0xd2: {  	_ =	swait.ge [sflag:s6], $0x48  }
0xd3: {  	[sflag:s6] =	ssyncset.done $0x0  }
0xd4: {  	[sflag:s6] =	ssyncadd.s32 $0xFFFFFFB8  }
0xd5: {  	_ =	swait.ge [sflag:s23], $0x2400  }
0xd6: {  	[sflag:s23] =	ssyncset.done $0x0  }
0xd7: {  	[sflag:s23] =	ssyncadd.s32 $0xFFFFDC00  }
0xd8: {  	[spmem:s2] =	stream.indirect.scatter.add.f32 [tilespmem:s0], [sflag:$0x5], $0x80, s4, s8, $0xb8;
	[tilespmem:$0x15EC0] =	vst v63  }
0xd9: {  	s30 =	sadd.s32 s29, s22  }
0xda: {  	[tilespmem:s9], [sflag:$0x3] =	stream.linear.gather [hbm4b:s30+s3], $0x48, $0x38;
	[tilespmem:$0x15EC0] =	vst v63  }
0xdb: {  	_ =	swait.ge [sflag:s10], $0x48  }
0xdc: {  	[sflag:s10] =	ssyncset.done $0x0  }
0xdd: {  	[sflag:s10] =	ssyncadd.s32 $0xFFFFFFB8  }
0xde: {  	_ =	swait.ge [sflag:s24], $0x2400  }
0xdf: {  	[sflag:s24] =	ssyncset.done $0x0  }
0xe0: {  	[sflag:s24] =	ssyncadd.s32 $0xFFFFDC00  }
0xe1: {  	[spmem:s2] =	stream.indirect.scatter.add.f32 [tilespmem:s0], [sflag:$0x6], $0x80, s5, s8, $0xb8;
	[tilespmem:$0x15EC0] =	vst v63  }
0xe2: {  	s30 =	sadd.s32 s29, s21  }
0xe3: {  	[tilespmem:s11], [sflag:$0x4] =	stream.linear.gather [hbm4b:s30+s3], $0x48, $0x38;
	[tilespmem:$0x15EC0] =	vst v63  }
0xe4: {  	_ =	swait.ge [sflag:s12], $0x48  }
0xe5: {  	p1 =	seq.s32 s29, $0x990;
	[sflag:s12] =	ssyncset.done $0x0  }
.Ltmp4:
0xe6: {  	[sflag:s12] =	ssyncadd.s32 $0xFFFFFFB8;
	(pc) =	sbr.rel @p1 .LBB2_7-.Ltmp4, $4  }
0xe7: {  	_ =	swait.ge [sflag:s13], $0x2400  }
0xe8: {  	[sflag:s13] =	ssyncset.done $0x0  }
0xe9: {  	[sflag:s13] =	ssyncadd.s32 $0xFFFFDC00  }
0xea: {  	[spmem:s2] =	stream.indirect.scatter.add.f32 [tilespmem:s0], [sflag:$0x7], $0x80, s9, s8, $0xb8;
	[tilespmem:$0x15EC0] =	vst v63  }
0xeb: {  	s30 =	sadd.s32 s29, s20  }
0xec: {  	[tilespmem:s4], [sflag:$0x1] =	stream.linear.gather [hbm4b:s30+s3], $0x48, $0x38;
	[tilespmem:$0x15EC0] =	vst v63  }
0xed: {  	_ =	swait.ge [sflag:s14], $0x48  }
0xee: {  	[sflag:s14] =	ssyncset.done $0x0  }
0xef: {  	[sflag:s14] =	ssyncadd.s32 $0xFFFFFFB8  }
0xf0: {  	_ =	swait.ge [sflag:s7], $0x2400  }
.Ltmp5:
0xf1: {  	[sflag:s7] =	ssyncset.done $0x0;
	(pc) =	sbr.rel .LBB2_5-.Ltmp5, $4  }
0xf2: {  	[sflag:s7] =	ssyncadd.s32 $0xFFFFDC00  }
0xf3: {  	[spmem:s2] =	stream.indirect.scatter.add.f32 [tilespmem:s0], [sflag:$0x8], $0x80, s11, s8, $0xb8;
	[tilespmem:$0x15EC0] =	vst v63  }
0xf4: {  	s30 =	sadd.s32 s29, s19;
	s29 =	sadd.s32 $0x24, s29  }
0xf5: {  	[tilespmem:s5], [sflag:$0x2] =	stream.linear.gather [hbm4b:s30+s3], $0x48, $0x38;
	[tilespmem:$0x15EC0] =	vst v63  }
.LBB2_8:
0xf6: {  	_ =	sfence.sel $0x180000  }
0xf7: {  	[bflag:$0x0] =	sbarrier.arrive $0xFFFF  }
0xf8: {  	_ =	strace $0x90000047  }
0xf9: {  	s0 =	stileid.u32;
	[bflag:$0x2] =	sbarrier.arrive $0xFFFF  }
0xfa: {  	p0 =	sne.s32 s0, $0x0;
	s0 =	rddreg [dreg:$0x3]  }
0xfb: {  	s0 =	sadd.s32 @!p0 $0x100000, s0  }
0xfc: {  	[sflag:s0] =	ssyncadd.tile.s32 @!p0 $0x1;
	_ =	shalt  }
.Lfunc_end2:
_tile_overlayer_lowered:
.L_overlay_start_2:
0xfd: {  	(tag) =	ssettag $0x2  }
0xfe: {  	s0 =	rddreg [dreg:$0x0];
	s2 =	stileid.u32  }
0xff: {  	s1 =	rddreg [dreg:$0x1];
	p0 =	sne.s32 s2, $0x0  }
0x100: {  	s3 =	rddreg [dreg:$0x2];
	[bflag:$0x3] =	sbarrier.arrive $0xFFFF;
	s2 =	simm.s32 @!p0 $0x1C09  }
0x101: {  	[timem:s3], [sflag:s2] =	dma.local @!p0 [hbm:s0], s1  }
0x102: {  	s0 =	simm.s32 @!p0 $0x9  }
0x103: {  	_ =	swait.ge @!p0 [sflag:s0], s1  }
0x104: {  	s1 =	ssub.s32 @!p0 $0x0, s1;
	[sflag:s0] =	ssyncset.done @!p0 $0x0  }
0x105: {  	[sflag:s0] =	ssyncadd.s32 @!p0 s1  }
0x106: {  	[bflag:$0x3] =	sbarrier.arrive $0xFFFF  }
0x107: {  	_ =	shalt  }

</sc_bundles>
